<compile_context>
chip_gen: v7x
topology: tpu7x:2x2x1
jax: 0.10.2.dev20260603
libtpu: 0.0.44.dev20260713+nightly
codegen_flags: <defaults>
</compile_context>

<pallas_src>
import functools

import jax
import jax.numpy as jnp
from jax import lax
from jax.experimental import pallas as pl
from jax.experimental.pallas import tpu as pltpu
from jax.experimental.pallas import tpu_sc as plsc

N = 10000
E = 320000
D = 128
DH = D // 2
NEG_SLOPE = 0.01

NC = 2
NS = 16
L = 16
NW = NC * NS
EP = E // NW
ES = E // NS
K = 80
NCHUNK = ES // K
NPAD = 10240
RPT = NPAD // NS
ZB = RPT // K
NBUF = 8
TAIL = NCHUNK - (NCHUNK // NBUF) * NBUF

_sc_mesh = plsc.VectorSubcoreMesh(core_axis_name="c", subcore_axis_name="s")


def _deg_body(src_hbm, dst_hbm, odeg_hbm, ideg_hbm, dstp_hbm,
              src_v, dst_v, dstp_v, odeg_v, ideg_v):
    wid = lax.axis_index("s") * NC + lax.axis_index("c")
    pltpu.sync_copy(src_hbm.at[wid], src_v)
    pltpu.sync_copy(dst_hbm.at[wid], dst_v)

    zero16 = jnp.zeros((L,), jnp.float32)

    def zero_body(i, carry):
        odeg_v[pl.ds(i * L, L)] = zero16
        ideg_v[pl.ds(i * L, L)] = zero16
        return carry

    lax.fori_loop(0, N // L, zero_body, 0)

    ones16 = jnp.ones((L,), jnp.float32)
    trash16 = jnp.full((L,), N, jnp.int32)

    def body(i, carry):
        s16 = src_v[pl.ds(i * L, L)]
        d16 = dst_v[pl.ds(i * L, L)]
        m = s16 != d16
        plsc.addupdate_scatter(odeg_v, [s16], ones16, mask=m)
        plsc.addupdate_scatter(ideg_v, [d16], ones16, mask=m)
        dstp_v[pl.ds(i * L, L)] = jnp.where(m, d16, trash16)
        return carry

    lax.fori_loop(0, EP // L, body, 0)

    pltpu.sync_copy(odeg_v, odeg_hbm.at[wid])
    pltpu.sync_copy(ideg_v, ideg_hbm.at[wid])
    pltpu.sync_copy(dstp_v, dstp_hbm.at[wid])


_deg_call = functools.partial(
    pl.kernel,
    out_type=(
        jax.ShapeDtypeStruct((NW, N), jnp.float32),
        jax.ShapeDtypeStruct((NW, N), jnp.float32),
        jax.ShapeDtypeStruct((NW, EP), jnp.int32),
    ),
    mesh=_sc_mesh,
    scratch_types=[
        pltpu.VMEM((EP,), jnp.int32),
        pltpu.VMEM((EP,), jnp.int32),
        pltpu.VMEM((EP,), jnp.int32),
        pltpu.VMEM((N,), jnp.float32),
        pltpu.VMEM((N,), jnp.float32),
    ],
    compiler_params=pltpu.CompilerParams(needs_layout_passes=False),
)(_deg_body)


def _spmm_body(msg_hbm, srcr_hbm, dstr_hbm, out_hbm, sidx_v, didx_v, *rest):
    cid = lax.axis_index("c")
    sid = lax.axis_index("s")
    bufs = rest[:NBUF]
    accum_sh = rest[NBUF]
    gsems = rest[NBUF + 1:2 * NBUF + 1]
    ssems = rest[2 * NBUF + 1:]
    r0 = bufs[0]
    mhalf = msg_hbm.at[cid]

    pltpu.sync_copy(srcr_hbm.at[sid], sidx_v)
    pltpu.sync_copy(dstr_hbm.at[sid], didx_v)

    @pl.when(sid < NS - 1)
    def _():
        pltpu.sync_copy(mhalf.at[pl.ds(sid * RPT, RPT)],
                        accum_sh.at[pl.ds(sid * RPT, RPT)])

    @pl.when(sid == NS - 1)
    def _():
        pltpu.sync_copy(mhalf.at[pl.ds((NS - 1) * RPT, N - (NS - 1) * RPT)],
                        accum_sh.at[pl.ds((NS - 1) * RPT, N - (NS - 1) * RPT)])

    plsc.subcore_barrier()

    H = NBUF // 2
    for b in range(H):
        pltpu.async_copy(mhalf.at[sidx_v.at[b]], bufs[b], gsems[b])

    def outer(o, carry):
        for b in range(NBUF):
            j = o * NBUF + b
            b2 = (b + H) % NBUF
            pltpu.make_async_copy(mhalf.at[sidx_v.at[j]], bufs[b],
                                  gsems[b]).wait()
            pltpu.async_copy(bufs[b], accum_sh.at[didx_v.at[j]], ssems[b],
                             add=True)

            @pl.when(j >= H)
            def _():
                pltpu.make_async_copy(bufs[b2], accum_sh.at[didx_v.at[j - H]],
                                      ssems[b2]).wait()

            @pl.when(j + H < NCHUNK)
            def _():
                pltpu.async_copy(mhalf.at[sidx_v.at[j + H]], bufs[b2],
                                 gsems[b2])
        return carry

    lax.fori_loop(0, NCHUNK // NBUF, outer, 0)
    for t in range(TAIL):
        j = NCHUNK - TAIL + t
        b = j % NBUF
        b2 = (b + H) % NBUF
        pltpu.make_async_copy(mhalf.at[sidx_v.at[j]], bufs[b],
                              gsems[b]).wait()
        pltpu.async_copy(bufs[b], accum_sh.at[didx_v.at[j]], ssems[b],
                         add=True)
        pltpu.make_async_copy(bufs[b2], accum_sh.at[didx_v.at[j - H]],
                              ssems[b2]).wait()
        if j + H < NCHUNK:
            pltpu.async_copy(mhalf.at[sidx_v.at[j + H]], bufs[b2], gsems[b2])
    for t in range(H):
        j = NCHUNK - H + t
        b = j % NBUF
        pltpu.make_async_copy(bufs[b], accum_sh.at[didx_v.at[j]],
                              ssems[b]).wait()
    plsc.subcore_barrier()

    pltpu.sync_copy(accum_sh.at[pl.ds(sid * RPT, RPT)], out_hbm.at[cid, sid])


_spmm_call = functools.partial(
    pl.kernel,
    out_type=jax.ShapeDtypeStruct((NC, NS, RPT, DH), jnp.float32),
    mesh=_sc_mesh,
    scratch_types=[
        pltpu.VMEM((NCHUNK, K), jnp.int32),
        pltpu.VMEM((NCHUNK, K), jnp.int32),
    ] + [pltpu.VMEM((K, DH), jnp.float32)] * NBUF + [
        pltpu.VMEM_SHARED((NPAD, DH), jnp.float32),
    ] + [pltpu.SemaphoreType.DMA] * (2 * NBUF),
    compiler_params=pltpu.CompilerParams(use_tc_tiling_on_sc=False),
)(_spmm_body)


def _prep_body(odeg_ref, ideg_ref, nsrc_ref, ndst_ref):
    od = jnp.sum(odeg_ref[...], axis=0, keepdims=True) + 1.0
    idg = jnp.sum(ideg_ref[...], axis=0, keepdims=True) + 1.0
    nsrc_ref[...] = lax.rsqrt(od)
    ndst_ref[...] = lax.rsqrt(idg)


def _prep(odeg_p, ideg_p):
    return pl.pallas_call(
        _prep_body,
        out_shape=(
            jax.ShapeDtypeStruct((1, N), jnp.float32),
            jax.ShapeDtypeStruct((1, N), jnp.float32),
        ),
    )(odeg_p, ideg_p)


BLK = 1000
GRID = N // BLK


def _scale_body(x_ref, s_ref, o_ref):
    y = x_ref[...] * s_ref[...]
    o_ref[0] = y[:, :DH]
    o_ref[1] = y[:, DH:]


def _scale(x, s_col):
    return pl.pallas_call(
        _scale_body,
        grid=(GRID,),
        in_specs=[
            pl.BlockSpec((BLK, D), lambda i: (i, 0)),
            pl.BlockSpec((BLK, 1), lambda i: (i, 0)),
        ],
        out_specs=pl.BlockSpec((2, BLK, DH), lambda i: (0, i, 0)),
        out_shape=jax.ShapeDtypeStruct((2, N, DH), jnp.float32),
    )(x, s_col)


def _layer_body(split_out, p0_ref, p1_ref, ndst_ref, s_ref,
                w_ref, b_ref, o_ref):
    t = jnp.concatenate([p0_ref[0], p1_ref[0]], axis=1) * ndst_ref[...]
    h = jnp.dot(t, w_ref[...], preferred_element_type=jnp.float32) + b_ref[...]
    y = jnp.where(h >= 0.0, h, h * NEG_SLOPE)
    y = y * s_ref[...]
    if split_out:
        o_ref[0] = y[:, :DH]
        o_ref[1] = y[:, DH:]
    else:
        o_ref[...] = y


def _layer(partials, ndst_col, s_col, w, b_row, split_out):
    if split_out:
        out_spec = pl.BlockSpec((2, BLK, DH), lambda i: (0, i, 0))
        out_shape = jax.ShapeDtypeStruct((2, N, DH), jnp.float32)
    else:
        out_spec = pl.BlockSpec((BLK, D), lambda i: (i, 0))
        out_shape = jax.ShapeDtypeStruct((N, D), jnp.float32)
    return pl.pallas_call(
        functools.partial(_layer_body, split_out),
        grid=(GRID,),
        in_specs=[
            pl.BlockSpec((1, BLK, DH), lambda i: (0, i, 0)),
            pl.BlockSpec((1, BLK, DH), lambda i: (1, i, 0)),
            pl.BlockSpec((BLK, 1), lambda i: (i, 0)),
            pl.BlockSpec((BLK, 1), lambda i: (i, 0)),
            pl.BlockSpec((D, D), lambda i: (0, 0)),
            pl.BlockSpec((1, D), lambda i: (0, 0)),
        ],
        out_specs=out_spec,
        out_shape=out_shape,
    )(partials, partials, ndst_col, s_col, w, b_row)


def kernel(in_feat, edge_index, W0, b0, W1, b1):
    src = edge_index[0]
    dst = edge_index[1]

    odeg_p, ideg_p, dstp = _deg_call(src.reshape(NW, EP), dst.reshape(NW, EP))
    nsrc_r, ndst_r = _prep(odeg_p, ideg_p)
    nsrc_c = nsrc_r.reshape(N, 1)
    ndst_c = ndst_r.reshape(N, 1)
    ones_c = jnp.ones((N, 1), jnp.float32)

    msg0 = _scale(in_feat, nsrc_c)

    srcr = src.reshape(NS, NCHUNK, K)
    dstr = dstp.reshape(NS, NCHUNK, K)

    part0 = _spmm_call(msg0, srcr, dstr).reshape(NC, NPAD, DH)
    msg1 = _layer(part0, ndst_c, nsrc_c, W0.astype(jnp.float32),
                  b0.reshape(1, D), split_out=True)
    part1 = _spmm_call(msg1, srcr, dstr).reshape(NC, NPAD, DH)
    out = _layer(part1, ndst_c, ones_c, W1.astype(jnp.float32),
                 b1.reshape(1, D), split_out=False)
    return out

# --- scband reference (transcript-rebuilt; emitter-appended) ---
"""Pipeline reference for scband-gcn-28827820491150 (READ-ONLY COPY).

The authoritative reference and input builder live on the scoring server;
editing this copy changes nothing except your own understanding.
"""

import jax, jax.numpy as jnp
import numpy as np

N = 10000
E = 320000
D = 128
NUM_LAYERS = 2
NEG_SLOPE = 0.01  # nn.LeakyReLU default


def setup_inputs(seed: int = 0) -> dict:
    key = jax.random.key(seed)
    k1, k2, k3, k4 = jax.random.split(key, 4)
    in_feat = jax.random.normal(k1, (N, D), dtype=jnp.float32)
    # edge_index[0]=src, edge_index[1]=dst (int32 to avoid x64 requirement; values < N)
    edge_index = jax.random.randint(k2, (2, E), 0, N, dtype=jnp.int32)
    # GraphConv params: xavier-uniform weight, zero bias (DGL defaults)
    bound = float(np.sqrt(6.0 / (D + D)))
    W0 = jax.random.uniform(k3, (D, D), minval=-bound, maxval=bound, dtype=jnp.float32)
    W1 = jax.random.uniform(k4, (D, D), minval=-bound, maxval=bound, dtype=jnp.float32)
    b0 = jnp.zeros((D,), dtype=jnp.float32)
    b1 = jnp.zeros((D,), dtype=jnp.float32)
    return {"in_feat": in_feat, "edge_index": edge_index, "W0": W0, "b0": b0, "W1": W1, "b1": b1}


def reference(in_feat, edge_index, W0, b0, W1, b1):
    # Eval-mode forward: Dropout and DropEdge are identity at inference.
    # Each layer: remove_self_loop -> add_self_loop -> GraphConv(norm='both') -> LeakyReLU.
    # Self-loop handling: mask out any existing self edges, add exactly one analytic
    # self loop per node (contributes +1 to in/out degree and an identity message).
    src = edge_index[0]
    dst = edge_index[1]
    not_self = (src != dst).astype(jnp.float32)
    out_deg = jnp.zeros((N,), jnp.float32).at[src].add(not_self) + 1.0
    in_deg = jnp.zeros((N,), jnp.float32).at[dst].add(not_self) + 1.0
    norm_src = jax.lax.rsqrt(out_deg)
    norm_dst = jax.lax.rsqrt(in_deg)
    x = in_feat
    for (W, b) in ((W0, b0), (W1, b1)):
        msg = x * norm_src[:, None]
        # scatter-add aggregation over non-self edges + self-loop contribution
        agg = jnp.zeros_like(x).at[dst].add(msg[src] * not_self[:, None]) + msg
        h = agg * norm_dst[:, None]
        h = h @ W + b
        x = jax.nn.leaky_relu(h, negative_slope=NEG_SLOPE)
    return x

if __name__ == "__main__":
    import jax
    _d = setup_inputs()
    print(jax.jit(kernel)(*tuple(_d.values())))

</pallas_src>

<mosaic_0001>
#map = affine_map<(d0, d1) -> (0, 0, 0)>
#map1 = affine_map<(d0, d1) -> (0, 0, 0, 0)>
module attributes {stable_mosaic.version = 14 : i64} {
  func.func @_spmm_body(%arg0: i32, %arg1: i32, %arg2: memref<2x10000x64xf32, #tpu.memory_space<hbm>>, %arg3: memref<16x250x80xi32, #tpu.memory_space<hbm>>, %arg4: memref<16x250x80xi32, #tpu.memory_space<hbm>>, %arg5: memref<2x16x640x64xf32, #tpu.memory_space<hbm>>, %arg6: memref<250x80xi32, #tpu.memory_space<vmem>>, %arg7: memref<250x80xi32, #tpu.memory_space<vmem>>, %arg8: memref<80x64xf32, #tpu.memory_space<vmem>>, %arg9: memref<80x64xf32, #tpu.memory_space<vmem>>, %arg10: memref<80x64xf32, #tpu.memory_space<vmem>>, %arg11: memref<80x64xf32, #tpu.memory_space<vmem>>, %arg12: memref<80x64xf32, #tpu.memory_space<vmem>>, %arg13: memref<80x64xf32, #tpu.memory_space<vmem>>, %arg14: memref<80x64xf32, #tpu.memory_space<vmem>>, %arg15: memref<80x64xf32, #tpu.memory_space<vmem>>, %arg16: memref<10240x64xf32, #tpu.memory_space<vmem_shared>>, %arg17: memref<!tpu.dma_semaphore, #tpu.memory_space<semaphore_mem>>, %arg18: memref<!tpu.dma_semaphore, #tpu.memory_space<semaphore_mem>>, %arg19: memref<!tpu.dma_semaphore, #tpu.memory_space<semaphore_mem>>, %arg20: memref<!tpu.dma_semaphore, #tpu.memory_space<semaphore_mem>>, %arg21: memref<!tpu.dma_semaphore, #tpu.memory_space<semaphore_mem>>, %arg22: memref<!tpu.dma_semaphore, #tpu.memory_space<semaphore_mem>>, %arg23: memref<!tpu.dma_semaphore, #tpu.memory_space<semaphore_mem>>, %arg24: memref<!tpu.dma_semaphore, #tpu.memory_space<semaphore_mem>>, %arg25: memref<!tpu.dma_semaphore, #tpu.memory_space<semaphore_mem>>, %arg26: memref<!tpu.dma_semaphore, #tpu.memory_space<semaphore_mem>>, %arg27: memref<!tpu.dma_semaphore, #tpu.memory_space<semaphore_mem>>, %arg28: memref<!tpu.dma_semaphore, #tpu.memory_space<semaphore_mem>>, %arg29: memref<!tpu.dma_semaphore, #tpu.memory_space<semaphore_mem>>, %arg30: memref<!tpu.dma_semaphore, #tpu.memory_space<semaphore_mem>>, %arg31: memref<!tpu.dma_semaphore, #tpu.memory_space<semaphore_mem>>, %arg32: memref<!tpu.dma_semaphore, #tpu.memory_space<semaphore_mem>>) attributes {dimension_semantics = [#tpu.dimension_semantics<core_parallel>, #tpu.dimension_semantics<subcore_parallel>], iteration_bounds = array<i64: 2, 16>, scalar_prefetch = 0 : i64, scratch_operands = 27 : i64, tpu.core_type = #tpu.core_type<sc_vector_subcore>, window_params = [{transform_indices = #map}, {transform_indices = #map}, {transform_indices = #map}, {transform_indices = #map1}]} {
    "tpu.region"() ({
      %run_scoped3A = tpu.sem_alloc : memref<!tpu.dma_semaphore, #tpu.memory_space<semaphore_mem>>
      %dma_start3A_133 = arith.constant 0 : i32
      %dma_start3A_134 = arith.constant 0 : i32
      %dma_start3A_135 = tpu.memref_slice %arg3[%arg1, %dma_start3A_133, %dma_start3A_134] : memref<16x250x80xi32, #tpu.memory_space<hbm>> -> memref<1x250x80xi32, #tpu.memory_space<hbm>>
      %dma_start3A_136 = tpu.memref_squeeze %dma_start3A_135 : memref<1x250x80xi32, #tpu.memory_space<hbm>> -> memref<250x80xi32, #tpu.memory_space<hbm>>
      %dma_start3A_137 = arith.constant 0 : i32
      %dma_start3A_138 = arith.constant 0 : i32
      %dma_start3A_139 = tpu.memref_slice %arg3[%arg1, %dma_start3A_137, %dma_start3A_138] : memref<16x250x80xi32, #tpu.memory_space<hbm>> -> memref<1x250x80xi32, #tpu.memory_space<hbm>>
      %dma_start3A_140 = tpu.memref_squeeze %dma_start3A_139 : memref<1x250x80xi32, #tpu.memory_space<hbm>> -> memref<250x80xi32, #tpu.memory_space<hbm>>
      tpu.enqueue_dma source(%dma_start3A_140 : memref<250x80xi32, #tpu.memory_space<hbm>>) target(%arg6 : memref<250x80xi32, #tpu.memory_space<vmem>>) target_semaphore(%run_scoped3A : memref<!tpu.dma_semaphore, #tpu.memory_space<semaphore_mem>>)
      %dma_wait3A_141 = arith.constant 0 : i32
      %dma_wait3A_142 = arith.constant 0 : i32
      %dma_wait3A_143 = tpu.memref_slice %arg3[%arg1, %dma_wait3A_141, %dma_wait3A_142] : memref<16x250x80xi32, #tpu.memory_space<hbm>> -> memref<1x250x80xi32, #tpu.memory_space<hbm>>
      %dma_wait3A_144 = tpu.memref_squeeze %dma_wait3A_143 : memref<1x250x80xi32, #tpu.memory_space<hbm>> -> memref<250x80xi32, #tpu.memory_space<hbm>>
      %dma_wait3A_145 = arith.constant 0 : i32
      %dma_wait3A_146 = arith.constant 0 : i32
      %dma_wait3A_147 = tpu.memref_slice %arg3[%arg1, %dma_wait3A_145, %dma_wait3A_146] : memref<16x250x80xi32, #tpu.memory_space<hbm>> -> memref<1x250x80xi32, #tpu.memory_space<hbm>>
      %dma_wait3A_148 = tpu.memref_squeeze %dma_wait3A_147 : memref<1x250x80xi32, #tpu.memory_space<hbm>> -> memref<250x80xi32, #tpu.memory_space<hbm>>
      tpu.wait_dma2 semaphore(%run_scoped3A : memref<!tpu.dma_semaphore, #tpu.memory_space<semaphore_mem>>) src(%dma_wait3A_148 : memref<250x80xi32, #tpu.memory_space<hbm>>) dst(%arg6 : memref<250x80xi32, #tpu.memory_space<vmem>>)
      tpu.yield
    }) : () -> ()
    "tpu.region"() ({
      %run_scoped3A = tpu.sem_alloc : memref<!tpu.dma_semaphore, #tpu.memory_space<semaphore_mem>>
      %dma_start3A_133 = arith.constant 0 : i32
      %dma_start3A_134 = arith.constant 0 : i32
      %dma_start3A_135 = tpu.memref_slice %arg4[%arg1, %dma_start3A_133, %dma_start3A_134] : memref<16x250x80xi32, #tpu.memory_space<hbm>> -> memref<1x250x80xi32, #tpu.memory_space<hbm>>
      %dma_start3A_136 = tpu.memref_squeeze %dma_start3A_135 : memref<1x250x80xi32, #tpu.memory_space<hbm>> -> memref<250x80xi32, #tpu.memory_space<hbm>>
      %dma_start3A_137 = arith.constant 0 : i32
      %dma_start3A_138 = arith.constant 0 : i32
      %dma_start3A_139 = tpu.memref_slice %arg4[%arg1, %dma_start3A_137, %dma_start3A_138] : memref<16x250x80xi32, #tpu.memory_space<hbm>> -> memref<1x250x80xi32, #tpu.memory_space<hbm>>
      %dma_start3A_140 = tpu.memref_squeeze %dma_start3A_139 : memref<1x250x80xi32, #tpu.memory_space<hbm>> -> memref<250x80xi32, #tpu.memory_space<hbm>>
      tpu.enqueue_dma source(%dma_start3A_140 : memref<250x80xi32, #tpu.memory_space<hbm>>) target(%arg7 : memref<250x80xi32, #tpu.memory_space<vmem>>) target_semaphore(%run_scoped3A : memref<!tpu.dma_semaphore, #tpu.memory_space<semaphore_mem>>)
      %dma_wait3A_141 = arith.constant 0 : i32
      %dma_wait3A_142 = arith.constant 0 : i32
      %dma_wait3A_143 = tpu.memref_slice %arg4[%arg1, %dma_wait3A_141, %dma_wait3A_142] : memref<16x250x80xi32, #tpu.memory_space<hbm>> -> memref<1x250x80xi32, #tpu.memory_space<hbm>>
      %dma_wait3A_144 = tpu.memref_squeeze %dma_wait3A_143 : memref<1x250x80xi32, #tpu.memory_space<hbm>> -> memref<250x80xi32, #tpu.memory_space<hbm>>
      %dma_wait3A_145 = arith.constant 0 : i32
      %dma_wait3A_146 = arith.constant 0 : i32
      %dma_wait3A_147 = tpu.memref_slice %arg4[%arg1, %dma_wait3A_145, %dma_wait3A_146] : memref<16x250x80xi32, #tpu.memory_space<hbm>> -> memref<1x250x80xi32, #tpu.memory_space<hbm>>
      %dma_wait3A_148 = tpu.memref_squeeze %dma_wait3A_147 : memref<1x250x80xi32, #tpu.memory_space<hbm>> -> memref<250x80xi32, #tpu.memory_space<hbm>>
      tpu.wait_dma2 semaphore(%run_scoped3A : memref<!tpu.dma_semaphore, #tpu.memory_space<semaphore_mem>>) src(%dma_wait3A_148 : memref<250x80xi32, #tpu.memory_space<hbm>>) dst(%arg7 : memref<250x80xi32, #tpu.memory_space<vmem>>)
      tpu.yield
    }) : () -> ()
    %lt3A = arith.constant 15 : i32
    %lt3A_0 = arith.cmpi slt, %arg1, %lt3A : i32
    %convert_element_type3A = arith.extui %lt3A_0 : i1 to i32
    %cond3A = arith.constant 0 : i32
    %cond3A_1 = arith.cmpi ne, %convert_element_type3A, %cond3A : i32
    scf.if %cond3A_1 {
      %mul3A_133 = arith.constant 640 : i32
      %mul3A_134 = arith.muli %arg1, %mul3A_133 : i32
      %mul3A_135 = arith.constant 640 : i32
      %mul3A_136 = arith.muli %arg1, %mul3A_135 : i32
      "tpu.region"() ({
        %run_scoped3A = tpu.sem_alloc : memref<!tpu.dma_semaphore, #tpu.memory_space<semaphore_mem>>
        %dma_start3A_137 = arith.constant 0 : i32
        %dma_start3A_138 = tpu.memref_slice %arg16[%mul3A_136, %dma_start3A_137] : memref<10240x64xf32, #tpu.memory_space<vmem_shared>> -> memref<640x64xf32, #tpu.memory_space<vmem_shared>>
        %dma_start3A_139 = arith.constant 0 : i32
        %dma_start3A_140 = arith.constant 0 : i32
        %dma_start3A_141 = tpu.memref_slice %arg2[%arg0, %dma_start3A_139, %dma_start3A_140] : memref<2x10000x64xf32, #tpu.memory_space<hbm>> -> memref<1x10000x64xf32, #tpu.memory_space<hbm>>
        %dma_start3A_142 = tpu.memref_squeeze %dma_start3A_141 : memref<1x10000x64xf32, #tpu.memory_space<hbm>> -> memref<10000x64xf32, #tpu.memory_space<hbm>>
        %dma_start3A_143 = arith.constant 0 : i32
        %dma_start3A_144 = tpu.memref_slice %dma_start3A_142[%mul3A_134, %dma_start3A_143] : memref<10000x64xf32, #tpu.memory_space<hbm>> -> memref<640x64xf32, #tpu.memory_space<hbm>>
        tpu.enqueue_dma source(%dma_start3A_144 : memref<640x64xf32, #tpu.memory_space<hbm>>) target(%dma_start3A_138 : memref<640x64xf32, #tpu.memory_space<vmem_shared>>) target_semaphore(%run_scoped3A : memref<!tpu.dma_semaphore, #tpu.memory_space<semaphore_mem>>)
        %dma_wait3A_145 = arith.constant 0 : i32
        %dma_wait3A_146 = tpu.memref_slice %arg16[%mul3A_136, %dma_wait3A_145] : memref<10240x64xf32, #tpu.memory_space<vmem_shared>> -> memref<640x64xf32, #tpu.memory_space<vmem_shared>>
        %dma_wait3A_147 = arith.constant 0 : i32
        %dma_wait3A_148 = arith.constant 0 : i32
        %dma_wait3A_149 = tpu.memref_slice %arg2[%arg0, %dma_wait3A_147, %dma_wait3A_148] : memref<2x10000x64xf32, #tpu.memory_space<hbm>> -> memref<1x10000x64xf32, #tpu.memory_space<hbm>>
        %dma_wait3A_150 = tpu.memref_squeeze %dma_wait3A_149 : memref<1x10000x64xf32, #tpu.memory_space<hbm>> -> memref<10000x64xf32, #tpu.memory_space<hbm>>
        %dma_wait3A_151 = arith.constant 0 : i32
        %dma_wait3A_152 = tpu.memref_slice %dma_wait3A_150[%mul3A_134, %dma_wait3A_151] : memref<10000x64xf32, #tpu.memory_space<hbm>> -> memref<640x64xf32, #tpu.memory_space<hbm>>
        tpu.wait_dma2 semaphore(%run_scoped3A : memref<!tpu.dma_semaphore, #tpu.memory_space<semaphore_mem>>) src(%dma_wait3A_152 : memref<640x64xf32, #tpu.memory_space<hbm>>) dst(%dma_wait3A_146 : memref<640x64xf32, #tpu.memory_space<vmem_shared>>)
        tpu.yield
      }) : () -> ()
    } else {
    }
    %eq3A = arith.constant 15 : i32
    %eq3A_2 = arith.cmpi eq, %arg1, %eq3A : i32
    %convert_element_type3A_3 = arith.extui %eq3A_2 : i1 to i32
    %cond3A_4 = arith.constant 0 : i32
    %cond3A_5 = arith.cmpi ne, %convert_element_type3A_3, %cond3A_4 : i32
    scf.if %cond3A_5 {
      "tpu.region"() ({
        %run_scoped3A = tpu.sem_alloc : memref<!tpu.dma_semaphore, #tpu.memory_space<semaphore_mem>>
        %dma_start3A_133 = arith.constant 9600 : i32
        %dma_start3A_134 = arith.constant 0 : i32
        %dma_start3A_135 = tpu.memref_slice %arg16[%dma_start3A_133, %dma_start3A_134] : memref<10240x64xf32, #tpu.memory_space<vmem_shared>> -> memref<400x64xf32, #tpu.memory_space<vmem_shared>>
        %dma_start3A_136 = arith.constant 0 : i32
        %dma_start3A_137 = arith.constant 0 : i32
        %dma_start3A_138 = tpu.memref_slice %arg2[%arg0, %dma_start3A_136, %dma_start3A_137] : memref<2x10000x64xf32, #tpu.memory_space<hbm>> -> memref<1x10000x64xf32, #tpu.memory_space<hbm>>
        %dma_start3A_139 = tpu.memref_squeeze %dma_start3A_138 : memref<1x10000x64xf32, #tpu.memory_space<hbm>> -> memref<10000x64xf32, #tpu.memory_space<hbm>>
        %dma_start3A_140 = arith.constant 9600 : i32
        %dma_start3A_141 = arith.constant 0 : i32
        %dma_start3A_142 = tpu.memref_slice %dma_start3A_139[%dma_start3A_140, %dma_start3A_141] : memref<10000x64xf32, #tpu.memory_space<hbm>> -> memref<400x64xf32, #tpu.memory_space<hbm>>
        tpu.enqueue_dma source(%dma_start3A_142 : memref<400x64xf32, #tpu.memory_space<hbm>>) target(%dma_start3A_135 : memref<400x64xf32, #tpu.memory_space<vmem_shared>>) target_semaphore(%run_scoped3A : memref<!tpu.dma_semaphore, #tpu.memory_space<semaphore_mem>>)
        %dma_wait3A_143 = arith.constant 9600 : i32
        %dma_wait3A_144 = arith.constant 0 : i32
        %dma_wait3A_145 = tpu.memref_slice %arg16[%dma_wait3A_143, %dma_wait3A_144] : memref<10240x64xf32, #tpu.memory_space<vmem_shared>> -> memref<400x64xf32, #tpu.memory_space<vmem_shared>>
        %dma_wait3A_146 = arith.constant 0 : i32
        %dma_wait3A_147 = arith.constant 0 : i32
        %dma_wait3A_148 = tpu.memref_slice %arg2[%arg0, %dma_wait3A_146, %dma_wait3A_147] : memref<2x10000x64xf32, #tpu.memory_space<hbm>> -> memref<1x10000x64xf32, #tpu.memory_space<hbm>>
        %dma_wait3A_149 = tpu.memref_squeeze %dma_wait3A_148 : memref<1x10000x64xf32, #tpu.memory_space<hbm>> -> memref<10000x64xf32, #tpu.memory_space<hbm>>
        %dma_wait3A_150 = arith.constant 9600 : i32
        %dma_wait3A_151 = arith.constant 0 : i32
        %dma_wait3A_152 = tpu.memref_slice %dma_wait3A_149[%dma_wait3A_150, %dma_wait3A_151] : memref<10000x64xf32, #tpu.memory_space<hbm>> -> memref<400x64xf32, #tpu.memory_space<hbm>>
        tpu.wait_dma2 semaphore(%run_scoped3A : memref<!tpu.dma_semaphore, #tpu.memory_space<semaphore_mem>>) src(%dma_wait3A_152 : memref<400x64xf32, #tpu.memory_space<hbm>>) dst(%dma_wait3A_145 : memref<400x64xf32, #tpu.memory_space<vmem_shared>>)
        tpu.yield
      }) : () -> ()
    } else {
    }
    %barrier3A = arith.constant 0 : index
    tpu.barrier barrier_id(%barrier3A)
    %dma_start3A = arith.constant 0 : i32
    %dma_start3A_6 = arith.constant 0 : i32
    %dma_start3A_7 = tpu.memref_slice %arg6[%dma_start3A, %dma_start3A_6] : memref<250x80xi32, #tpu.memory_space<vmem>> -> memref<1x80xi32, #tpu.memory_space<vmem>>
    %dma_start3A_8 = tpu.memref_squeeze %dma_start3A_7 : memref<1x80xi32, #tpu.memory_space<vmem>> -> memref<80xi32, #tpu.memory_space<vmem>>
    %dma_start3A_9 = arith.constant 0 : i32
    %dma_start3A_10 = arith.constant 0 : i32
    %dma_start3A_11 = tpu.memref_slice %arg2[%arg0, %dma_start3A_9, %dma_start3A_10] : memref<2x10000x64xf32, #tpu.memory_space<hbm>> -> memref<1x10000x64xf32, #tpu.memory_space<hbm>>
    %dma_start3A_12 = tpu.memref_squeeze %dma_start3A_11 : memref<1x10000x64xf32, #tpu.memory_space<hbm>> -> memref<10000x64xf32, #tpu.memory_space<hbm>>
    %dma_start3A_13 = arith.constant 0 : i32
    %dma_start3A_14 = arith.constant 0 : i32
    %dma_start3A_15 = tpu.memref_slice %dma_start3A_12[%dma_start3A_13, %dma_start3A_14] : memref<10000x64xf32, #tpu.memory_space<hbm>> -> memref<10000x64xf32, #tpu.memory_space<hbm>>
    tpu.enqueue_indirect_dma source(%dma_start3A_15 : memref<10000x64xf32, #tpu.memory_space<hbm>>) target(%arg8 : memref<80x64xf32, #tpu.memory_space<vmem>>) offsets(%dma_start3A_8 : memref<80xi32, #tpu.memory_space<vmem>>) semaphore(%arg17 : memref<!tpu.dma_semaphore, #tpu.memory_space<semaphore_mem>>)
    %dma_start3A_16 = arith.constant 1 : i32
    %dma_start3A_17 = arith.constant 0 : i32
    %dma_start3A_18 = tpu.memref_slice %arg6[%dma_start3A_16, %dma_start3A_17] : memref<250x80xi32, #tpu.memory_space<vmem>> -> memref<1x80xi32, #tpu.memory_space<vmem>>
    %dma_start3A_19 = tpu.memref_squeeze %dma_start3A_18 : memref<1x80xi32, #tpu.memory_space<vmem>> -> memref<80xi32, #tpu.memory_space<vmem>>
    %dma_start3A_20 = arith.constant 0 : i32
    %dma_start3A_21 = arith.constant 0 : i32
    %dma_start3A_22 = tpu.memref_slice %arg2[%arg0, %dma_start3A_20, %dma_start3A_21] : memref<2x10000x64xf32, #tpu.memory_space<hbm>> -> memref<1x10000x64xf32, #tpu.memory_space<hbm>>
    %dma_start3A_23 = tpu.memref_squeeze %dma_start3A_22 : memref<1x10000x64xf32, #tpu.memory_space<hbm>> -> memref<10000x64xf32, #tpu.memory_space<hbm>>
    %dma_start3A_24 = arith.constant 0 : i32
    %dma_start3A_25 = arith.constant 0 : i32
    %dma_start3A_26 = tpu.memref_slice %dma_start3A_23[%dma_start3A_24, %dma_start3A_25] : memref<10000x64xf32, #tpu.memory_space<hbm>> -> memref<10000x64xf32, #tpu.memory_space<hbm>>
    tpu.enqueue_indirect_dma source(%dma_start3A_26 : memref<10000x64xf32, #tpu.memory_space<hbm>>) target(%arg9 : memref<80x64xf32, #tpu.memory_space<vmem>>) offsets(%dma_start3A_19 : memref<80xi32, #tpu.memory_space<vmem>>) semaphore(%arg18 : memref<!tpu.dma_semaphore, #tpu.memory_space<semaphore_mem>>)
    %dma_start3A_27 = arith.constant 2 : i32
    %dma_start3A_28 = arith.constant 0 : i32
    %dma_start3A_29 = tpu.memref_slice %arg6[%dma_start3A_27, %dma_start3A_28] : memref<250x80xi32, #tpu.memory_space<vmem>> -> memref<1x80xi32, #tpu.memory_space<vmem>>
    %dma_start3A_30 = tpu.memref_squeeze %dma_start3A_29 : memref<1x80xi32, #tpu.memory_space<vmem>> -> memref<80xi32, #tpu.memory_space<vmem>>
    %dma_start3A_31 = arith.constant 0 : i32
    %dma_start3A_32 = arith.constant 0 : i32
    %dma_start3A_33 = tpu.memref_slice %arg2[%arg0, %dma_start3A_31, %dma_start3A_32] : memref<2x10000x64xf32, #tpu.memory_space<hbm>> -> memref<1x10000x64xf32, #tpu.memory_space<hbm>>
    %dma_start3A_34 = tpu.memref_squeeze %dma_start3A_33 : memref<1x10000x64xf32, #tpu.memory_space<hbm>> -> memref<10000x64xf32, #tpu.memory_space<hbm>>
    %dma_start3A_35 = arith.constant 0 : i32
    %dma_start3A_36 = arith.constant 0 : i32
    %dma_start3A_37 = tpu.memref_slice %dma_start3A_34[%dma_start3A_35, %dma_start3A_36] : memref<10000x64xf32, #tpu.memory_space<hbm>> -> memref<10000x64xf32, #tpu.memory_space<hbm>>
    tpu.enqueue_indirect_dma source(%dma_start3A_37 : memref<10000x64xf32, #tpu.memory_space<hbm>>) target(%arg10 : memref<80x64xf32, #tpu.memory_space<vmem>>) offsets(%dma_start3A_30 : memref<80xi32, #tpu.memory_space<vmem>>) semaphore(%arg19 : memref<!tpu.dma_semaphore, #tpu.memory_space<semaphore_mem>>)
    %dma_start3A_38 = arith.constant 3 : i32
    %dma_start3A_39 = arith.constant 0 : i32
    %dma_start3A_40 = tpu.memref_slice %arg6[%dma_start3A_38, %dma_start3A_39] : memref<250x80xi32, #tpu.memory_space<vmem>> -> memref<1x80xi32, #tpu.memory_space<vmem>>
    %dma_start3A_41 = tpu.memref_squeeze %dma_start3A_40 : memref<1x80xi32, #tpu.memory_space<vmem>> -> memref<80xi32, #tpu.memory_space<vmem>>
    %dma_start3A_42 = arith.constant 0 : i32
    %dma_start3A_43 = arith.constant 0 : i32
    %dma_start3A_44 = tpu.memref_slice %arg2[%arg0, %dma_start3A_42, %dma_start3A_43] : memref<2x10000x64xf32, #tpu.memory_space<hbm>> -> memref<1x10000x64xf32, #tpu.memory_space<hbm>>
    %dma_start3A_45 = tpu.memref_squeeze %dma_start3A_44 : memref<1x10000x64xf32, #tpu.memory_space<hbm>> -> memref<10000x64xf32, #tpu.memory_space<hbm>>
    %dma_start3A_46 = arith.constant 0 : i32
    %dma_start3A_47 = arith.constant 0 : i32
    %dma_start3A_48 = tpu.memref_slice %dma_start3A_45[%dma_start3A_46, %dma_start3A_47] : memref<10000x64xf32, #tpu.memory_space<hbm>> -> memref<10000x64xf32, #tpu.memory_space<hbm>>
    tpu.enqueue_indirect_dma source(%dma_start3A_48 : memref<10000x64xf32, #tpu.memory_space<hbm>>) target(%arg11 : memref<80x64xf32, #tpu.memory_space<vmem>>) offsets(%dma_start3A_41 : memref<80xi32, #tpu.memory_space<vmem>>) semaphore(%arg20 : memref<!tpu.dma_semaphore, #tpu.memory_space<semaphore_mem>>)
    %scan3A = arith.constant 0 : i32
    %scan3A_49 = arith.constant 0 : i32
    %scan3A_50 = arith.constant 31 : i32
    %scan3A_51 = arith.addi %scan3A_49, %scan3A_50 : i32
    %scan3A_52 = arith.constant 1 : i32
    scf.for %scan3A_133 = %scan3A_49 to %scan3A_51 step %scan3A_52  : i32 {
      %mul3A_134 = arith.constant 8 : i32
      %mul3A_135 = arith.muli %scan3A_133, %mul3A_134 : i32
      %add3A = arith.constant 0 : i32
      %add3A_136 = arith.addi %mul3A_135, %add3A : i32
      %dma_wait3A_137 = arith.constant 0 : i32
      %dma_wait3A_138 = tpu.memref_slice %arg6[%add3A_136, %dma_wait3A_137] : memref<250x80xi32, #tpu.memory_space<vmem>> -> memref<1x80xi32, #tpu.memory_space<vmem>>
      %dma_wait3A_139 = tpu.memref_squeeze %dma_wait3A_138 : memref<1x80xi32, #tpu.memory_space<vmem>> -> memref<80xi32, #tpu.memory_space<vmem>>
      %dma_wait3A_140 = arith.constant 0 : i32
      %dma_wait3A_141 = arith.constant 0 : i32
      %dma_wait3A_142 = tpu.memref_slice %arg2[%arg0, %dma_wait3A_140, %dma_wait3A_141] : memref<2x10000x64xf32, #tpu.memory_space<hbm>> -> memref<1x10000x64xf32, #tpu.memory_space<hbm>>
      %dma_wait3A_143 = tpu.memref_squeeze %dma_wait3A_142 : memref<1x10000x64xf32, #tpu.memory_space<hbm>> -> memref<10000x64xf32, #tpu.memory_space<hbm>>
      %dma_wait3A_144 = arith.constant 0 : i32
      %dma_wait3A_145 = arith.constant 0 : i32
      %dma_wait3A_146 = tpu.memref_slice %dma_wait3A_143[%dma_wait3A_144, %dma_wait3A_145] : memref<10000x64xf32, #tpu.memory_space<hbm>> -> memref<10000x64xf32, #tpu.memory_space<hbm>>
      tpu.wait_indirect_dma semaphore(%arg17 : memref<!tpu.dma_semaphore, #tpu.memory_space<semaphore_mem>>) src(%dma_wait3A_146 : memref<10000x64xf32, #tpu.memory_space<hbm>>) dst(%arg8 : memref<80x64xf32, #tpu.memory_space<vmem>>)
      %dma_start3A_147 = arith.constant 0 : i32
      %dma_start3A_148 = tpu.memref_slice %arg7[%add3A_136, %dma_start3A_147] : memref<250x80xi32, #tpu.memory_space<vmem>> -> memref<1x80xi32, #tpu.memory_space<vmem>>
      %dma_start3A_149 = tpu.memref_squeeze %dma_start3A_148 : memref<1x80xi32, #tpu.memory_space<vmem>> -> memref<80xi32, #tpu.memory_space<vmem>>
      %dma_start3A_150 = arith.constant 0 : i32
      %dma_start3A_151 = arith.constant 0 : i32
      %dma_start3A_152 = tpu.memref_slice %arg16[%dma_start3A_150, %dma_start3A_151] : memref<10240x64xf32, #tpu.memory_space<vmem_shared>> -> memref<10240x64xf32, #tpu.memory_space<vmem_shared>>
      tpu.enqueue_indirect_dma source(%arg8 : memref<80x64xf32, #tpu.memory_space<vmem>>) target(%dma_start3A_152 : memref<10240x64xf32, #tpu.memory_space<vmem_shared>>) offsets(%dma_start3A_149 : memref<80xi32, #tpu.memory_space<vmem>>) semaphore(%arg25 : memref<!tpu.dma_semaphore, #tpu.memory_space<semaphore_mem>>) {add = true}
      %ge3A = arith.constant 4 : i32
      %ge3A_153 = arith.cmpi sge, %add3A_136, %ge3A : i32
      %convert_element_type3A_154 = arith.extui %ge3A_153 : i1 to i32
      %cond3A_155 = arith.constant 0 : i32
      %cond3A_156 = arith.cmpi ne, %convert_element_type3A_154, %cond3A_155 : i32
      scf.if %cond3A_156 {
        %sub3A = arith.constant 4 : i32
        %sub3A_388 = arith.subi %add3A_136, %sub3A : i32
        %dma_wait3A_389 = arith.constant 0 : i32
        %dma_wait3A_390 = tpu.memref_slice %arg7[%sub3A_388, %dma_wait3A_389] : memref<250x80xi32, #tpu.memory_space<vmem>> -> memref<1x80xi32, #tpu.memory_space<vmem>>
        %dma_wait3A_391 = tpu.memref_squeeze %dma_wait3A_390 : memref<1x80xi32, #tpu.memory_space<vmem>> -> memref<80xi32, #tpu.memory_space<vmem>>
        %dma_wait3A_392 = arith.constant 0 : i32
        %dma_wait3A_393 = arith.constant 0 : i32
        %dma_wait3A_394 = tpu.memref_slice %arg16[%dma_wait3A_392, %dma_wait3A_393] : memref<10240x64xf32, #tpu.memory_space<vmem_shared>> -> memref<10240x64xf32, #tpu.memory_space<vmem_shared>>
        tpu.wait_indirect_dma semaphore(%arg29 : memref<!tpu.dma_semaphore, #tpu.memory_space<semaphore_mem>>) src(%arg12 : memref<80x64xf32, #tpu.memory_space<vmem>>) dst(%dma_wait3A_394 : memref<10240x64xf32, #tpu.memory_space<vmem_shared>>)
      } else {
      }
      %add3A_157 = arith.constant 4 : i32
      %add3A_158 = arith.addi %add3A_136, %add3A_157 : i32
      %lt3A_159 = arith.constant 250 : i32
      %lt3A_160 = arith.cmpi slt, %add3A_158, %lt3A_159 : i32
      %convert_element_type3A_161 = arith.extui %lt3A_160 : i1 to i32
      %cond3A_162 = arith.constant 0 : i32
      %cond3A_163 = arith.cmpi ne, %convert_element_type3A_161, %cond3A_162 : i32
      scf.if %cond3A_163 {
        %add3A_388 = arith.constant 4 : i32
        %add3A_389 = arith.addi %add3A_136, %add3A_388 : i32
        %dma_start3A_390 = arith.constant 0 : i32
        %dma_start3A_391 = tpu.memref_slice %arg6[%add3A_389, %dma_start3A_390] : memref<250x80xi32, #tpu.memory_space<vmem>> -> memref<1x80xi32, #tpu.memory_space<vmem>>
        %dma_start3A_392 = tpu.memref_squeeze %dma_start3A_391 : memref<1x80xi32, #tpu.memory_space<vmem>> -> memref<80xi32, #tpu.memory_space<vmem>>
        %dma_start3A_393 = arith.constant 0 : i32
        %dma_start3A_394 = arith.constant 0 : i32
        %dma_start3A_395 = tpu.memref_slice %arg2[%arg0, %dma_start3A_393, %dma_start3A_394] : memref<2x10000x64xf32, #tpu.memory_space<hbm>> -> memref<1x10000x64xf32, #tpu.memory_space<hbm>>
        %dma_start3A_396 = tpu.memref_squeeze %dma_start3A_395 : memref<1x10000x64xf32, #tpu.memory_space<hbm>> -> memref<10000x64xf32, #tpu.memory_space<hbm>>
        %dma_start3A_397 = arith.constant 0 : i32
        %dma_start3A_398 = arith.constant 0 : i32
        %dma_start3A_399 = tpu.memref_slice %dma_start3A_396[%dma_start3A_397, %dma_start3A_398] : memref<10000x64xf32, #tpu.memory_space<hbm>> -> memref<10000x64xf32, #tpu.memory_space<hbm>>
        tpu.enqueue_indirect_dma source(%dma_start3A_399 : memref<10000x64xf32, #tpu.memory_space<hbm>>) target(%arg12 : memref<80x64xf32, #tpu.memory_space<vmem>>) offsets(%dma_start3A_392 : memref<80xi32, #tpu.memory_space<vmem>>) semaphore(%arg21 : memref<!tpu.dma_semaphore, #tpu.memory_space<semaphore_mem>>)
      } else {
      }
      %mul3A_164 = arith.constant 8 : i32
      %mul3A_165 = arith.muli %scan3A_133, %mul3A_164 : i32
      %add3A_166 = arith.constant 1 : i32
      %add3A_167 = arith.addi %mul3A_165, %add3A_166 : i32
      %dma_wait3A_168 = arith.constant 0 : i32
      %dma_wait3A_169 = tpu.memref_slice %arg6[%add3A_167, %dma_wait3A_168] : memref<250x80xi32, #tpu.memory_space<vmem>> -> memref<1x80xi32, #tpu.memory_space<vmem>>
      %dma_wait3A_170 = tpu.memref_squeeze %dma_wait3A_169 : memref<1x80xi32, #tpu.memory_space<vmem>> -> memref<80xi32, #tpu.memory_space<vmem>>
      %dma_wait3A_171 = arith.constant 0 : i32
      %dma_wait3A_172 = arith.constant 0 : i32
      %dma_wait3A_173 = tpu.memref_slice %arg2[%arg0, %dma_wait3A_171, %dma_wait3A_172] : memref<2x10000x64xf32, #tpu.memory_space<hbm>> -> memref<1x10000x64xf32, #tpu.memory_space<hbm>>
      %dma_wait3A_174 = tpu.memref_squeeze %dma_wait3A_173 : memref<1x10000x64xf32, #tpu.memory_space<hbm>> -> memref<10000x64xf32, #tpu.memory_space<hbm>>
      %dma_wait3A_175 = arith.constant 0 : i32
      %dma_wait3A_176 = arith.constant 0 : i32
      %dma_wait3A_177 = tpu.memref_slice %dma_wait3A_174[%dma_wait3A_175, %dma_wait3A_176] : memref<10000x64xf32, #tpu.memory_space<hbm>> -> memref<10000x64xf32, #tpu.memory_space<hbm>>
      tpu.wait_indirect_dma semaphore(%arg18 : memref<!tpu.dma_semaphore, #tpu.memory_space<semaphore_mem>>) src(%dma_wait3A_177 : memref<10000x64xf32, #tpu.memory_space<hbm>>) dst(%arg9 : memref<80x64xf32, #tpu.memory_space<vmem>>)
      %dma_start3A_178 = arith.constant 0 : i32
      %dma_start3A_179 = tpu.memref_slice %arg7[%add3A_167, %dma_start3A_178] : memref<250x80xi32, #tpu.memory_space<vmem>> -> memref<1x80xi32, #tpu.memory_space<vmem>>
      %dma_start3A_180 = tpu.memref_squeeze %dma_start3A_179 : memref<1x80xi32, #tpu.memory_space<vmem>> -> memref<80xi32, #tpu.memory_space<vmem>>
      %dma_start3A_181 = arith.constant 0 : i32
      %dma_start3A_182 = arith.constant 0 : i32
      %dma_start3A_183 = tpu.memref_slice %arg16[%dma_start3A_181, %dma_start3A_182] : memref<10240x64xf32, #tpu.memory_space<vmem_shared>> -> memref<10240x64xf32, #tpu.memory_space<vmem_shared>>
      tpu.enqueue_indirect_dma source(%arg9 : memref<80x64xf32, #tpu.memory_space<vmem>>) target(%dma_start3A_183 : memref<10240x64xf32, #tpu.memory_space<vmem_shared>>) offsets(%dma_start3A_180 : memref<80xi32, #tpu.memory_space<vmem>>) semaphore(%arg26 : memref<!tpu.dma_semaphore, #tpu.memory_space<semaphore_mem>>) {add = true}
      %ge3A_184 = arith.constant 4 : i32
      %ge3A_185 = arith.cmpi sge, %add3A_167, %ge3A_184 : i32
      %convert_element_type3A_186 = arith.extui %ge3A_185 : i1 to i32
      %cond3A_187 = arith.constant 0 : i32
      %cond3A_188 = arith.cmpi ne, %convert_element_type3A_186, %cond3A_187 : i32
      scf.if %cond3A_188 {
        %sub3A = arith.constant 4 : i32
        %sub3A_388 = arith.subi %add3A_167, %sub3A : i32
        %dma_wait3A_389 = arith.constant 0 : i32
        %dma_wait3A_390 = tpu.memref_slice %arg7[%sub3A_388, %dma_wait3A_389] : memref<250x80xi32, #tpu.memory_space<vmem>> -> memref<1x80xi32, #tpu.memory_space<vmem>>
        %dma_wait3A_391 = tpu.memref_squeeze %dma_wait3A_390 : memref<1x80xi32, #tpu.memory_space<vmem>> -> memref<80xi32, #tpu.memory_space<vmem>>
        %dma_wait3A_392 = arith.constant 0 : i32
        %dma_wait3A_393 = arith.constant 0 : i32
        %dma_wait3A_394 = tpu.memref_slice %arg16[%dma_wait3A_392, %dma_wait3A_393] : memref<10240x64xf32, #tpu.memory_space<vmem_shared>> -> memref<10240x64xf32, #tpu.memory_space<vmem_shared>>
        tpu.wait_indirect_dma semaphore(%arg30 : memref<!tpu.dma_semaphore, #tpu.memory_space<semaphore_mem>>) src(%arg13 : memref<80x64xf32, #tpu.memory_space<vmem>>) dst(%dma_wait3A_394 : memref<10240x64xf32, #tpu.memory_space<vmem_shared>>)
      } else {
      }
      %add3A_189 = arith.constant 4 : i32
      %add3A_190 = arith.addi %add3A_167, %add3A_189 : i32
      %lt3A_191 = arith.constant 250 : i32
      %lt3A_192 = arith.cmpi slt, %add3A_190, %lt3A_191 : i32
      %convert_element_type3A_193 = arith.extui %lt3A_192 : i1 to i32
      %cond3A_194 = arith.constant 0 : i32
      %cond3A_195 = arith.cmpi ne, %convert_element_type3A_193, %cond3A_194 : i32
      scf.if %cond3A_195 {
        %add3A_388 = arith.constant 4 : i32
        %add3A_389 = arith.addi %add3A_167, %add3A_388 : i32
        %dma_start3A_390 = arith.constant 0 : i32
        %dma_start3A_391 = tpu.memref_slice %arg6[%add3A_389, %dma_start3A_390] : memref<250x80xi32, #tpu.memory_space<vmem>> -> memref<1x80xi32, #tpu.memory_space<vmem>>
        %dma_start3A_392 = tpu.memref_squeeze %dma_start3A_391 : memref<1x80xi32, #tpu.memory_space<vmem>> -> memref<80xi32, #tpu.memory_space<vmem>>
        %dma_start3A_393 = arith.constant 0 : i32
        %dma_start3A_394 = arith.constant 0 : i32
        %dma_start3A_395 = tpu.memref_slice %arg2[%arg0, %dma_start3A_393, %dma_start3A_394] : memref<2x10000x64xf32, #tpu.memory_space<hbm>> -> memref<1x10000x64xf32, #tpu.memory_space<hbm>>
        %dma_start3A_396 = tpu.memref_squeeze %dma_start3A_395 : memref<1x10000x64xf32, #tpu.memory_space<hbm>> -> memref<10000x64xf32, #tpu.memory_space<hbm>>
        %dma_start3A_397 = arith.constant 0 : i32
        %dma_start3A_398 = arith.constant 0 : i32
        %dma_start3A_399 = tpu.memref_slice %dma_start3A_396[%dma_start3A_397, %dma_start3A_398] : memref<10000x64xf32, #tpu.memory_space<hbm>> -> memref<10000x64xf32, #tpu.memory_space<hbm>>
        tpu.enqueue_indirect_dma source(%dma_start3A_399 : memref<10000x64xf32, #tpu.memory_space<hbm>>) target(%arg13 : memref<80x64xf32, #tpu.memory_space<vmem>>) offsets(%dma_start3A_392 : memref<80xi32, #tpu.memory_space<vmem>>) semaphore(%arg22 : memref<!tpu.dma_semaphore, #tpu.memory_space<semaphore_mem>>)
      } else {
      }
      %mul3A_196 = arith.constant 8 : i32
      %mul3A_197 = arith.muli %scan3A_133, %mul3A_196 : i32
      %add3A_198 = arith.constant 2 : i32
      %add3A_199 = arith.addi %mul3A_197, %add3A_198 : i32
      %dma_wait3A_200 = arith.constant 0 : i32
      %dma_wait3A_201 = tpu.memref_slice %arg6[%add3A_199, %dma_wait3A_200] : memref<250x80xi32, #tpu.memory_space<vmem>> -> memref<1x80xi32, #tpu.memory_space<vmem>>
      %dma_wait3A_202 = tpu.memref_squeeze %dma_wait3A_201 : memref<1x80xi32, #tpu.memory_space<vmem>> -> memref<80xi32, #tpu.memory_space<vmem>>
      %dma_wait3A_203 = arith.constant 0 : i32
      %dma_wait3A_204 = arith.constant 0 : i32
      %dma_wait3A_205 = tpu.memref_slice %arg2[%arg0, %dma_wait3A_203, %dma_wait3A_204] : memref<2x10000x64xf32, #tpu.memory_space<hbm>> -> memref<1x10000x64xf32, #tpu.memory_space<hbm>>
      %dma_wait3A_206 = tpu.memref_squeeze %dma_wait3A_205 : memref<1x10000x64xf32, #tpu.memory_space<hbm>> -> memref<10000x64xf32, #tpu.memory_space<hbm>>
      %dma_wait3A_207 = arith.constant 0 : i32
      %dma_wait3A_208 = arith.constant 0 : i32
      %dma_wait3A_209 = tpu.memref_slice %dma_wait3A_206[%dma_wait3A_207, %dma_wait3A_208] : memref<10000x64xf32, #tpu.memory_space<hbm>> -> memref<10000x64xf32, #tpu.memory_space<hbm>>
      tpu.wait_indirect_dma semaphore(%arg19 : memref<!tpu.dma_semaphore, #tpu.memory_space<semaphore_mem>>) src(%dma_wait3A_209 : memref<10000x64xf32, #tpu.memory_space<hbm>>) dst(%arg10 : memref<80x64xf32, #tpu.memory_space<vmem>>)
      %dma_start3A_210 = arith.constant 0 : i32
      %dma_start3A_211 = tpu.memref_slice %arg7[%add3A_199, %dma_start3A_210] : memref<250x80xi32, #tpu.memory_space<vmem>> -> memref<1x80xi32, #tpu.memory_space<vmem>>
      %dma_start3A_212 = tpu.memref_squeeze %dma_start3A_211 : memref<1x80xi32, #tpu.memory_space<vmem>> -> memref<80xi32, #tpu.memory_space<vmem>>
      %dma_start3A_213 = arith.constant 0 : i32
      %dma_start3A_214 = arith.constant 0 : i32
      %dma_start3A_215 = tpu.memref_slice %arg16[%dma_start3A_213, %dma_start3A_214] : memref<10240x64xf32, #tpu.memory_space<vmem_shared>> -> memref<10240x64xf32, #tpu.memory_space<vmem_shared>>
      tpu.enqueue_indirect_dma source(%arg10 : memref<80x64xf32, #tpu.memory_space<vmem>>) target(%dma_start3A_215 : memref<10240x64xf32, #tpu.memory_space<vmem_shared>>) offsets(%dma_start3A_212 : memref<80xi32, #tpu.memory_space<vmem>>) semaphore(%arg27 : memref<!tpu.dma_semaphore, #tpu.memory_space<semaphore_mem>>) {add = true}
      %ge3A_216 = arith.constant 4 : i32
      %ge3A_217 = arith.cmpi sge, %add3A_199, %ge3A_216 : i32
      %convert_element_type3A_218 = arith.extui %ge3A_217 : i1 to i32
      %cond3A_219 = arith.constant 0 : i32
      %cond3A_220 = arith.cmpi ne, %convert_element_type3A_218, %cond3A_219 : i32
      scf.if %cond3A_220 {
        %sub3A = arith.constant 4 : i32
        %sub3A_388 = arith.subi %add3A_199, %sub3A : i32
        %dma_wait3A_389 = arith.constant 0 : i32
        %dma_wait3A_390 = tpu.memref_slice %arg7[%sub3A_388, %dma_wait3A_389] : memref<250x80xi32, #tpu.memory_space<vmem>> -> memref<1x80xi32, #tpu.memory_space<vmem>>
        %dma_wait3A_391 = tpu.memref_squeeze %dma_wait3A_390 : memref<1x80xi32, #tpu.memory_space<vmem>> -> memref<80xi32, #tpu.memory_space<vmem>>
        %dma_wait3A_392 = arith.constant 0 : i32
        %dma_wait3A_393 = arith.constant 0 : i32
        %dma_wait3A_394 = tpu.memref_slice %arg16[%dma_wait3A_392, %dma_wait3A_393] : memref<10240x64xf32, #tpu.memory_space<vmem_shared>> -> memref<10240x64xf32, #tpu.memory_space<vmem_shared>>
        tpu.wait_indirect_dma semaphore(%arg31 : memref<!tpu.dma_semaphore, #tpu.memory_space<semaphore_mem>>) src(%arg14 : memref<80x64xf32, #tpu.memory_space<vmem>>) dst(%dma_wait3A_394 : memref<10240x64xf32, #tpu.memory_space<vmem_shared>>)
      } else {
      }
      %add3A_221 = arith.constant 4 : i32
      %add3A_222 = arith.addi %add3A_199, %add3A_221 : i32
      %lt3A_223 = arith.constant 250 : i32
      %lt3A_224 = arith.cmpi slt, %add3A_222, %lt3A_223 : i32
      %convert_element_type3A_225 = arith.extui %lt3A_224 : i1 to i32
      %cond3A_226 = arith.constant 0 : i32
      %cond3A_227 = arith.cmpi ne, %convert_element_type3A_225, %cond3A_226 : i32
      scf.if %cond3A_227 {
        %add3A_388 = arith.constant 4 : i32
        %add3A_389 = arith.addi %add3A_199, %add3A_388 : i32
        %dma_start3A_390 = arith.constant 0 : i32
        %dma_start3A_391 = tpu.memref_slice %arg6[%add3A_389, %dma_start3A_390] : memref<250x80xi32, #tpu.memory_space<vmem>> -> memref<1x80xi32, #tpu.memory_space<vmem>>
        %dma_start3A_392 = tpu.memref_squeeze %dma_start3A_391 : memref<1x80xi32, #tpu.memory_space<vmem>> -> memref<80xi32, #tpu.memory_space<vmem>>
        %dma_start3A_393 = arith.constant 0 : i32
        %dma_start3A_394 = arith.constant 0 : i32
        %dma_start3A_395 = tpu.memref_slice %arg2[%arg0, %dma_start3A_393, %dma_start3A_394] : memref<2x10000x64xf32, #tpu.memory_space<hbm>> -> memref<1x10000x64xf32, #tpu.memory_space<hbm>>
        %dma_start3A_396 = tpu.memref_squeeze %dma_start3A_395 : memref<1x10000x64xf32, #tpu.memory_space<hbm>> -> memref<10000x64xf32, #tpu.memory_space<hbm>>
        %dma_start3A_397 = arith.constant 0 : i32
        %dma_start3A_398 = arith.constant 0 : i32
        %dma_start3A_399 = tpu.memref_slice %dma_start3A_396[%dma_start3A_397, %dma_start3A_398] : memref<10000x64xf32, #tpu.memory_space<hbm>> -> memref<10000x64xf32, #tpu.memory_space<hbm>>
        tpu.enqueue_indirect_dma source(%dma_start3A_399 : memref<10000x64xf32, #tpu.memory_space<hbm>>) target(%arg14 : memref<80x64xf32, #tpu.memory_space<vmem>>) offsets(%dma_start3A_392 : memref<80xi32, #tpu.memory_space<vmem>>) semaphore(%arg23 : memref<!tpu.dma_semaphore, #tpu.memory_space<semaphore_mem>>)
      } else {
      }
      %mul3A_228 = arith.constant 8 : i32
      %mul3A_229 = arith.muli %scan3A_133, %mul3A_228 : i32
      %add3A_230 = arith.constant 3 : i32
      %add3A_231 = arith.addi %mul3A_229, %add3A_230 : i32
      %dma_wait3A_232 = arith.constant 0 : i32
      %dma_wait3A_233 = tpu.memref_slice %arg6[%add3A_231, %dma_wait3A_232] : memref<250x80xi32, #tpu.memory_space<vmem>> -> memref<1x80xi32, #tpu.memory_space<vmem>>
      %dma_wait3A_234 = tpu.memref_squeeze %dma_wait3A_233 : memref<1x80xi32, #tpu.memory_space<vmem>> -> memref<80xi32, #tpu.memory_space<vmem>>
      %dma_wait3A_235 = arith.constant 0 : i32
      %dma_wait3A_236 = arith.constant 0 : i32
      %dma_wait3A_237 = tpu.memref_slice %arg2[%arg0, %dma_wait3A_235, %dma_wait3A_236] : memref<2x10000x64xf32, #tpu.memory_space<hbm>> -> memref<1x10000x64xf32, #tpu.memory_space<hbm>>
      %dma_wait3A_238 = tpu.memref_squeeze %dma_wait3A_237 : memref<1x10000x64xf32, #tpu.memory_space<hbm>> -> memref<10000x64xf32, #tpu.memory_space<hbm>>
      %dma_wait3A_239 = arith.constant 0 : i32
      %dma_wait3A_240 = arith.constant 0 : i32
      %dma_wait3A_241 = tpu.memref_slice %dma_wait3A_238[%dma_wait3A_239, %dma_wait3A_240] : memref<10000x64xf32, #tpu.memory_space<hbm>> -> memref<10000x64xf32, #tpu.memory_space<hbm>>
      tpu.wait_indirect_dma semaphore(%arg20 : memref<!tpu.dma_semaphore, #tpu.memory_space<semaphore_mem>>) src(%dma_wait3A_241 : memref<10000x64xf32, #tpu.memory_space<hbm>>) dst(%arg11 : memref<80x64xf32, #tpu.memory_space<vmem>>)
      %dma_start3A_242 = arith.constant 0 : i32
      %dma_start3A_243 = tpu.memref_slice %arg7[%add3A_231, %dma_start3A_242] : memref<250x80xi32, #tpu.memory_space<vmem>> -> memref<1x80xi32, #tpu.memory_space<vmem>>
      %dma_start3A_244 = tpu.memref_squeeze %dma_start3A_243 : memref<1x80xi32, #tpu.memory_space<vmem>> -> memref<80xi32, #tpu.memory_space<vmem>>
      %dma_start3A_245 = arith.constant 0 : i32
      %dma_start3A_246 = arith.constant 0 : i32
      %dma_start3A_247 = tpu.memref_slice %arg16[%dma_start3A_245, %dma_start3A_246] : memref<10240x64xf32, #tpu.memory_space<vmem_shared>> -> memref<10240x64xf32, #tpu.memory_space<vmem_shared>>
      tpu.enqueue_indirect_dma source(%arg11 : memref<80x64xf32, #tpu.memory_space<vmem>>) target(%dma_start3A_247 : memref<10240x64xf32, #tpu.memory_space<vmem_shared>>) offsets(%dma_start3A_244 : memref<80xi32, #tpu.memory_space<vmem>>) semaphore(%arg28 : memref<!tpu.dma_semaphore, #tpu.memory_space<semaphore_mem>>) {add = true}
      %ge3A_248 = arith.constant 4 : i32
      %ge3A_249 = arith.cmpi sge, %add3A_231, %ge3A_248 : i32
      %convert_element_type3A_250 = arith.extui %ge3A_249 : i1 to i32
      %cond3A_251 = arith.constant 0 : i32
      %cond3A_252 = arith.cmpi ne, %convert_element_type3A_250, %cond3A_251 : i32
      scf.if %cond3A_252 {
        %sub3A = arith.constant 4 : i32
        %sub3A_388 = arith.subi %add3A_231, %sub3A : i32
        %dma_wait3A_389 = arith.constant 0 : i32
        %dma_wait3A_390 = tpu.memref_slice %arg7[%sub3A_388, %dma_wait3A_389] : memref<250x80xi32, #tpu.memory_space<vmem>> -> memref<1x80xi32, #tpu.memory_space<vmem>>
        %dma_wait3A_391 = tpu.memref_squeeze %dma_wait3A_390 : memref<1x80xi32, #tpu.memory_space<vmem>> -> memref<80xi32, #tpu.memory_space<vmem>>
        %dma_wait3A_392 = arith.constant 0 : i32
        %dma_wait3A_393 = arith.constant 0 : i32
        %dma_wait3A_394 = tpu.memref_slice %arg16[%dma_wait3A_392, %dma_wait3A_393] : memref<10240x64xf32, #tpu.memory_space<vmem_shared>> -> memref<10240x64xf32, #tpu.memory_space<vmem_shared>>
        tpu.wait_indirect_dma semaphore(%arg32 : memref<!tpu.dma_semaphore, #tpu.memory_space<semaphore_mem>>) src(%arg15 : memref<80x64xf32, #tpu.memory_space<vmem>>) dst(%dma_wait3A_394 : memref<10240x64xf32, #tpu.memory_space<vmem_shared>>)
      } else {
      }
      %add3A_253 = arith.constant 4 : i32
      %add3A_254 = arith.addi %add3A_231, %add3A_253 : i32
      %lt3A_255 = arith.constant 250 : i32
      %lt3A_256 = arith.cmpi slt, %add3A_254, %lt3A_255 : i32
      %convert_element_type3A_257 = arith.extui %lt3A_256 : i1 to i32
      %cond3A_258 = arith.constant 0 : i32
      %cond3A_259 = arith.cmpi ne, %convert_element_type3A_257, %cond3A_258 : i32
      scf.if %cond3A_259 {
        %add3A_388 = arith.constant 4 : i32
        %add3A_389 = arith.addi %add3A_231, %add3A_388 : i32
        %dma_start3A_390 = arith.constant 0 : i32
        %dma_start3A_391 = tpu.memref_slice %arg6[%add3A_389, %dma_start3A_390] : memref<250x80xi32, #tpu.memory_space<vmem>> -> memref<1x80xi32, #tpu.memory_space<vmem>>
        %dma_start3A_392 = tpu.memref_squeeze %dma_start3A_391 : memref<1x80xi32, #tpu.memory_space<vmem>> -> memref<80xi32, #tpu.memory_space<vmem>>
        %dma_start3A_393 = arith.constant 0 : i32
        %dma_start3A_394 = arith.constant 0 : i32
        %dma_start3A_395 = tpu.memref_slice %arg2[%arg0, %dma_start3A_393, %dma_start3A_394] : memref<2x10000x64xf32, #tpu.memory_space<hbm>> -> memref<1x10000x64xf32, #tpu.memory_space<hbm>>
        %dma_start3A_396 = tpu.memref_squeeze %dma_start3A_395 : memref<1x10000x64xf32, #tpu.memory_space<hbm>> -> memref<10000x64xf32, #tpu.memory_space<hbm>>
        %dma_start3A_397 = arith.constant 0 : i32
        %dma_start3A_398 = arith.constant 0 : i32
        %dma_start3A_399 = tpu.memref_slice %dma_start3A_396[%dma_start3A_397, %dma_start3A_398] : memref<10000x64xf32, #tpu.memory_space<hbm>> -> memref<10000x64xf32, #tpu.memory_space<hbm>>
        tpu.enqueue_indirect_dma source(%dma_start3A_399 : memref<10000x64xf32, #tpu.memory_space<hbm>>) target(%arg15 : memref<80x64xf32, #tpu.memory_space<vmem>>) offsets(%dma_start3A_392 : memref<80xi32, #tpu.memory_space<vmem>>) semaphore(%arg24 : memref<!tpu.dma_semaphore, #tpu.memory_space<semaphore_mem>>)
      } else {
      }
      %mul3A_260 = arith.constant 8 : i32
      %mul3A_261 = arith.muli %scan3A_133, %mul3A_260 : i32
      %add3A_262 = arith.constant 4 : i32
      %add3A_263 = arith.addi %mul3A_261, %add3A_262 : i32
      %dma_wait3A_264 = arith.constant 0 : i32
      %dma_wait3A_265 = tpu.memref_slice %arg6[%add3A_263, %dma_wait3A_264] : memref<250x80xi32, #tpu.memory_space<vmem>> -> memref<1x80xi32, #tpu.memory_space<vmem>>
      %dma_wait3A_266 = tpu.memref_squeeze %dma_wait3A_265 : memref<1x80xi32, #tpu.memory_space<vmem>> -> memref<80xi32, #tpu.memory_space<vmem>>
      %dma_wait3A_267 = arith.constant 0 : i32
      %dma_wait3A_268 = arith.constant 0 : i32
      %dma_wait3A_269 = tpu.memref_slice %arg2[%arg0, %dma_wait3A_267, %dma_wait3A_268] : memref<2x10000x64xf32, #tpu.memory_space<hbm>> -> memref<1x10000x64xf32, #tpu.memory_space<hbm>>
      %dma_wait3A_270 = tpu.memref_squeeze %dma_wait3A_269 : memref<1x10000x64xf32, #tpu.memory_space<hbm>> -> memref<10000x64xf32, #tpu.memory_space<hbm>>
      %dma_wait3A_271 = arith.constant 0 : i32
      %dma_wait3A_272 = arith.constant 0 : i32
      %dma_wait3A_273 = tpu.memref_slice %dma_wait3A_270[%dma_wait3A_271, %dma_wait3A_272] : memref<10000x64xf32, #tpu.memory_space<hbm>> -> memref<10000x64xf32, #tpu.memory_space<hbm>>
      tpu.wait_indirect_dma semaphore(%arg21 : memref<!tpu.dma_semaphore, #tpu.memory_space<semaphore_mem>>) src(%dma_wait3A_273 : memref<10000x64xf32, #tpu.memory_space<hbm>>) dst(%arg12 : memref<80x64xf32, #tpu.memory_space<vmem>>)
      %dma_start3A_274 = arith.constant 0 : i32
      %dma_start3A_275 = tpu.memref_slice %arg7[%add3A_263, %dma_start3A_274] : memref<250x80xi32, #tpu.memory_space<vmem>> -> memref<1x80xi32, #tpu.memory_space<vmem>>
      %dma_start3A_276 = tpu.memref_squeeze %dma_start3A_275 : memref<1x80xi32, #tpu.memory_space<vmem>> -> memref<80xi32, #tpu.memory_space<vmem>>
      %dma_start3A_277 = arith.constant 0 : i32
      %dma_start3A_278 = arith.constant 0 : i32
      %dma_start3A_279 = tpu.memref_slice %arg16[%dma_start3A_277, %dma_start3A_278] : memref<10240x64xf32, #tpu.memory_space<vmem_shared>> -> memref<10240x64xf32, #tpu.memory_space<vmem_shared>>
      tpu.enqueue_indirect_dma source(%arg12 : memref<80x64xf32, #tpu.memory_space<vmem>>) target(%dma_start3A_279 : memref<10240x64xf32, #tpu.memory_space<vmem_shared>>) offsets(%dma_start3A_276 : memref<80xi32, #tpu.memory_space<vmem>>) semaphore(%arg29 : memref<!tpu.dma_semaphore, #tpu.memory_space<semaphore_mem>>) {add = true}
      %ge3A_280 = arith.constant 4 : i32
      %ge3A_281 = arith.cmpi sge, %add3A_263, %ge3A_280 : i32
      %convert_element_type3A_282 = arith.extui %ge3A_281 : i1 to i32
      %cond3A_283 = arith.constant 0 : i32
      %cond3A_284 = arith.cmpi ne, %convert_element_type3A_282, %cond3A_283 : i32
      scf.if %cond3A_284 {
        %sub3A = arith.constant 4 : i32
        %sub3A_388 = arith.subi %add3A_263, %sub3A : i32
        %dma_wait3A_389 = arith.constant 0 : i32
        %dma_wait3A_390 = tpu.memref_slice %arg7[%sub3A_388, %dma_wait3A_389] : memref<250x80xi32, #tpu.memory_space<vmem>> -> memref<1x80xi32, #tpu.memory_space<vmem>>
        %dma_wait3A_391 = tpu.memref_squeeze %dma_wait3A_390 : memref<1x80xi32, #tpu.memory_space<vmem>> -> memref<80xi32, #tpu.memory_space<vmem>>
        %dma_wait3A_392 = arith.constant 0 : i32
        %dma_wait3A_393 = arith.constant 0 : i32
        %dma_wait3A_394 = tpu.memref_slice %arg16[%dma_wait3A_392, %dma_wait3A_393] : memref<10240x64xf32, #tpu.memory_space<vmem_shared>> -> memref<10240x64xf32, #tpu.memory_space<vmem_shared>>
        tpu.wait_indirect_dma semaphore(%arg25 : memref<!tpu.dma_semaphore, #tpu.memory_space<semaphore_mem>>) src(%arg8 : memref<80x64xf32, #tpu.memory_space<vmem>>) dst(%dma_wait3A_394 : memref<10240x64xf32, #tpu.memory_space<vmem_shared>>)
      } else {
      }
      %add3A_285 = arith.constant 4 : i32
      %add3A_286 = arith.addi %add3A_263, %add3A_285 : i32
      %lt3A_287 = arith.constant 250 : i32
      %lt3A_288 = arith.cmpi slt, %add3A_286, %lt3A_287 : i32
      %convert_element_type3A_289 = arith.extui %lt3A_288 : i1 to i32
      %cond3A_290 = arith.constant 0 : i32
      %cond3A_291 = arith.cmpi ne, %convert_element_type3A_289, %cond3A_290 : i32
      scf.if %cond3A_291 {
        %add3A_388 = arith.constant 4 : i32
        %add3A_389 = arith.addi %add3A_263, %add3A_388 : i32
        %dma_start3A_390 = arith.constant 0 : i32
        %dma_start3A_391 = tpu.memref_slice %arg6[%add3A_389, %dma_start3A_390] : memref<250x80xi32, #tpu.memory_space<vmem>> -> memref<1x80xi32, #tpu.memory_space<vmem>>
        %dma_start3A_392 = tpu.memref_squeeze %dma_start3A_391 : memref<1x80xi32, #tpu.memory_space<vmem>> -> memref<80xi32, #tpu.memory_space<vmem>>
        %dma_start3A_393 = arith.constant 0 : i32
        %dma_start3A_394 = arith.constant 0 : i32
        %dma_start3A_395 = tpu.memref_slice %arg2[%arg0, %dma_start3A_393, %dma_start3A_394] : memref<2x10000x64xf32, #tpu.memory_space<hbm>> -> memref<1x10000x64xf32, #tpu.memory_space<hbm>>
        %dma_start3A_396 = tpu.memref_squeeze %dma_start3A_395 : memref<1x10000x64xf32, #tpu.memory_space<hbm>> -> memref<10000x64xf32, #tpu.memory_space<hbm>>
        %dma_start3A_397 = arith.constant 0 : i32
        %dma_start3A_398 = arith.constant 0 : i32
        %dma_start3A_399 = tpu.memref_slice %dma_start3A_396[%dma_start3A_397, %dma_start3A_398] : memref<10000x64xf32, #tpu.memory_space<hbm>> -> memref<10000x64xf32, #tpu.memory_space<hbm>>
        tpu.enqueue_indirect_dma source(%dma_start3A_399 : memref<10000x64xf32, #tpu.memory_space<hbm>>) target(%arg8 : memref<80x64xf32, #tpu.memory_space<vmem>>) offsets(%dma_start3A_392 : memref<80xi32, #tpu.memory_space<vmem>>) semaphore(%arg17 : memref<!tpu.dma_semaphore, #tpu.memory_space<semaphore_mem>>)
      } else {
      }
      %mul3A_292 = arith.constant 8 : i32
      %mul3A_293 = arith.muli %scan3A_133, %mul3A_292 : i32
      %add3A_294 = arith.constant 5 : i32
      %add3A_295 = arith.addi %mul3A_293, %add3A_294 : i32
      %dma_wait3A_296 = arith.constant 0 : i32
      %dma_wait3A_297 = tpu.memref_slice %arg6[%add3A_295, %dma_wait3A_296] : memref<250x80xi32, #tpu.memory_space<vmem>> -> memref<1x80xi32, #tpu.memory_space<vmem>>
      %dma_wait3A_298 = tpu.memref_squeeze %dma_wait3A_297 : memref<1x80xi32, #tpu.memory_space<vmem>> -> memref<80xi32, #tpu.memory_space<vmem>>
      %dma_wait3A_299 = arith.constant 0 : i32
      %dma_wait3A_300 = arith.constant 0 : i32
      %dma_wait3A_301 = tpu.memref_slice %arg2[%arg0, %dma_wait3A_299, %dma_wait3A_300] : memref<2x10000x64xf32, #tpu.memory_space<hbm>> -> memref<1x10000x64xf32, #tpu.memory_space<hbm>>
      %dma_wait3A_302 = tpu.memref_squeeze %dma_wait3A_301 : memref<1x10000x64xf32, #tpu.memory_space<hbm>> -> memref<10000x64xf32, #tpu.memory_space<hbm>>
      %dma_wait3A_303 = arith.constant 0 : i32
      %dma_wait3A_304 = arith.constant 0 : i32
      %dma_wait3A_305 = tpu.memref_slice %dma_wait3A_302[%dma_wait3A_303, %dma_wait3A_304] : memref<10000x64xf32, #tpu.memory_space<hbm>> -> memref<10000x64xf32, #tpu.memory_space<hbm>>
      tpu.wait_indirect_dma semaphore(%arg22 : memref<!tpu.dma_semaphore, #tpu.memory_space<semaphore_mem>>) src(%dma_wait3A_305 : memref<10000x64xf32, #tpu.memory_space<hbm>>) dst(%arg13 : memref<80x64xf32, #tpu.memory_space<vmem>>)
      %dma_start3A_306 = arith.constant 0 : i32
      %dma_start3A_307 = tpu.memref_slice %arg7[%add3A_295, %dma_start3A_306] : memref<250x80xi32, #tpu.memory_space<vmem>> -> memref<1x80xi32, #tpu.memory_space<vmem>>
      %dma_start3A_308 = tpu.memref_squeeze %dma_start3A_307 : memref<1x80xi32, #tpu.memory_space<vmem>> -> memref<80xi32, #tpu.memory_space<vmem>>
      %dma_start3A_309 = arith.constant 0 : i32
      %dma_start3A_310 = arith.constant 0 : i32
      %dma_start3A_311 = tpu.memref_slice %arg16[%dma_start3A_309, %dma_start3A_310] : memref<10240x64xf32, #tpu.memory_space<vmem_shared>> -> memref<10240x64xf32, #tpu.memory_space<vmem_shared>>
      tpu.enqueue_indirect_dma source(%arg13 : memref<80x64xf32, #tpu.memory_space<vmem>>) target(%dma_start3A_311 : memref<10240x64xf32, #tpu.memory_space<vmem_shared>>) offsets(%dma_start3A_308 : memref<80xi32, #tpu.memory_space<vmem>>) semaphore(%arg30 : memref<!tpu.dma_semaphore, #tpu.memory_space<semaphore_mem>>) {add = true}
      %ge3A_312 = arith.constant 4 : i32
      %ge3A_313 = arith.cmpi sge, %add3A_295, %ge3A_312 : i32
      %convert_element_type3A_314 = arith.extui %ge3A_313 : i1 to i32
      %cond3A_315 = arith.constant 0 : i32
      %cond3A_316 = arith.cmpi ne, %convert_element_type3A_314, %cond3A_315 : i32
      scf.if %cond3A_316 {
        %sub3A = arith.constant 4 : i32
        %sub3A_388 = arith.subi %add3A_295, %sub3A : i32
        %dma_wait3A_389 = arith.constant 0 : i32
        %dma_wait3A_390 = tpu.memref_slice %arg7[%sub3A_388, %dma_wait3A_389] : memref<250x80xi32, #tpu.memory_space<vmem>> -> memref<1x80xi32, #tpu.memory_space<vmem>>
        %dma_wait3A_391 = tpu.memref_squeeze %dma_wait3A_390 : memref<1x80xi32, #tpu.memory_space<vmem>> -> memref<80xi32, #tpu.memory_space<vmem>>
        %dma_wait3A_392 = arith.constant 0 : i32
        %dma_wait3A_393 = arith.constant 0 : i32
        %dma_wait3A_394 = tpu.memref_slice %arg16[%dma_wait3A_392, %dma_wait3A_393] : memref<10240x64xf32, #tpu.memory_space<vmem_shared>> -> memref<10240x64xf32, #tpu.memory_space<vmem_shared>>
        tpu.wait_indirect_dma semaphore(%arg26 : memref<!tpu.dma_semaphore, #tpu.memory_space<semaphore_mem>>) src(%arg9 : memref<80x64xf32, #tpu.memory_space<vmem>>) dst(%dma_wait3A_394 : memref<10240x64xf32, #tpu.memory_space<vmem_shared>>)
      } else {
      }
      %add3A_317 = arith.constant 4 : i32
      %add3A_318 = arith.addi %add3A_295, %add3A_317 : i32
      %lt3A_319 = arith.constant 250 : i32
      %lt3A_320 = arith.cmpi slt, %add3A_318, %lt3A_319 : i32
      %convert_element_type3A_321 = arith.extui %lt3A_320 : i1 to i32
      %cond3A_322 = arith.constant 0 : i32
      %cond3A_323 = arith.cmpi ne, %convert_element_type3A_321, %cond3A_322 : i32
      scf.if %cond3A_323 {
        %add3A_388 = arith.constant 4 : i32
        %add3A_389 = arith.addi %add3A_295, %add3A_388 : i32
        %dma_start3A_390 = arith.constant 0 : i32
        %dma_start3A_391 = tpu.memref_slice %arg6[%add3A_389, %dma_start3A_390] : memref<250x80xi32, #tpu.memory_space<vmem>> -> memref<1x80xi32, #tpu.memory_space<vmem>>
        %dma_start3A_392 = tpu.memref_squeeze %dma_start3A_391 : memref<1x80xi32, #tpu.memory_space<vmem>> -> memref<80xi32, #tpu.memory_space<vmem>>
        %dma_start3A_393 = arith.constant 0 : i32
        %dma_start3A_394 = arith.constant 0 : i32
        %dma_start3A_395 = tpu.memref_slice %arg2[%arg0, %dma_start3A_393, %dma_start3A_394] : memref<2x10000x64xf32, #tpu.memory_space<hbm>> -> memref<1x10000x64xf32, #tpu.memory_space<hbm>>
        %dma_start3A_396 = tpu.memref_squeeze %dma_start3A_395 : memref<1x10000x64xf32, #tpu.memory_space<hbm>> -> memref<10000x64xf32, #tpu.memory_space<hbm>>
        %dma_start3A_397 = arith.constant 0 : i32
        %dma_start3A_398 = arith.constant 0 : i32
        %dma_start3A_399 = tpu.memref_slice %dma_start3A_396[%dma_start3A_397, %dma_start3A_398] : memref<10000x64xf32, #tpu.memory_space<hbm>> -> memref<10000x64xf32, #tpu.memory_space<hbm>>
        tpu.enqueue_indirect_dma source(%dma_start3A_399 : memref<10000x64xf32, #tpu.memory_space<hbm>>) target(%arg9 : memref<80x64xf32, #tpu.memory_space<vmem>>) offsets(%dma_start3A_392 : memref<80xi32, #tpu.memory_space<vmem>>) semaphore(%arg18 : memref<!tpu.dma_semaphore, #tpu.memory_space<semaphore_mem>>)
      } else {
      }
      %mul3A_324 = arith.constant 8 : i32
      %mul3A_325 = arith.muli %scan3A_133, %mul3A_324 : i32
      %add3A_326 = arith.constant 6 : i32
      %add3A_327 = arith.addi %mul3A_325, %add3A_326 : i32
      %dma_wait3A_328 = arith.constant 0 : i32
      %dma_wait3A_329 = tpu.memref_slice %arg6[%add3A_327, %dma_wait3A_328] : memref<250x80xi32, #tpu.memory_space<vmem>> -> memref<1x80xi32, #tpu.memory_space<vmem>>
      %dma_wait3A_330 = tpu.memref_squeeze %dma_wait3A_329 : memref<1x80xi32, #tpu.memory_space<vmem>> -> memref<80xi32, #tpu.memory_space<vmem>>
      %dma_wait3A_331 = arith.constant 0 : i32
      %dma_wait3A_332 = arith.constant 0 : i32
      %dma_wait3A_333 = tpu.memref_slice %arg2[%arg0, %dma_wait3A_331, %dma_wait3A_332] : memref<2x10000x64xf32, #tpu.memory_space<hbm>> -> memref<1x10000x64xf32, #tpu.memory_space<hbm>>
      %dma_wait3A_334 = tpu.memref_squeeze %dma_wait3A_333 : memref<1x10000x64xf32, #tpu.memory_space<hbm>> -> memref<10000x64xf32, #tpu.memory_space<hbm>>
      %dma_wait3A_335 = arith.constant 0 : i32
      %dma_wait3A_336 = arith.constant 0 : i32
      %dma_wait3A_337 = tpu.memref_slice %dma_wait3A_334[%dma_wait3A_335, %dma_wait3A_336] : memref<10000x64xf32, #tpu.memory_space<hbm>> -> memref<10000x64xf32, #tpu.memory_space<hbm>>
      tpu.wait_indirect_dma semaphore(%arg23 : memref<!tpu.dma_semaphore, #tpu.memory_space<semaphore_mem>>) src(%dma_wait3A_337 : memref<10000x64xf32, #tpu.memory_space<hbm>>) dst(%arg14 : memref<80x64xf32, #tpu.memory_space<vmem>>)
      %dma_start3A_338 = arith.constant 0 : i32
      %dma_start3A_339 = tpu.memref_slice %arg7[%add3A_327, %dma_start3A_338] : memref<250x80xi32, #tpu.memory_space<vmem>> -> memref<1x80xi32, #tpu.memory_space<vmem>>
      %dma_start3A_340 = tpu.memref_squeeze %dma_start3A_339 : memref<1x80xi32, #tpu.memory_space<vmem>> -> memref<80xi32, #tpu.memory_space<vmem>>
      %dma_start3A_341 = arith.constant 0 : i32
      %dma_start3A_342 = arith.constant 0 : i32
      %dma_start3A_343 = tpu.memref_slice %arg16[%dma_start3A_341, %dma_start3A_342] : memref<10240x64xf32, #tpu.memory_space<vmem_shared>> -> memref<10240x64xf32, #tpu.memory_space<vmem_shared>>
      tpu.enqueue_indirect_dma source(%arg14 : memref<80x64xf32, #tpu.memory_space<vmem>>) target(%dma_start3A_343 : memref<10240x64xf32, #tpu.memory_space<vmem_shared>>) offsets(%dma_start3A_340 : memref<80xi32, #tpu.memory_space<vmem>>) semaphore(%arg31 : memref<!tpu.dma_semaphore, #tpu.memory_space<semaphore_mem>>) {add = true}
      %ge3A_344 = arith.constant 4 : i32
      %ge3A_345 = arith.cmpi sge, %add3A_327, %ge3A_344 : i32
      %convert_element_type3A_346 = arith.extui %ge3A_345 : i1 to i32
      %cond3A_347 = arith.constant 0 : i32
      %cond3A_348 = arith.cmpi ne, %convert_element_type3A_346, %cond3A_347 : i32
      scf.if %cond3A_348 {
        %sub3A = arith.constant 4 : i32
        %sub3A_388 = arith.subi %add3A_327, %sub3A : i32
        %dma_wait3A_389 = arith.constant 0 : i32
        %dma_wait3A_390 = tpu.memref_slice %arg7[%sub3A_388, %dma_wait3A_389] : memref<250x80xi32, #tpu.memory_space<vmem>> -> memref<1x80xi32, #tpu.memory_space<vmem>>
        %dma_wait3A_391 = tpu.memref_squeeze %dma_wait3A_390 : memref<1x80xi32, #tpu.memory_space<vmem>> -> memref<80xi32, #tpu.memory_space<vmem>>
        %dma_wait3A_392 = arith.constant 0 : i32
        %dma_wait3A_393 = arith.constant 0 : i32
        %dma_wait3A_394 = tpu.memref_slice %arg16[%dma_wait3A_392, %dma_wait3A_393] : memref<10240x64xf32, #tpu.memory_space<vmem_shared>> -> memref<10240x64xf32, #tpu.memory_space<vmem_shared>>
        tpu.wait_indirect_dma semaphore(%arg27 : memref<!tpu.dma_semaphore, #tpu.memory_space<semaphore_mem>>) src(%arg10 : memref<80x64xf32, #tpu.memory_space<vmem>>) dst(%dma_wait3A_394 : memref<10240x64xf32, #tpu.memory_space<vmem_shared>>)
      } else {
      }
      %add3A_349 = arith.constant 4 : i32
      %add3A_350 = arith.addi %add3A_327, %add3A_349 : i32
      %lt3A_351 = arith.constant 250 : i32
      %lt3A_352 = arith.cmpi slt, %add3A_350, %lt3A_351 : i32
      %convert_element_type3A_353 = arith.extui %lt3A_352 : i1 to i32
      %cond3A_354 = arith.constant 0 : i32
      %cond3A_355 = arith.cmpi ne, %convert_element_type3A_353, %cond3A_354 : i32
      scf.if %cond3A_355 {
        %add3A_388 = arith.constant 4 : i32
        %add3A_389 = arith.addi %add3A_327, %add3A_388 : i32
        %dma_start3A_390 = arith.constant 0 : i32
        %dma_start3A_391 = tpu.memref_slice %arg6[%add3A_389, %dma_start3A_390] : memref<250x80xi32, #tpu.memory_space<vmem>> -> memref<1x80xi32, #tpu.memory_space<vmem>>
        %dma_start3A_392 = tpu.memref_squeeze %dma_start3A_391 : memref<1x80xi32, #tpu.memory_space<vmem>> -> memref<80xi32, #tpu.memory_space<vmem>>
        %dma_start3A_393 = arith.constant 0 : i32
        %dma_start3A_394 = arith.constant 0 : i32
        %dma_start3A_395 = tpu.memref_slice %arg2[%arg0, %dma_start3A_393, %dma_start3A_394] : memref<2x10000x64xf32, #tpu.memory_space<hbm>> -> memref<1x10000x64xf32, #tpu.memory_space<hbm>>
        %dma_start3A_396 = tpu.memref_squeeze %dma_start3A_395 : memref<1x10000x64xf32, #tpu.memory_space<hbm>> -> memref<10000x64xf32, #tpu.memory_space<hbm>>
        %dma_start3A_397 = arith.constant 0 : i32
        %dma_start3A_398 = arith.constant 0 : i32
        %dma_start3A_399 = tpu.memref_slice %dma_start3A_396[%dma_start3A_397, %dma_start3A_398] : memref<10000x64xf32, #tpu.memory_space<hbm>> -> memref<10000x64xf32, #tpu.memory_space<hbm>>
        tpu.enqueue_indirect_dma source(%dma_start3A_399 : memref<10000x64xf32, #tpu.memory_space<hbm>>) target(%arg10 : memref<80x64xf32, #tpu.memory_space<vmem>>) offsets(%dma_start3A_392 : memref<80xi32, #tpu.memory_space<vmem>>) semaphore(%arg19 : memref<!tpu.dma_semaphore, #tpu.memory_space<semaphore_mem>>)
      } else {
      }
      %mul3A_356 = arith.constant 8 : i32
      %mul3A_357 = arith.muli %scan3A_133, %mul3A_356 : i32
      %add3A_358 = arith.constant 7 : i32
      %add3A_359 = arith.addi %mul3A_357, %add3A_358 : i32
      %dma_wait3A_360 = arith.constant 0 : i32
      %dma_wait3A_361 = tpu.memref_slice %arg6[%add3A_359, %dma_wait3A_360] : memref<250x80xi32, #tpu.memory_space<vmem>> -> memref<1x80xi32, #tpu.memory_space<vmem>>
      %dma_wait3A_362 = tpu.memref_squeeze %dma_wait3A_361 : memref<1x80xi32, #tpu.memory_space<vmem>> -> memref<80xi32, #tpu.memory_space<vmem>>
      %dma_wait3A_363 = arith.constant 0 : i32
      %dma_wait3A_364 = arith.constant 0 : i32
      %dma_wait3A_365 = tpu.memref_slice %arg2[%arg0, %dma_wait3A_363, %dma_wait3A_364] : memref<2x10000x64xf32, #tpu.memory_space<hbm>> -> memref<1x10000x64xf32, #tpu.memory_space<hbm>>
      %dma_wait3A_366 = tpu.memref_squeeze %dma_wait3A_365 : memref<1x10000x64xf32, #tpu.memory_space<hbm>> -> memref<10000x64xf32, #tpu.memory_space<hbm>>
      %dma_wait3A_367 = arith.constant 0 : i32
      %dma_wait3A_368 = arith.constant 0 : i32
      %dma_wait3A_369 = tpu.memref_slice %dma_wait3A_366[%dma_wait3A_367, %dma_wait3A_368] : memref<10000x64xf32, #tpu.memory_space<hbm>> -> memref<10000x64xf32, #tpu.memory_space<hbm>>
      tpu.wait_indirect_dma semaphore(%arg24 : memref<!tpu.dma_semaphore, #tpu.memory_space<semaphore_mem>>) src(%dma_wait3A_369 : memref<10000x64xf32, #tpu.memory_space<hbm>>) dst(%arg15 : memref<80x64xf32, #tpu.memory_space<vmem>>)
      %dma_start3A_370 = arith.constant 0 : i32
      %dma_start3A_371 = tpu.memref_slice %arg7[%add3A_359, %dma_start3A_370] : memref<250x80xi32, #tpu.memory_space<vmem>> -> memref<1x80xi32, #tpu.memory_space<vmem>>
      %dma_start3A_372 = tpu.memref_squeeze %dma_start3A_371 : memref<1x80xi32, #tpu.memory_space<vmem>> -> memref<80xi32, #tpu.memory_space<vmem>>
      %dma_start3A_373 = arith.constant 0 : i32
      %dma_start3A_374 = arith.constant 0 : i32
      %dma_start3A_375 = tpu.memref_slice %arg16[%dma_start3A_373, %dma_start3A_374] : memref<10240x64xf32, #tpu.memory_space<vmem_shared>> -> memref<10240x64xf32, #tpu.memory_space<vmem_shared>>
      tpu.enqueue_indirect_dma source(%arg15 : memref<80x64xf32, #tpu.memory_space<vmem>>) target(%dma_start3A_375 : memref<10240x64xf32, #tpu.memory_space<vmem_shared>>) offsets(%dma_start3A_372 : memref<80xi32, #tpu.memory_space<vmem>>) semaphore(%arg32 : memref<!tpu.dma_semaphore, #tpu.memory_space<semaphore_mem>>) {add = true}
      %ge3A_376 = arith.constant 4 : i32
      %ge3A_377 = arith.cmpi sge, %add3A_359, %ge3A_376 : i32
      %convert_element_type3A_378 = arith.extui %ge3A_377 : i1 to i32
      %cond3A_379 = arith.constant 0 : i32
      %cond3A_380 = arith.cmpi ne, %convert_element_type3A_378, %cond3A_379 : i32
      scf.if %cond3A_380 {
        %sub3A = arith.constant 4 : i32
        %sub3A_388 = arith.subi %add3A_359, %sub3A : i32
        %dma_wait3A_389 = arith.constant 0 : i32
        %dma_wait3A_390 = tpu.memref_slice %arg7[%sub3A_388, %dma_wait3A_389] : memref<250x80xi32, #tpu.memory_space<vmem>> -> memref<1x80xi32, #tpu.memory_space<vmem>>
        %dma_wait3A_391 = tpu.memref_squeeze %dma_wait3A_390 : memref<1x80xi32, #tpu.memory_space<vmem>> -> memref<80xi32, #tpu.memory_space<vmem>>
        %dma_wait3A_392 = arith.constant 0 : i32
        %dma_wait3A_393 = arith.constant 0 : i32
        %dma_wait3A_394 = tpu.memref_slice %arg16[%dma_wait3A_392, %dma_wait3A_393] : memref<10240x64xf32, #tpu.memory_space<vmem_shared>> -> memref<10240x64xf32, #tpu.memory_space<vmem_shared>>
        tpu.wait_indirect_dma semaphore(%arg28 : memref<!tpu.dma_semaphore, #tpu.memory_space<semaphore_mem>>) src(%arg11 : memref<80x64xf32, #tpu.memory_space<vmem>>) dst(%dma_wait3A_394 : memref<10240x64xf32, #tpu.memory_space<vmem_shared>>)
      } else {
      }
      %add3A_381 = arith.constant 4 : i32
      %add3A_382 = arith.addi %add3A_359, %add3A_381 : i32
      %lt3A_383 = arith.constant 250 : i32
      %lt3A_384 = arith.cmpi slt, %add3A_382, %lt3A_383 : i32
      %convert_element_type3A_385 = arith.extui %lt3A_384 : i1 to i32
      %cond3A_386 = arith.constant 0 : i32
      %cond3A_387 = arith.cmpi ne, %convert_element_type3A_385, %cond3A_386 : i32
      scf.if %cond3A_387 {
        %add3A_388 = arith.constant 4 : i32
        %add3A_389 = arith.addi %add3A_359, %add3A_388 : i32
        %dma_start3A_390 = arith.constant 0 : i32
        %dma_start3A_391 = tpu.memref_slice %arg6[%add3A_389, %dma_start3A_390] : memref<250x80xi32, #tpu.memory_space<vmem>> -> memref<1x80xi32, #tpu.memory_space<vmem>>
        %dma_start3A_392 = tpu.memref_squeeze %dma_start3A_391 : memref<1x80xi32, #tpu.memory_space<vmem>> -> memref<80xi32, #tpu.memory_space<vmem>>
        %dma_start3A_393 = arith.constant 0 : i32
        %dma_start3A_394 = arith.constant 0 : i32
        %dma_start3A_395 = tpu.memref_slice %arg2[%arg0, %dma_start3A_393, %dma_start3A_394] : memref<2x10000x64xf32, #tpu.memory_space<hbm>> -> memref<1x10000x64xf32, #tpu.memory_space<hbm>>
        %dma_start3A_396 = tpu.memref_squeeze %dma_start3A_395 : memref<1x10000x64xf32, #tpu.memory_space<hbm>> -> memref<10000x64xf32, #tpu.memory_space<hbm>>
        %dma_start3A_397 = arith.constant 0 : i32
        %dma_start3A_398 = arith.constant 0 : i32
        %dma_start3A_399 = tpu.memref_slice %dma_start3A_396[%dma_start3A_397, %dma_start3A_398] : memref<10000x64xf32, #tpu.memory_space<hbm>> -> memref<10000x64xf32, #tpu.memory_space<hbm>>
        tpu.enqueue_indirect_dma source(%dma_start3A_399 : memref<10000x64xf32, #tpu.memory_space<hbm>>) target(%arg11 : memref<80x64xf32, #tpu.memory_space<vmem>>) offsets(%dma_start3A_392 : memref<80xi32, #tpu.memory_space<vmem>>) semaphore(%arg20 : memref<!tpu.dma_semaphore, #tpu.memory_space<semaphore_mem>>)
      } else {
      }
    }
    %scan3A_53 = arith.constant 31 : i32
    %dma_wait3A = arith.constant 248 : i32
    %dma_wait3A_54 = arith.constant 0 : i32
    %dma_wait3A_55 = tpu.memref_slice %arg6[%dma_wait3A, %dma_wait3A_54] : memref<250x80xi32, #tpu.memory_space<vmem>> -> memref<1x80xi32, #tpu.memory_space<vmem>>
    %dma_wait3A_56 = tpu.memref_squeeze %dma_wait3A_55 : memref<1x80xi32, #tpu.memory_space<vmem>> -> memref<80xi32, #tpu.memory_space<vmem>>
    %dma_wait3A_57 = arith.constant 0 : i32
    %dma_wait3A_58 = arith.constant 0 : i32
    %dma_wait3A_59 = tpu.memref_slice %arg2[%arg0, %dma_wait3A_57, %dma_wait3A_58] : memref<2x10000x64xf32, #tpu.memory_space<hbm>> -> memref<1x10000x64xf32, #tpu.memory_space<hbm>>
    %dma_wait3A_60 = tpu.memref_squeeze %dma_wait3A_59 : memref<1x10000x64xf32, #tpu.memory_space<hbm>> -> memref<10000x64xf32, #tpu.memory_space<hbm>>
    %dma_wait3A_61 = arith.constant 0 : i32
    %dma_wait3A_62 = arith.constant 0 : i32
    %dma_wait3A_63 = tpu.memref_slice %dma_wait3A_60[%dma_wait3A_61, %dma_wait3A_62] : memref<10000x64xf32, #tpu.memory_space<hbm>> -> memref<10000x64xf32, #tpu.memory_space<hbm>>
    tpu.wait_indirect_dma semaphore(%arg17 : memref<!tpu.dma_semaphore, #tpu.memory_space<semaphore_mem>>) src(%dma_wait3A_63 : memref<10000x64xf32, #tpu.memory_space<hbm>>) dst(%arg8 : memref<80x64xf32, #tpu.memory_space<vmem>>)
    %dma_start3A_64 = arith.constant 248 : i32
    %dma_start3A_65 = arith.constant 0 : i32
    %dma_start3A_66 = tpu.memref_slice %arg7[%dma_start3A_64, %dma_start3A_65] : memref<250x80xi32, #tpu.memory_space<vmem>> -> memref<1x80xi32, #tpu.memory_space<vmem>>
    %dma_start3A_67 = tpu.memref_squeeze %dma_start3A_66 : memref<1x80xi32, #tpu.memory_space<vmem>> -> memref<80xi32, #tpu.memory_space<vmem>>
    %dma_start3A_68 = arith.constant 0 : i32
    %dma_start3A_69 = arith.constant 0 : i32
    %dma_start3A_70 = tpu.memref_slice %arg16[%dma_start3A_68, %dma_start3A_69] : memref<10240x64xf32, #tpu.memory_space<vmem_shared>> -> memref<10240x64xf32, #tpu.memory_space<vmem_shared>>
    tpu.enqueue_indirect_dma source(%arg8 : memref<80x64xf32, #tpu.memory_space<vmem>>) target(%dma_start3A_70 : memref<10240x64xf32, #tpu.memory_space<vmem_shared>>) offsets(%dma_start3A_67 : memref<80xi32, #tpu.memory_space<vmem>>) semaphore(%arg25 : memref<!tpu.dma_semaphore, #tpu.memory_space<semaphore_mem>>) {add = true}
    %dma_wait3A_71 = arith.constant 244 : i32
    %dma_wait3A_72 = arith.constant 0 : i32
    %dma_wait3A_73 = tpu.memref_slice %arg7[%dma_wait3A_71, %dma_wait3A_72] : memref<250x80xi32, #tpu.memory_space<vmem>> -> memref<1x80xi32, #tpu.memory_space<vmem>>
    %dma_wait3A_74 = tpu.memref_squeeze %dma_wait3A_73 : memref<1x80xi32, #tpu.memory_space<vmem>> -> memref<80xi32, #tpu.memory_space<vmem>>
    %dma_wait3A_75 = arith.constant 0 : i32
    %dma_wait3A_76 = arith.constant 0 : i32
    %dma_wait3A_77 = tpu.memref_slice %arg16[%dma_wait3A_75, %dma_wait3A_76] : memref<10240x64xf32, #tpu.memory_space<vmem_shared>> -> memref<10240x64xf32, #tpu.memory_space<vmem_shared>>
    tpu.wait_indirect_dma semaphore(%arg29 : memref<!tpu.dma_semaphore, #tpu.memory_space<semaphore_mem>>) src(%arg12 : memref<80x64xf32, #tpu.memory_space<vmem>>) dst(%dma_wait3A_77 : memref<10240x64xf32, #tpu.memory_space<vmem_shared>>)
    %dma_wait3A_78 = arith.constant 249 : i32
    %dma_wait3A_79 = arith.constant 0 : i32
    %dma_wait3A_80 = tpu.memref_slice %arg6[%dma_wait3A_78, %dma_wait3A_79] : memref<250x80xi32, #tpu.memory_space<vmem>> -> memref<1x80xi32, #tpu.memory_space<vmem>>
    %dma_wait3A_81 = tpu.memref_squeeze %dma_wait3A_80 : memref<1x80xi32, #tpu.memory_space<vmem>> -> memref<80xi32, #tpu.memory_space<vmem>>
    %dma_wait3A_82 = arith.constant 0 : i32
    %dma_wait3A_83 = arith.constant 0 : i32
    %dma_wait3A_84 = tpu.memref_slice %arg2[%arg0, %dma_wait3A_82, %dma_wait3A_83] : memref<2x10000x64xf32, #tpu.memory_space<hbm>> -> memref<1x10000x64xf32, #tpu.memory_space<hbm>>
    %dma_wait3A_85 = tpu.memref_squeeze %dma_wait3A_84 : memref<1x10000x64xf32, #tpu.memory_space<hbm>> -> memref<10000x64xf32, #tpu.memory_space<hbm>>
    %dma_wait3A_86 = arith.constant 0 : i32
    %dma_wait3A_87 = arith.constant 0 : i32
    %dma_wait3A_88 = tpu.memref_slice %dma_wait3A_85[%dma_wait3A_86, %dma_wait3A_87] : memref<10000x64xf32, #tpu.memory_space<hbm>> -> memref<10000x64xf32, #tpu.memory_space<hbm>>
    tpu.wait_indirect_dma semaphore(%arg18 : memref<!tpu.dma_semaphore, #tpu.memory_space<semaphore_mem>>) src(%dma_wait3A_88 : memref<10000x64xf32, #tpu.memory_space<hbm>>) dst(%arg9 : memref<80x64xf32, #tpu.memory_space<vmem>>)
    %dma_start3A_89 = arith.constant 249 : i32
    %dma_start3A_90 = arith.constant 0 : i32
    %dma_start3A_91 = tpu.memref_slice %arg7[%dma_start3A_89, %dma_start3A_90] : memref<250x80xi32, #tpu.memory_space<vmem>> -> memref<1x80xi32, #tpu.memory_space<vmem>>
    %dma_start3A_92 = tpu.memref_squeeze %dma_start3A_91 : memref<1x80xi32, #tpu.memory_space<vmem>> -> memref<80xi32, #tpu.memory_space<vmem>>
    %dma_start3A_93 = arith.constant 0 : i32
    %dma_start3A_94 = arith.constant 0 : i32
    %dma_start3A_95 = tpu.memref_slice %arg16[%dma_start3A_93, %dma_start3A_94] : memref<10240x64xf32, #tpu.memory_space<vmem_shared>> -> memref<10240x64xf32, #tpu.memory_space<vmem_shared>>
    tpu.enqueue_indirect_dma source(%arg9 : memref<80x64xf32, #tpu.memory_space<vmem>>) target(%dma_start3A_95 : memref<10240x64xf32, #tpu.memory_space<vmem_shared>>) offsets(%dma_start3A_92 : memref<80xi32, #tpu.memory_space<vmem>>) semaphore(%arg26 : memref<!tpu.dma_semaphore, #tpu.memory_space<semaphore_mem>>) {add = true}
    %dma_wait3A_96 = arith.constant 245 : i32
    %dma_wait3A_97 = arith.constant 0 : i32
    %dma_wait3A_98 = tpu.memref_slice %arg7[%dma_wait3A_96, %dma_wait3A_97] : memref<250x80xi32, #tpu.memory_space<vmem>> -> memref<1x80xi32, #tpu.memory_space<vmem>>
    %dma_wait3A_99 = tpu.memref_squeeze %dma_wait3A_98 : memref<1x80xi32, #tpu.memory_space<vmem>> -> memref<80xi32, #tpu.memory_space<vmem>>
    %dma_wait3A_100 = arith.constant 0 : i32
    %dma_wait3A_101 = arith.constant 0 : i32
    %dma_wait3A_102 = tpu.memref_slice %arg16[%dma_wait3A_100, %dma_wait3A_101] : memref<10240x64xf32, #tpu.memory_space<vmem_shared>> -> memref<10240x64xf32, #tpu.memory_space<vmem_shared>>
    tpu.wait_indirect_dma semaphore(%arg30 : memref<!tpu.dma_semaphore, #tpu.memory_space<semaphore_mem>>) src(%arg13 : memref<80x64xf32, #tpu.memory_space<vmem>>) dst(%dma_wait3A_102 : memref<10240x64xf32, #tpu.memory_space<vmem_shared>>)
    %dma_wait3A_103 = arith.constant 246 : i32
    %dma_wait3A_104 = arith.constant 0 : i32
    %dma_wait3A_105 = tpu.memref_slice %arg7[%dma_wait3A_103, %dma_wait3A_104] : memref<250x80xi32, #tpu.memory_space<vmem>> -> memref<1x80xi32, #tpu.memory_space<vmem>>
    %dma_wait3A_106 = tpu.memref_squeeze %dma_wait3A_105 : memref<1x80xi32, #tpu.memory_space<vmem>> -> memref<80xi32, #tpu.memory_space<vmem>>
    %dma_wait3A_107 = arith.constant 0 : i32
    %dma_wait3A_108 = arith.constant 0 : i32
    %dma_wait3A_109 = tpu.memref_slice %arg16[%dma_wait3A_107, %dma_wait3A_108] : memref<10240x64xf32, #tpu.memory_space<vmem_shared>> -> memref<10240x64xf32, #tpu.memory_space<vmem_shared>>
    tpu.wait_indirect_dma semaphore(%arg31 : memref<!tpu.dma_semaphore, #tpu.memory_space<semaphore_mem>>) src(%arg14 : memref<80x64xf32, #tpu.memory_space<vmem>>) dst(%dma_wait3A_109 : memref<10240x64xf32, #tpu.memory_space<vmem_shared>>)
    %dma_wait3A_110 = arith.constant 247 : i32
    %dma_wait3A_111 = arith.constant 0 : i32
    %dma_wait3A_112 = tpu.memref_slice %arg7[%dma_wait3A_110, %dma_wait3A_111] : memref<250x80xi32, #tpu.memory_space<vmem>> -> memref<1x80xi32, #tpu.memory_space<vmem>>
    %dma_wait3A_113 = tpu.memref_squeeze %dma_wait3A_112 : memref<1x80xi32, #tpu.memory_space<vmem>> -> memref<80xi32, #tpu.memory_space<vmem>>
    %dma_wait3A_114 = arith.constant 0 : i32
    %dma_wait3A_115 = arith.constant 0 : i32
    %dma_wait3A_116 = tpu.memref_slice %arg16[%dma_wait3A_114, %dma_wait3A_115] : memref<10240x64xf32, #tpu.memory_space<vmem_shared>> -> memref<10240x64xf32, #tpu.memory_space<vmem_shared>>
    tpu.wait_indirect_dma semaphore(%arg32 : memref<!tpu.dma_semaphore, #tpu.memory_space<semaphore_mem>>) src(%arg15 : memref<80x64xf32, #tpu.memory_space<vmem>>) dst(%dma_wait3A_116 : memref<10240x64xf32, #tpu.memory_space<vmem_shared>>)
    %dma_wait3A_117 = arith.constant 248 : i32
    %dma_wait3A_118 = arith.constant 0 : i32
    %dma_wait3A_119 = tpu.memref_slice %arg7[%dma_wait3A_117, %dma_wait3A_118] : memref<250x80xi32, #tpu.memory_space<vmem>> -> memref<1x80xi32, #tpu.memory_space<vmem>>
    %dma_wait3A_120 = tpu.memref_squeeze %dma_wait3A_119 : memref<1x80xi32, #tpu.memory_space<vmem>> -> memref<80xi32, #tpu.memory_space<vmem>>
    %dma_wait3A_121 = arith.constant 0 : i32
    %dma_wait3A_122 = arith.constant 0 : i32
    %dma_wait3A_123 = tpu.memref_slice %arg16[%dma_wait3A_121, %dma_wait3A_122] : memref<10240x64xf32, #tpu.memory_space<vmem_shared>> -> memref<10240x64xf32, #tpu.memory_space<vmem_shared>>
    tpu.wait_indirect_dma semaphore(%arg25 : memref<!tpu.dma_semaphore, #tpu.memory_space<semaphore_mem>>) src(%arg8 : memref<80x64xf32, #tpu.memory_space<vmem>>) dst(%dma_wait3A_123 : memref<10240x64xf32, #tpu.memory_space<vmem_shared>>)
    %dma_wait3A_124 = arith.constant 249 : i32
    %dma_wait3A_125 = arith.constant 0 : i32
    %dma_wait3A_126 = tpu.memref_slice %arg7[%dma_wait3A_124, %dma_wait3A_125] : memref<250x80xi32, #tpu.memory_space<vmem>> -> memref<1x80xi32, #tpu.memory_space<vmem>>
    %dma_wait3A_127 = tpu.memref_squeeze %dma_wait3A_126 : memref<1x80xi32, #tpu.memory_space<vmem>> -> memref<80xi32, #tpu.memory_space<vmem>>
    %dma_wait3A_128 = arith.constant 0 : i32
    %dma_wait3A_129 = arith.constant 0 : i32
    %dma_wait3A_130 = tpu.memref_slice %arg16[%dma_wait3A_128, %dma_wait3A_129] : memref<10240x64xf32, #tpu.memory_space<vmem_shared>> -> memref<10240x64xf32, #tpu.memory_space<vmem_shared>>
    tpu.wait_indirect_dma semaphore(%arg26 : memref<!tpu.dma_semaphore, #tpu.memory_space<semaphore_mem>>) src(%arg9 : memref<80x64xf32, #tpu.memory_space<vmem>>) dst(%dma_wait3A_130 : memref<10240x64xf32, #tpu.memory_space<vmem_shared>>)
    %barrier3A_131 = arith.constant 0 : index
    tpu.barrier barrier_id(%barrier3A_131)
    %mul3A = arith.constant 640 : i32
    %mul3A_132 = arith.muli %arg1, %mul3A : i32
    "tpu.region"() ({
      %run_scoped3A = tpu.sem_alloc : memref<!tpu.dma_semaphore, #tpu.memory_space<semaphore_mem>>
      %dma_start3A_133 = arith.constant 0 : i32
      %dma_start3A_134 = arith.constant 0 : i32
      %dma_start3A_135 = tpu.memref_slice %arg5[%arg0, %arg1, %dma_start3A_133, %dma_start3A_134] : memref<2x16x640x64xf32, #tpu.memory_space<hbm>> -> memref<1x1x640x64xf32, #tpu.memory_space<hbm>>
      %dma_start3A_136 = tpu.memref_squeeze %dma_start3A_135 : memref<1x1x640x64xf32, #tpu.memory_space<hbm>> -> memref<640x64xf32, #tpu.memory_space<hbm>>
      %dma_start3A_137 = arith.constant 0 : i32
      %dma_start3A_138 = tpu.memref_slice %arg16[%mul3A_132, %dma_start3A_137] : memref<10240x64xf32, #tpu.memory_space<vmem_shared>> -> memref<640x64xf32, #tpu.memory_space<vmem_shared>>
      tpu.enqueue_dma source(%dma_start3A_138 : memref<640x64xf32, #tpu.memory_space<vmem_shared>>) target(%dma_start3A_136 : memref<640x64xf32, #tpu.memory_space<hbm>>) target_semaphore(%run_scoped3A : memref<!tpu.dma_semaphore, #tpu.memory_space<semaphore_mem>>)
      %dma_wait3A_139 = arith.constant 0 : i32
      %dma_wait3A_140 = arith.constant 0 : i32
      %dma_wait3A_141 = tpu.memref_slice %arg5[%arg0, %arg1, %dma_wait3A_139, %dma_wait3A_140] : memref<2x16x640x64xf32, #tpu.memory_space<hbm>> -> memref<1x1x640x64xf32, #tpu.memory_space<hbm>>
      %dma_wait3A_142 = tpu.memref_squeeze %dma_wait3A_141 : memref<1x1x640x64xf32, #tpu.memory_space<hbm>> -> memref<640x64xf32, #tpu.memory_space<hbm>>
      %dma_wait3A_143 = arith.constant 0 : i32
      %dma_wait3A_144 = tpu.memref_slice %arg16[%mul3A_132, %dma_wait3A_143] : memref<10240x64xf32, #tpu.memory_space<vmem_shared>> -> memref<640x64xf32, #tpu.memory_space<vmem_shared>>
      tpu.wait_dma2 semaphore(%run_scoped3A : memref<!tpu.dma_semaphore, #tpu.memory_space<semaphore_mem>>) src(%dma_wait3A_144 : memref<640x64xf32, #tpu.memory_space<vmem_shared>>) dst(%dma_wait3A_142 : memref<640x64xf32, #tpu.memory_space<hbm>>)
      tpu.yield
    }) : () -> ()
    return
  }
}

#map = affine_map<(d0, d1) -> (0, 0, 0)>
#map1 = affine_map<(d0, d1) -> (0, 0, 0, 0)>
module attributes {stable_mosaic.version = 14 : i64} {
  func.func @_spmm_body(%arg0: i32, %arg1: i32, %arg2: memref<2x10000x64xf32, #tpu.memory_space<hbm>>, %arg3: memref<16x250x80xi32, #tpu.memory_space<hbm>>, %arg4: memref<16x250x80xi32, #tpu.memory_space<hbm>>, %arg5: memref<2x16x640x64xf32, #tpu.memory_space<hbm>>, %arg6: memref<250x80xi32, #tpu.memory_space<vmem>>, %arg7: memref<250x80xi32, #tpu.memory_space<vmem>>, %arg8: memref<80x64xf32, #tpu.memory_space<vmem>>, %arg9: memref<80x64xf32, #tpu.memory_space<vmem>>, %arg10: memref<80x64xf32, #tpu.memory_space<vmem>>, %arg11: memref<80x64xf32, #tpu.memory_space<vmem>>, %arg12: memref<80x64xf32, #tpu.memory_space<vmem>>, %arg13: memref<80x64xf32, #tpu.memory_space<vmem>>, %arg14: memref<80x64xf32, #tpu.memory_space<vmem>>, %arg15: memref<80x64xf32, #tpu.memory_space<vmem>>, %arg16: memref<10240x64xf32, #tpu.memory_space<vmem_shared>>, %arg17: memref<!tpu.dma_semaphore, #tpu.memory_space<semaphore_mem>>, %arg18: memref<!tpu.dma_semaphore, #tpu.memory_space<semaphore_mem>>, %arg19: memref<!tpu.dma_semaphore, #tpu.memory_space<semaphore_mem>>, %arg20: memref<!tpu.dma_semaphore, #tpu.memory_space<semaphore_mem>>, %arg21: memref<!tpu.dma_semaphore, #tpu.memory_space<semaphore_mem>>, %arg22: memref<!tpu.dma_semaphore, #tpu.memory_space<semaphore_mem>>, %arg23: memref<!tpu.dma_semaphore, #tpu.memory_space<semaphore_mem>>, %arg24: memref<!tpu.dma_semaphore, #tpu.memory_space<semaphore_mem>>, %arg25: memref<!tpu.dma_semaphore, #tpu.memory_space<semaphore_mem>>, %arg26: memref<!tpu.dma_semaphore, #tpu.memory_space<semaphore_mem>>, %arg27: memref<!tpu.dma_semaphore, #tpu.memory_space<semaphore_mem>>, %arg28: memref<!tpu.dma_semaphore, #tpu.memory_space<semaphore_mem>>, %arg29: memref<!tpu.dma_semaphore, #tpu.memory_space<semaphore_mem>>, %arg30: memref<!tpu.dma_semaphore, #tpu.memory_space<semaphore_mem>>, %arg31: memref<!tpu.dma_semaphore, #tpu.memory_space<semaphore_mem>>, %arg32: memref<!tpu.dma_semaphore, #tpu.memory_space<semaphore_mem>>) attributes {dimension_semantics = [#tpu.dimension_semantics<core_parallel>, #tpu.dimension_semantics<subcore_parallel>], iteration_bounds = array<i64: 2, 16>, scalar_prefetch = 0 : i64, scratch_operands = 27 : i64, tpu.core_type = #tpu.core_type<sc_vector_subcore>, window_params = [{transform_indices = #map}, {transform_indices = #map}, {transform_indices = #map}, {transform_indices = #map1}]} {
    "tpu.region"() ({
      %run_scoped3A = tpu.sem_alloc : memref<!tpu.dma_semaphore, #tpu.memory_space<semaphore_mem>>
      %dma_start3A_133 = arith.constant 0 : i32
      %dma_start3A_134 = arith.constant 0 : i32
      %dma_start3A_135 = tpu.memref_slice %arg3[%arg1, %dma_start3A_133, %dma_start3A_134] : memref<16x250x80xi32, #tpu.memory_space<hbm>> -> memref<1x250x80xi32, #tpu.memory_space<hbm>>
      %dma_start3A_136 = tpu.memref_squeeze %dma_start3A_135 : memref<1x250x80xi32, #tpu.memory_space<hbm>> -> memref<250x80xi32, #tpu.memory_space<hbm>>
      %dma_start3A_137 = arith.constant 0 : i32
      %dma_start3A_138 = arith.constant 0 : i32
      %dma_start3A_139 = tpu.memref_slice %arg3[%arg1, %dma_start3A_137, %dma_start3A_138] : memref<16x250x80xi32, #tpu.memory_space<hbm>> -> memref<1x250x80xi32, #tpu.memory_space<hbm>>
      %dma_start3A_140 = tpu.memref_squeeze %dma_start3A_139 : memref<1x250x80xi32, #tpu.memory_space<hbm>> -> memref<250x80xi32, #tpu.memory_space<hbm>>
      tpu.enqueue_dma source(%dma_start3A_140 : memref<250x80xi32, #tpu.memory_space<hbm>>) target(%arg6 : memref<250x80xi32, #tpu.memory_space<vmem>>) target_semaphore(%run_scoped3A : memref<!tpu.dma_semaphore, #tpu.memory_space<semaphore_mem>>)
      %dma_wait3A_141 = arith.constant 0 : i32
      %dma_wait3A_142 = arith.constant 0 : i32
      %dma_wait3A_143 = tpu.memref_slice %arg3[%arg1, %dma_wait3A_141, %dma_wait3A_142] : memref<16x250x80xi32, #tpu.memory_space<hbm>> -> memref<1x250x80xi32, #tpu.memory_space<hbm>>
      %dma_wait3A_144 = tpu.memref_squeeze %dma_wait3A_143 : memref<1x250x80xi32, #tpu.memory_space<hbm>> -> memref<250x80xi32, #tpu.memory_space<hbm>>
      %dma_wait3A_145 = arith.constant 0 : i32
      %dma_wait3A_146 = arith.constant 0 : i32
      %dma_wait3A_147 = tpu.memref_slice %arg3[%arg1, %dma_wait3A_145, %dma_wait3A_146] : memref<16x250x80xi32, #tpu.memory_space<hbm>> -> memref<1x250x80xi32, #tpu.memory_space<hbm>>
      %dma_wait3A_148 = tpu.memref_squeeze %dma_wait3A_147 : memref<1x250x80xi32, #tpu.memory_space<hbm>> -> memref<250x80xi32, #tpu.memory_space<hbm>>
      tpu.wait_dma2 semaphore(%run_scoped3A : memref<!tpu.dma_semaphore, #tpu.memory_space<semaphore_mem>>) src(%dma_wait3A_148 : memref<250x80xi32, #tpu.memory_space<hbm>>) dst(%arg6 : memref<250x80xi32, #tpu.memory_space<vmem>>)
      tpu.yield
    }) : () -> ()
    "tpu.region"() ({
      %run_scoped3A = tpu.sem_alloc : memref<!tpu.dma_semaphore, #tpu.memory_space<semaphore_mem>>
      %dma_start3A_133 = arith.constant 0 : i32
      %dma_start3A_134 = arith.constant 0 : i32
      %dma_start3A_135 = tpu.memref_slice %arg4[%arg1, %dma_start3A_133, %dma_start3A_134] : memref<16x250x80xi32, #tpu.memory_space<hbm>> -> memref<1x250x80xi32, #tpu.memory_space<hbm>>
      %dma_start3A_136 = tpu.memref_squeeze %dma_start3A_135 : memref<1x250x80xi32, #tpu.memory_space<hbm>> -> memref<250x80xi32, #tpu.memory_space<hbm>>
      %dma_start3A_137 = arith.constant 0 : i32
      %dma_start3A_138 = arith.constant 0 : i32
      %dma_start3A_139 = tpu.memref_slice %arg4[%arg1, %dma_start3A_137, %dma_start3A_138] : memref<16x250x80xi32, #tpu.memory_space<hbm>> -> memref<1x250x80xi32, #tpu.memory_space<hbm>>
      %dma_start3A_140 = tpu.memref_squeeze %dma_start3A_139 : memref<1x250x80xi32, #tpu.memory_space<hbm>> -> memref<250x80xi32, #tpu.memory_space<hbm>>
      tpu.enqueue_dma source(%dma_start3A_140 : memref<250x80xi32, #tpu.memory_space<hbm>>) target(%arg7 : memref<250x80xi32, #tpu.memory_space<vmem>>) target_semaphore(%run_scoped3A : memref<!tpu.dma_semaphore, #tpu.memory_space<semaphore_mem>>)
      %dma_wait3A_141 = arith.constant 0 : i32
      %dma_wait3A_142 = arith.constant 0 : i32
      %dma_wait3A_143 = tpu.memref_slice %arg4[%arg1, %dma_wait3A_141, %dma_wait3A_142] : memref<16x250x80xi32, #tpu.memory_space<hbm>> -> memref<1x250x80xi32, #tpu.memory_space<hbm>>
      %dma_wait3A_144 = tpu.memref_squeeze %dma_wait3A_143 : memref<1x250x80xi32, #tpu.memory_space<hbm>> -> memref<250x80xi32, #tpu.memory_space<hbm>>
      %dma_wait3A_145 = arith.constant 0 : i32
      %dma_wait3A_146 = arith.constant 0 : i32
      %dma_wait3A_147 = tpu.memref_slice %arg4[%arg1, %dma_wait3A_145, %dma_wait3A_146] : memref<16x250x80xi32, #tpu.memory_space<hbm>> -> memref<1x250x80xi32, #tpu.memory_space<hbm>>
      %dma_wait3A_148 = tpu.memref_squeeze %dma_wait3A_147 : memref<1x250x80xi32, #tpu.memory_space<hbm>> -> memref<250x80xi32, #tpu.memory_space<hbm>>
      tpu.wait_dma2 semaphore(%run_scoped3A : memref<!tpu.dma_semaphore, #tpu.memory_space<semaphore_mem>>) src(%dma_wait3A_148 : memref<250x80xi32, #tpu.memory_space<hbm>>) dst(%arg7 : memref<250x80xi32, #tpu.memory_space<vmem>>)
      tpu.yield
    }) : () -> ()
    %lt3A = arith.constant 15 : i32
    %lt3A_0 = arith.cmpi slt, %arg1, %lt3A : i32
    %convert_element_type3A = arith.extui %lt3A_0 : i1 to i32
    %cond3A = arith.constant 0 : i32
    %cond3A_1 = arith.cmpi ne, %convert_element_type3A, %cond3A : i32
    scf.if %cond3A_1 {
      %mul3A_133 = arith.constant 640 : i32
      %mul3A_134 = arith.muli %arg1, %mul3A_133 : i32
      %mul3A_135 = arith.constant 640 : i32
      %mul3A_136 = arith.muli %arg1, %mul3A_135 : i32
      "tpu.region"() ({
        %run_scoped3A = tpu.sem_alloc : memref<!tpu.dma_semaphore, #tpu.memory_space<semaphore_mem>>
        %dma_start3A_137 = arith.constant 0 : i32
        %dma_start3A_138 = tpu.memref_slice %arg16[%mul3A_136, %dma_start3A_137] : memref<10240x64xf32, #tpu.memory_space<vmem_shared>> -> memref<640x64xf32, #tpu.memory_space<vmem_shared>>
        %dma_start3A_139 = arith.constant 0 : i32
        %dma_start3A_140 = arith.constant 0 : i32
        %dma_start3A_141 = tpu.memref_slice %arg2[%arg0, %dma_start3A_139, %dma_start3A_140] : memref<2x10000x64xf32, #tpu.memory_space<hbm>> -> memref<1x10000x64xf32, #tpu.memory_space<hbm>>
        %dma_start3A_142 = tpu.memref_squeeze %dma_start3A_141 : memref<1x10000x64xf32, #tpu.memory_space<hbm>> -> memref<10000x64xf32, #tpu.memory_space<hbm>>
        %dma_start3A_143 = arith.constant 0 : i32
        %dma_start3A_144 = tpu.memref_slice %dma_start3A_142[%mul3A_134, %dma_start3A_143] : memref<10000x64xf32, #tpu.memory_space<hbm>> -> memref<640x64xf32, #tpu.memory_space<hbm>>
        tpu.enqueue_dma source(%dma_start3A_144 : memref<640x64xf32, #tpu.memory_space<hbm>>) target(%dma_start3A_138 : memref<640x64xf32, #tpu.memory_space<vmem_shared>>) target_semaphore(%run_scoped3A : memref<!tpu.dma_semaphore, #tpu.memory_space<semaphore_mem>>)
        %dma_wait3A_145 = arith.constant 0 : i32
        %dma_wait3A_146 = tpu.memref_slice %arg16[%mul3A_136, %dma_wait3A_145] : memref<10240x64xf32, #tpu.memory_space<vmem_shared>> -> memref<640x64xf32, #tpu.memory_space<vmem_shared>>
        %dma_wait3A_147 = arith.constant 0 : i32
        %dma_wait3A_148 = arith.constant 0 : i32
        %dma_wait3A_149 = tpu.memref_slice %arg2[%arg0, %dma_wait3A_147, %dma_wait3A_148] : memref<2x10000x64xf32, #tpu.memory_space<hbm>> -> memref<1x10000x64xf32, #tpu.memory_space<hbm>>
        %dma_wait3A_150 = tpu.memref_squeeze %dma_wait3A_149 : memref<1x10000x64xf32, #tpu.memory_space<hbm>> -> memref<10000x64xf32, #tpu.memory_space<hbm>>
        %dma_wait3A_151 = arith.constant 0 : i32
        %dma_wait3A_152 = tpu.memref_slice %dma_wait3A_150[%mul3A_134, %dma_wait3A_151] : memref<10000x64xf32, #tpu.memory_space<hbm>> -> memref<640x64xf32, #tpu.memory_space<hbm>>
        tpu.wait_dma2 semaphore(%run_scoped3A : memref<!tpu.dma_semaphore, #tpu.memory_space<semaphore_mem>>) src(%dma_wait3A_152 : memref<640x64xf32, #tpu.memory_space<hbm>>) dst(%dma_wait3A_146 : memref<640x64xf32, #tpu.memory_space<vmem_shared>>)
        tpu.yield
      }) : () -> ()
    } else {
    }
    %eq3A = arith.constant 15 : i32
    %eq3A_2 = arith.cmpi eq, %arg1, %eq3A : i32
    %convert_element_type3A_3 = arith.extui %eq3A_2 : i1 to i32
    %cond3A_4 = arith.constant 0 : i32
    %cond3A_5 = arith.cmpi ne, %convert_element_type3A_3, %cond3A_4 : i32
    scf.if %cond3A_5 {
      "tpu.region"() ({
        %run_scoped3A = tpu.sem_alloc : memref<!tpu.dma_semaphore, #tpu.memory_space<semaphore_mem>>
        %dma_start3A_133 = arith.constant 9600 : i32
        %dma_start3A_134 = arith.constant 0 : i32
        %dma_start3A_135 = tpu.memref_slice %arg16[%dma_start3A_133, %dma_start3A_134] : memref<10240x64xf32, #tpu.memory_space<vmem_shared>> -> memref<400x64xf32, #tpu.memory_space<vmem_shared>>
        %dma_start3A_136 = arith.constant 0 : i32
        %dma_start3A_137 = arith.constant 0 : i32
        %dma_start3A_138 = tpu.memref_slice %arg2[%arg0, %dma_start3A_136, %dma_start3A_137] : memref<2x10000x64xf32, #tpu.memory_space<hbm>> -> memref<1x10000x64xf32, #tpu.memory_space<hbm>>
        %dma_start3A_139 = tpu.memref_squeeze %dma_start3A_138 : memref<1x10000x64xf32, #tpu.memory_space<hbm>> -> memref<10000x64xf32, #tpu.memory_space<hbm>>
        %dma_start3A_140 = arith.constant 9600 : i32
        %dma_start3A_141 = arith.constant 0 : i32
        %dma_start3A_142 = tpu.memref_slice %dma_start3A_139[%dma_start3A_140, %dma_start3A_141] : memref<10000x64xf32, #tpu.memory_space<hbm>> -> memref<400x64xf32, #tpu.memory_space<hbm>>
        tpu.enqueue_dma source(%dma_start3A_142 : memref<400x64xf32, #tpu.memory_space<hbm>>) target(%dma_start3A_135 : memref<400x64xf32, #tpu.memory_space<vmem_shared>>) target_semaphore(%run_scoped3A : memref<!tpu.dma_semaphore, #tpu.memory_space<semaphore_mem>>)
        %dma_wait3A_143 = arith.constant 9600 : i32
        %dma_wait3A_144 = arith.constant 0 : i32
        %dma_wait3A_145 = tpu.memref_slice %arg16[%dma_wait3A_143, %dma_wait3A_144] : memref<10240x64xf32, #tpu.memory_space<vmem_shared>> -> memref<400x64xf32, #tpu.memory_space<vmem_shared>>
        %dma_wait3A_146 = arith.constant 0 : i32
        %dma_wait3A_147 = arith.constant 0 : i32
        %dma_wait3A_148 = tpu.memref_slice %arg2[%arg0, %dma_wait3A_146, %dma_wait3A_147] : memref<2x10000x64xf32, #tpu.memory_space<hbm>> -> memref<1x10000x64xf32, #tpu.memory_space<hbm>>
        %dma_wait3A_149 = tpu.memref_squeeze %dma_wait3A_148 : memref<1x10000x64xf32, #tpu.memory_space<hbm>> -> memref<10000x64xf32, #tpu.memory_space<hbm>>
        %dma_wait3A_150 = arith.constant 9600 : i32
        %dma_wait3A_151 = arith.constant 0 : i32
        %dma_wait3A_152 = tpu.memref_slice %dma_wait3A_149[%dma_wait3A_150, %dma_wait3A_151] : memref<10000x64xf32, #tpu.memory_space<hbm>> -> memref<400x64xf32, #tpu.memory_space<hbm>>
        tpu.wait_dma2 semaphore(%run_scoped3A : memref<!tpu.dma_semaphore, #tpu.memory_space<semaphore_mem>>) src(%dma_wait3A_152 : memref<400x64xf32, #tpu.memory_space<hbm>>) dst(%dma_wait3A_145 : memref<400x64xf32, #tpu.memory_space<vmem_shared>>)
        tpu.yield
      }) : () -> ()
    } else {
    }
    %barrier3A = arith.constant 0 : index
    tpu.barrier barrier_id(%barrier3A)
    %dma_start3A = arith.constant 0 : i32
    %dma_start3A_6 = arith.constant 0 : i32
    %dma_start3A_7 = tpu.memref_slice %arg6[%dma_start3A, %dma_start3A_6] : memref<250x80xi32, #tpu.memory_space<vmem>> -> memref<1x80xi32, #tpu.memory_space<vmem>>
    %dma_start3A_8 = tpu.memref_squeeze %dma_start3A_7 : memref<1x80xi32, #tpu.memory_space<vmem>> -> memref<80xi32, #tpu.memory_space<vmem>>
    %dma_start3A_9 = arith.constant 0 : i32
    %dma_start3A_10 = arith.constant 0 : i32
    %dma_start3A_11 = tpu.memref_slice %arg2[%arg0, %dma_start3A_9, %dma_start3A_10] : memref<2x10000x64xf32, #tpu.memory_space<hbm>> -> memref<1x10000x64xf32, #tpu.memory_space<hbm>>
    %dma_start3A_12 = tpu.memref_squeeze %dma_start3A_11 : memref<1x10000x64xf32, #tpu.memory_space<hbm>> -> memref<10000x64xf32, #tpu.memory_space<hbm>>
    %dma_start3A_13 = arith.constant 0 : i32
    %dma_start3A_14 = arith.constant 0 : i32
    %dma_start3A_15 = tpu.memref_slice %dma_start3A_12[%dma_start3A_13, %dma_start3A_14] : memref<10000x64xf32, #tpu.memory_space<hbm>> -> memref<10000x64xf32, #tpu.memory_space<hbm>>
    tpu.enqueue_indirect_dma source(%dma_start3A_15 : memref<10000x64xf32, #tpu.memory_space<hbm>>) target(%arg8 : memref<80x64xf32, #tpu.memory_space<vmem>>) offsets(%dma_start3A_8 : memref<80xi32, #tpu.memory_space<vmem>>) semaphore(%arg17 : memref<!tpu.dma_semaphore, #tpu.memory_space<semaphore_mem>>)
    %dma_start3A_16 = arith.constant 1 : i32
    %dma_start3A_17 = arith.constant 0 : i32
    %dma_start3A_18 = tpu.memref_slice %arg6[%dma_start3A_16, %dma_start3A_17] : memref<250x80xi32, #tpu.memory_space<vmem>> -> memref<1x80xi32, #tpu.memory_space<vmem>>
    %dma_start3A_19 = tpu.memref_squeeze %dma_start3A_18 : memref<1x80xi32, #tpu.memory_space<vmem>> -> memref<80xi32, #tpu.memory_space<vmem>>
    %dma_start3A_20 = arith.constant 0 : i32
    %dma_start3A_21 = arith.constant 0 : i32
    %dma_start3A_22 = tpu.memref_slice %arg2[%arg0, %dma_start3A_20, %dma_start3A_21] : memref<2x10000x64xf32, #tpu.memory_space<hbm>> -> memref<1x10000x64xf32, #tpu.memory_space<hbm>>
    %dma_start3A_23 = tpu.memref_squeeze %dma_start3A_22 : memref<1x10000x64xf32, #tpu.memory_space<hbm>> -> memref<10000x64xf32, #tpu.memory_space<hbm>>
    %dma_start3A_24 = arith.constant 0 : i32
    %dma_start3A_25 = arith.constant 0 : i32
    %dma_start3A_26 = tpu.memref_slice %dma_start3A_23[%dma_start3A_24, %dma_start3A_25] : memref<10000x64xf32, #tpu.memory_space<hbm>> -> memref<10000x64xf32, #tpu.memory_space<hbm>>
    tpu.enqueue_indirect_dma source(%dma_start3A_26 : memref<10000x64xf32, #tpu.memory_space<hbm>>) target(%arg9 : memref<80x64xf32, #tpu.memory_space<vmem>>) offsets(%dma_start3A_19 : memref<80xi32, #tpu.memory_space<vmem>>) semaphore(%arg18 : memref<!tpu.dma_semaphore, #tpu.memory_space<semaphore_mem>>)
    %dma_start3A_27 = arith.constant 2 : i32
    %dma_start3A_28 = arith.constant 0 : i32
    %dma_start3A_29 = tpu.memref_slice %arg6[%dma_start3A_27, %dma_start3A_28] : memref<250x80xi32, #tpu.memory_space<vmem>> -> memref<1x80xi32, #tpu.memory_space<vmem>>
    %dma_start3A_30 = tpu.memref_squeeze %dma_start3A_29 : memref<1x80xi32, #tpu.memory_space<vmem>> -> memref<80xi32, #tpu.memory_space<vmem>>
    %dma_start3A_31 = arith.constant 0 : i32
    %dma_start3A_32 = arith.constant 0 : i32
    %dma_start3A_33 = tpu.memref_slice %arg2[%arg0, %dma_start3A_31, %dma_start3A_32] : memref<2x10000x64xf32, #tpu.memory_space<hbm>> -> memref<1x10000x64xf32, #tpu.memory_space<hbm>>
    %dma_start3A_34 = tpu.memref_squeeze %dma_start3A_33 : memref<1x10000x64xf32, #tpu.memory_space<hbm>> -> memref<10000x64xf32, #tpu.memory_space<hbm>>
    %dma_start3A_35 = arith.constant 0 : i32
    %dma_start3A_36 = arith.constant 0 : i32
    %dma_start3A_37 = tpu.memref_slice %dma_start3A_34[%dma_start3A_35, %dma_start3A_36] : memref<10000x64xf32, #tpu.memory_space<hbm>> -> memref<10000x64xf32, #tpu.memory_space<hbm>>
    tpu.enqueue_indirect_dma source(%dma_start3A_37 : memref<10000x64xf32, #tpu.memory_space<hbm>>) target(%arg10 : memref<80x64xf32, #tpu.memory_space<vmem>>) offsets(%dma_start3A_30 : memref<80xi32, #tpu.memory_space<vmem>>) semaphore(%arg19 : memref<!tpu.dma_semaphore, #tpu.memory_space<semaphore_mem>>)
    %dma_start3A_38 = arith.constant 3 : i32
    %dma_start3A_39 = arith.constant 0 : i32
    %dma_start3A_40 = tpu.memref_slice %arg6[%dma_start3A_38, %dma_start3A_39] : memref<250x80xi32, #tpu.memory_space<vmem>> -> memref<1x80xi32, #tpu.memory_space<vmem>>
    %dma_start3A_41 = tpu.memref_squeeze %dma_start3A_40 : memref<1x80xi32, #tpu.memory_space<vmem>> -> memref<80xi32, #tpu.memory_space<vmem>>
    %dma_start3A_42 = arith.constant 0 : i32
    %dma_start3A_43 = arith.constant 0 : i32
    %dma_start3A_44 = tpu.memref_slice %arg2[%arg0, %dma_start3A_42, %dma_start3A_43] : memref<2x10000x64xf32, #tpu.memory_space<hbm>> -> memref<1x10000x64xf32, #tpu.memory_space<hbm>>
    %dma_start3A_45 = tpu.memref_squeeze %dma_start3A_44 : memref<1x10000x64xf32, #tpu.memory_space<hbm>> -> memref<10000x64xf32, #tpu.memory_space<hbm>>
    %dma_start3A_46 = arith.constant 0 : i32
    %dma_start3A_47 = arith.constant 0 : i32
    %dma_start3A_48 = tpu.memref_slice %dma_start3A_45[%dma_start3A_46, %dma_start3A_47] : memref<10000x64xf32, #tpu.memory_space<hbm>> -> memref<10000x64xf32, #tpu.memory_space<hbm>>
    tpu.enqueue_indirect_dma source(%dma_start3A_48 : memref<10000x64xf32, #tpu.memory_space<hbm>>) target(%arg11 : memref<80x64xf32, #tpu.memory_space<vmem>>) offsets(%dma_start3A_41 : memref<80xi32, #tpu.memory_space<vmem>>) semaphore(%arg20 : memref<!tpu.dma_semaphore, #tpu.memory_space<semaphore_mem>>)
    %scan3A = arith.constant 0 : i32
    %scan3A_49 = arith.constant 0 : i32
    %scan3A_50 = arith.constant 31 : i32
    %scan3A_51 = arith.addi %scan3A_49, %scan3A_50 : i32
    %scan3A_52 = arith.constant 1 : i32
    scf.for %scan3A_133 = %scan3A_49 to %scan3A_51 step %scan3A_52  : i32 {
      %mul3A_134 = arith.constant 8 : i32
      %mul3A_135 = arith.muli %scan3A_133, %mul3A_134 : i32
      %add3A = arith.constant 0 : i32
      %add3A_136 = arith.addi %mul3A_135, %add3A : i32
      %dma_wait3A_137 = arith.constant 0 : i32
      %dma_wait3A_138 = tpu.memref_slice %arg6[%add3A_136, %dma_wait3A_137] : memref<250x80xi32, #tpu.memory_space<vmem>> -> memref<1x80xi32, #tpu.memory_space<vmem>>
      %dma_wait3A_139 = tpu.memref_squeeze %dma_wait3A_138 : memref<1x80xi32, #tpu.memory_space<vmem>> -> memref<80xi32, #tpu.memory_space<vmem>>
      %dma_wait3A_140 = arith.constant 0 : i32
      %dma_wait3A_141 = arith.constant 0 : i32
      %dma_wait3A_142 = tpu.memref_slice %arg2[%arg0, %dma_wait3A_140, %dma_wait3A_141] : memref<2x10000x64xf32, #tpu.memory_space<hbm>> -> memref<1x10000x64xf32, #tpu.memory_space<hbm>>
      %dma_wait3A_143 = tpu.memref_squeeze %dma_wait3A_142 : memref<1x10000x64xf32, #tpu.memory_space<hbm>> -> memref<10000x64xf32, #tpu.memory_space<hbm>>
      %dma_wait3A_144 = arith.constant 0 : i32
      %dma_wait3A_145 = arith.constant 0 : i32
      %dma_wait3A_146 = tpu.memref_slice %dma_wait3A_143[%dma_wait3A_144, %dma_wait3A_145] : memref<10000x64xf32, #tpu.memory_space<hbm>> -> memref<10000x64xf32, #tpu.memory_space<hbm>>
      tpu.wait_indirect_dma semaphore(%arg17 : memref<!tpu.dma_semaphore, #tpu.memory_space<semaphore_mem>>) src(%dma_wait3A_146 : memref<10000x64xf32, #tpu.memory_space<hbm>>) dst(%arg8 : memref<80x64xf32, #tpu.memory_space<vmem>>)
      %dma_start3A_147 = arith.constant 0 : i32
      %dma_start3A_148 = tpu.memref_slice %arg7[%add3A_136, %dma_start3A_147] : memref<250x80xi32, #tpu.memory_space<vmem>> -> memref<1x80xi32, #tpu.memory_space<vmem>>
      %dma_start3A_149 = tpu.memref_squeeze %dma_start3A_148 : memref<1x80xi32, #tpu.memory_space<vmem>> -> memref<80xi32, #tpu.memory_space<vmem>>
      %dma_start3A_150 = arith.constant 0 : i32
      %dma_start3A_151 = arith.constant 0 : i32
      %dma_start3A_152 = tpu.memref_slice %arg16[%dma_start3A_150, %dma_start3A_151] : memref<10240x64xf32, #tpu.memory_space<vmem_shared>> -> memref<10240x64xf32, #tpu.memory_space<vmem_shared>>
      tpu.enqueue_indirect_dma source(%arg8 : memref<80x64xf32, #tpu.memory_space<vmem>>) target(%dma_start3A_152 : memref<10240x64xf32, #tpu.memory_space<vmem_shared>>) offsets(%dma_start3A_149 : memref<80xi32, #tpu.memory_space<vmem>>) semaphore(%arg25 : memref<!tpu.dma_semaphore, #tpu.memory_space<semaphore_mem>>) {add = true}
      %ge3A = arith.constant 4 : i32
      %ge3A_153 = arith.cmpi sge, %add3A_136, %ge3A : i32
      %convert_element_type3A_154 = arith.extui %ge3A_153 : i1 to i32
      %cond3A_155 = arith.constant 0 : i32
      %cond3A_156 = arith.cmpi ne, %convert_element_type3A_154, %cond3A_155 : i32
      scf.if %cond3A_156 {
        %sub3A = arith.constant 4 : i32
        %sub3A_388 = arith.subi %add3A_136, %sub3A : i32
        %dma_wait3A_389 = arith.constant 0 : i32
        %dma_wait3A_390 = tpu.memref_slice %arg7[%sub3A_388, %dma_wait3A_389] : memref<250x80xi32, #tpu.memory_space<vmem>> -> memref<1x80xi32, #tpu.memory_space<vmem>>
        %dma_wait3A_391 = tpu.memref_squeeze %dma_wait3A_390 : memref<1x80xi32, #tpu.memory_space<vmem>> -> memref<80xi32, #tpu.memory_space<vmem>>
        %dma_wait3A_392 = arith.constant 0 : i32
        %dma_wait3A_393 = arith.constant 0 : i32
        %dma_wait3A_394 = tpu.memref_slice %arg16[%dma_wait3A_392, %dma_wait3A_393] : memref<10240x64xf32, #tpu.memory_space<vmem_shared>> -> memref<10240x64xf32, #tpu.memory_space<vmem_shared>>
        tpu.wait_indirect_dma semaphore(%arg29 : memref<!tpu.dma_semaphore, #tpu.memory_space<semaphore_mem>>) src(%arg12 : memref<80x64xf32, #tpu.memory_space<vmem>>) dst(%dma_wait3A_394 : memref<10240x64xf32, #tpu.memory_space<vmem_shared>>)
      } else {
      }
      %add3A_157 = arith.constant 4 : i32
      %add3A_158 = arith.addi %add3A_136, %add3A_157 : i32
      %lt3A_159 = arith.constant 250 : i32
      %lt3A_160 = arith.cmpi slt, %add3A_158, %lt3A_159 : i32
      %convert_element_type3A_161 = arith.extui %lt3A_160 : i1 to i32
      %cond3A_162 = arith.constant 0 : i32
      %cond3A_163 = arith.cmpi ne, %convert_element_type3A_161, %cond3A_162 : i32
      scf.if %cond3A_163 {
        %add3A_388 = arith.constant 4 : i32
        %add3A_389 = arith.addi %add3A_136, %add3A_388 : i32
        %dma_start3A_390 = arith.constant 0 : i32
        %dma_start3A_391 = tpu.memref_slice %arg6[%add3A_389, %dma_start3A_390] : memref<250x80xi32, #tpu.memory_space<vmem>> -> memref<1x80xi32, #tpu.memory_space<vmem>>
        %dma_start3A_392 = tpu.memref_squeeze %dma_start3A_391 : memref<1x80xi32, #tpu.memory_space<vmem>> -> memref<80xi32, #tpu.memory_space<vmem>>
        %dma_start3A_393 = arith.constant 0 : i32
        %dma_start3A_394 = arith.constant 0 : i32
        %dma_start3A_395 = tpu.memref_slice %arg2[%arg0, %dma_start3A_393, %dma_start3A_394] : memref<2x10000x64xf32, #tpu.memory_space<hbm>> -> memref<1x10000x64xf32, #tpu.memory_space<hbm>>
        %dma_start3A_396 = tpu.memref_squeeze %dma_start3A_395 : memref<1x10000x64xf32, #tpu.memory_space<hbm>> -> memref<10000x64xf32, #tpu.memory_space<hbm>>
        %dma_start3A_397 = arith.constant 0 : i32
        %dma_start3A_398 = arith.constant 0 : i32
        %dma_start3A_399 = tpu.memref_slice %dma_start3A_396[%dma_start3A_397, %dma_start3A_398] : memref<10000x64xf32, #tpu.memory_space<hbm>> -> memref<10000x64xf32, #tpu.memory_space<hbm>>
        tpu.enqueue_indirect_dma source(%dma_start3A_399 : memref<10000x64xf32, #tpu.memory_space<hbm>>) target(%arg12 : memref<80x64xf32, #tpu.memory_space<vmem>>) offsets(%dma_start3A_392 : memref<80xi32, #tpu.memory_space<vmem>>) semaphore(%arg21 : memref<!tpu.dma_semaphore, #tpu.memory_space<semaphore_mem>>)
      } else {
      }
      %mul3A_164 = arith.constant 8 : i32
      %mul3A_165 = arith.muli %scan3A_133, %mul3A_164 : i32
      %add3A_166 = arith.constant 1 : i32
      %add3A_167 = arith.addi %mul3A_165, %add3A_166 : i32
      %dma_wait3A_168 = arith.constant 0 : i32
      %dma_wait3A_169 = tpu.memref_slice %arg6[%add3A_167, %dma_wait3A_168] : memref<250x80xi32, #tpu.memory_space<vmem>> -> memref<1x80xi32, #tpu.memory_space<vmem>>
      %dma_wait3A_170 = tpu.memref_squeeze %dma_wait3A_169 : memref<1x80xi32, #tpu.memory_space<vmem>> -> memref<80xi32, #tpu.memory_space<vmem>>
      %dma_wait3A_171 = arith.constant 0 : i32
      %dma_wait3A_172 = arith.constant 0 : i32
      %dma_wait3A_173 = tpu.memref_slice %arg2[%arg0, %dma_wait3A_171, %dma_wait3A_172] : memref<2x10000x64xf32, #tpu.memory_space<hbm>> -> memref<1x10000x64xf32, #tpu.memory_space<hbm>>
      %dma_wait3A_174 = tpu.memref_squeeze %dma_wait3A_173 : memref<1x10000x64xf32, #tpu.memory_space<hbm>> -> memref<10000x64xf32, #tpu.memory_space<hbm>>
      %dma_wait3A_175 = arith.constant 0 : i32
      %dma_wait3A_176 = arith.constant 0 : i32
      %dma_wait3A_177 = tpu.memref_slice %dma_wait3A_174[%dma_wait3A_175, %dma_wait3A_176] : memref<10000x64xf32, #tpu.memory_space<hbm>> -> memref<10000x64xf32, #tpu.memory_space<hbm>>
      tpu.wait_indirect_dma semaphore(%arg18 : memref<!tpu.dma_semaphore, #tpu.memory_space<semaphore_mem>>) src(%dma_wait3A_177 : memref<10000x64xf32, #tpu.memory_space<hbm>>) dst(%arg9 : memref<80x64xf32, #tpu.memory_space<vmem>>)
      %dma_start3A_178 = arith.constant 0 : i32
      %dma_start3A_179 = tpu.memref_slice %arg7[%add3A_167, %dma_start3A_178] : memref<250x80xi32, #tpu.memory_space<vmem>> -> memref<1x80xi32, #tpu.memory_space<vmem>>
      %dma_start3A_180 = tpu.memref_squeeze %dma_start3A_179 : memref<1x80xi32, #tpu.memory_space<vmem>> -> memref<80xi32, #tpu.memory_space<vmem>>
      %dma_start3A_181 = arith.constant 0 : i32
      %dma_start3A_182 = arith.constant 0 : i32
      %dma_start3A_183 = tpu.memref_slice %arg16[%dma_start3A_181, %dma_start3A_182] : memref<10240x64xf32, #tpu.memory_space<vmem_shared>> -> memref<10240x64xf32, #tpu.memory_space<vmem_shared>>
      tpu.enqueue_indirect_dma source(%arg9 : memref<80x64xf32, #tpu.memory_space<vmem>>) target(%dma_start3A_183 : memref<10240x64xf32, #tpu.memory_space<vmem_shared>>) offsets(%dma_start3A_180 : memref<80xi32, #tpu.memory_space<vmem>>) semaphore(%arg26 : memref<!tpu.dma_semaphore, #tpu.memory_space<semaphore_mem>>) {add = true}
      %ge3A_184 = arith.constant 4 : i32
      %ge3A_185 = arith.cmpi sge, %add3A_167, %ge3A_184 : i32
      %convert_element_type3A_186 = arith.extui %ge3A_185 : i1 to i32
      %cond3A_187 = arith.constant 0 : i32
      %cond3A_188 = arith.cmpi ne, %convert_element_type3A_186, %cond3A_187 : i32
      scf.if %cond3A_188 {
        %sub3A = arith.constant 4 : i32
        %sub3A_388 = arith.subi %add3A_167, %sub3A : i32
        %dma_wait3A_389 = arith.constant 0 : i32
        %dma_wait3A_390 = tpu.memref_slice %arg7[%sub3A_388, %dma_wait3A_389] : memref<250x80xi32, #tpu.memory_space<vmem>> -> memref<1x80xi32, #tpu.memory_space<vmem>>
        %dma_wait3A_391 = tpu.memref_squeeze %dma_wait3A_390 : memref<1x80xi32, #tpu.memory_space<vmem>> -> memref<80xi32, #tpu.memory_space<vmem>>
        %dma_wait3A_392 = arith.constant 0 : i32
        %dma_wait3A_393 = arith.constant 0 : i32
        %dma_wait3A_394 = tpu.memref_slice %arg16[%dma_wait3A_392, %dma_wait3A_393] : memref<10240x64xf32, #tpu.memory_space<vmem_shared>> -> memref<10240x64xf32, #tpu.memory_space<vmem_shared>>
        tpu.wait_indirect_dma semaphore(%arg30 : memref<!tpu.dma_semaphore, #tpu.memory_space<semaphore_mem>>) src(%arg13 : memref<80x64xf32, #tpu.memory_space<vmem>>) dst(%dma_wait3A_394 : memref<10240x64xf32, #tpu.memory_space<vmem_shared>>)
      } else {
      }
      %add3A_189 = arith.constant 4 : i32
      %add3A_190 = arith.addi %add3A_167, %add3A_189 : i32
      %lt3A_191 = arith.constant 250 : i32
      %lt3A_192 = arith.cmpi slt, %add3A_190, %lt3A_191 : i32
      %convert_element_type3A_193 = arith.extui %lt3A_192 : i1 to i32
      %cond3A_194 = arith.constant 0 : i32
      %cond3A_195 = arith.cmpi ne, %convert_element_type3A_193, %cond3A_194 : i32
      scf.if %cond3A_195 {
        %add3A_388 = arith.constant 4 : i32
        %add3A_389 = arith.addi %add3A_167, %add3A_388 : i32
        %dma_start3A_390 = arith.constant 0 : i32
        %dma_start3A_391 = tpu.memref_slice %arg6[%add3A_389, %dma_start3A_390] : memref<250x80xi32, #tpu.memory_space<vmem>> -> memref<1x80xi32, #tpu.memory_space<vmem>>
        %dma_start3A_392 = tpu.memref_squeeze %dma_start3A_391 : memref<1x80xi32, #tpu.memory_space<vmem>> -> memref<80xi32, #tpu.memory_space<vmem>>
        %dma_start3A_393 = arith.constant 0 : i32
        %dma_start3A_394 = arith.constant 0 : i32
        %dma_start3A_395 = tpu.memref_slice %arg2[%arg0, %dma_start3A_393, %dma_start3A_394] : memref<2x10000x64xf32, #tpu.memory_space<hbm>> -> memref<1x10000x64xf32, #tpu.memory_space<hbm>>
        %dma_start3A_396 = tpu.memref_squeeze %dma_start3A_395 : memref<1x10000x64xf32, #tpu.memory_space<hbm>> -> memref<10000x64xf32, #tpu.memory_space<hbm>>
        %dma_start3A_397 = arith.constant 0 : i32
        %dma_start3A_398 = arith.constant 0 : i32
        %dma_start3A_399 = tpu.memref_slice %dma_start3A_396[%dma_start3A_397, %dma_start3A_398] : memref<10000x64xf32, #tpu.memory_space<hbm>> -> memref<10000x64xf32, #tpu.memory_space<hbm>>
        tpu.enqueue_indirect_dma source(%dma_start3A_399 : memref<10000x64xf32, #tpu.memory_space<hbm>>) target(%arg13 : memref<80x64xf32, #tpu.memory_space<vmem>>) offsets(%dma_start3A_392 : memref<80xi32, #tpu.memory_space<vmem>>) semaphore(%arg22 : memref<!tpu.dma_semaphore, #tpu.memory_space<semaphore_mem>>)
      } else {
      }
      %mul3A_196 = arith.constant 8 : i32
      %mul3A_197 = arith.muli %scan3A_133, %mul3A_196 : i32
      %add3A_198 = arith.constant 2 : i32
      %add3A_199 = arith.addi %mul3A_197, %add3A_198 : i32
      %dma_wait3A_200 = arith.constant 0 : i32
      %dma_wait3A_201 = tpu.memref_slice %arg6[%add3A_199, %dma_wait3A_200] : memref<250x80xi32, #tpu.memory_space<vmem>> -> memref<1x80xi32, #tpu.memory_space<vmem>>
      %dma_wait3A_202 = tpu.memref_squeeze %dma_wait3A_201 : memref<1x80xi32, #tpu.memory_space<vmem>> -> memref<80xi32, #tpu.memory_space<vmem>>
      %dma_wait3A_203 = arith.constant 0 : i32
      %dma_wait3A_204 = arith.constant 0 : i32
      %dma_wait3A_205 = tpu.memref_slice %arg2[%arg0, %dma_wait3A_203, %dma_wait3A_204] : memref<2x10000x64xf32, #tpu.memory_space<hbm>> -> memref<1x10000x64xf32, #tpu.memory_space<hbm>>
      %dma_wait3A_206 = tpu.memref_squeeze %dma_wait3A_205 : memref<1x10000x64xf32, #tpu.memory_space<hbm>> -> memref<10000x64xf32, #tpu.memory_space<hbm>>
      %dma_wait3A_207 = arith.constant 0 : i32
      %dma_wait3A_208 = arith.constant 0 : i32
      %dma_wait3A_209 = tpu.memref_slice %dma_wait3A_206[%dma_wait3A_207, %dma_wait3A_208] : memref<10000x64xf32, #tpu.memory_space<hbm>> -> memref<10000x64xf32, #tpu.memory_space<hbm>>
      tpu.wait_indirect_dma semaphore(%arg19 : memref<!tpu.dma_semaphore, #tpu.memory_space<semaphore_mem>>) src(%dma_wait3A_209 : memref<10000x64xf32, #tpu.memory_space<hbm>>) dst(%arg10 : memref<80x64xf32, #tpu.memory_space<vmem>>)
      %dma_start3A_210 = arith.constant 0 : i32
      %dma_start3A_211 = tpu.memref_slice %arg7[%add3A_199, %dma_start3A_210] : memref<250x80xi32, #tpu.memory_space<vmem>> -> memref<1x80xi32, #tpu.memory_space<vmem>>
      %dma_start3A_212 = tpu.memref_squeeze %dma_start3A_211 : memref<1x80xi32, #tpu.memory_space<vmem>> -> memref<80xi32, #tpu.memory_space<vmem>>
      %dma_start3A_213 = arith.constant 0 : i32
      %dma_start3A_214 = arith.constant 0 : i32
      %dma_start3A_215 = tpu.memref_slice %arg16[%dma_start3A_213, %dma_start3A_214] : memref<10240x64xf32, #tpu.memory_space<vmem_shared>> -> memref<10240x64xf32, #tpu.memory_space<vmem_shared>>
      tpu.enqueue_indirect_dma source(%arg10 : memref<80x64xf32, #tpu.memory_space<vmem>>) target(%dma_start3A_215 : memref<10240x64xf32, #tpu.memory_space<vmem_shared>>) offsets(%dma_start3A_212 : memref<80xi32, #tpu.memory_space<vmem>>) semaphore(%arg27 : memref<!tpu.dma_semaphore, #tpu.memory_space<semaphore_mem>>) {add = true}
      %ge3A_216 = arith.constant 4 : i32
      %ge3A_217 = arith.cmpi sge, %add3A_199, %ge3A_216 : i32
      %convert_element_type3A_218 = arith.extui %ge3A_217 : i1 to i32
      %cond3A_219 = arith.constant 0 : i32
      %cond3A_220 = arith.cmpi ne, %convert_element_type3A_218, %cond3A_219 : i32
      scf.if %cond3A_220 {
        %sub3A = arith.constant 4 : i32
        %sub3A_388 = arith.subi %add3A_199, %sub3A : i32
        %dma_wait3A_389 = arith.constant 0 : i32
        %dma_wait3A_390 = tpu.memref_slice %arg7[%sub3A_388, %dma_wait3A_389] : memref<250x80xi32, #tpu.memory_space<vmem>> -> memref<1x80xi32, #tpu.memory_space<vmem>>
        %dma_wait3A_391 = tpu.memref_squeeze %dma_wait3A_390 : memref<1x80xi32, #tpu.memory_space<vmem>> -> memref<80xi32, #tpu.memory_space<vmem>>
        %dma_wait3A_392 = arith.constant 0 : i32
        %dma_wait3A_393 = arith.constant 0 : i32
        %dma_wait3A_394 = tpu.memref_slice %arg16[%dma_wait3A_392, %dma_wait3A_393] : memref<10240x64xf32, #tpu.memory_space<vmem_shared>> -> memref<10240x64xf32, #tpu.memory_space<vmem_shared>>
        tpu.wait_indirect_dma semaphore(%arg31 : memref<!tpu.dma_semaphore, #tpu.memory_space<semaphore_mem>>) src(%arg14 : memref<80x64xf32, #tpu.memory_space<vmem>>) dst(%dma_wait3A_394 : memref<10240x64xf32, #tpu.memory_space<vmem_shared>>)
      } else {
      }
      %add3A_221 = arith.constant 4 : i32
      %add3A_222 = arith.addi %add3A_199, %add3A_221 : i32
      %lt3A_223 = arith.constant 250 : i32
      %lt3A_224 = arith.cmpi slt, %add3A_222, %lt3A_223 : i32
      %convert_element_type3A_225 = arith.extui %lt3A_224 : i1 to i32
      %cond3A_226 = arith.constant 0 : i32
      %cond3A_227 = arith.cmpi ne, %convert_element_type3A_225, %cond3A_226 : i32
      scf.if %cond3A_227 {
        %add3A_388 = arith.constant 4 : i32
        %add3A_389 = arith.addi %add3A_199, %add3A_388 : i32
        %dma_start3A_390 = arith.constant 0 : i32
        %dma_start3A_391 = tpu.memref_slice %arg6[%add3A_389, %dma_start3A_390] : memref<250x80xi32, #tpu.memory_space<vmem>> -> memref<1x80xi32, #tpu.memory_space<vmem>>
        %dma_start3A_392 = tpu.memref_squeeze %dma_start3A_391 : memref<1x80xi32, #tpu.memory_space<vmem>> -> memref<80xi32, #tpu.memory_space<vmem>>
        %dma_start3A_393 = arith.constant 0 : i32
        %dma_start3A_394 = arith.constant 0 : i32
        %dma_start3A_395 = tpu.memref_slice %arg2[%arg0, %dma_start3A_393, %dma_start3A_394] : memref<2x10000x64xf32, #tpu.memory_space<hbm>> -> memref<1x10000x64xf32, #tpu.memory_space<hbm>>
        %dma_start3A_396 = tpu.memref_squeeze %dma_start3A_395 : memref<1x10000x64xf32, #tpu.memory_space<hbm>> -> memref<10000x64xf32, #tpu.memory_space<hbm>>
        %dma_start3A_397 = arith.constant 0 : i32
        %dma_start3A_398 = arith.constant 0 : i32
        %dma_start3A_399 = tpu.memref_slice %dma_start3A_396[%dma_start3A_397, %dma_start3A_398] : memref<10000x64xf32, #tpu.memory_space<hbm>> -> memref<10000x64xf32, #tpu.memory_space<hbm>>
        tpu.enqueue_indirect_dma source(%dma_start3A_399 : memref<10000x64xf32, #tpu.memory_space<hbm>>) target(%arg14 : memref<80x64xf32, #tpu.memory_space<vmem>>) offsets(%dma_start3A_392 : memref<80xi32, #tpu.memory_space<vmem>>) semaphore(%arg23 : memref<!tpu.dma_semaphore, #tpu.memory_space<semaphore_mem>>)
      } else {
      }
      %mul3A_228 = arith.constant 8 : i32
      %mul3A_229 = arith.muli %scan3A_133, %mul3A_228 : i32
      %add3A_230 = arith.constant 3 : i32
      %add3A_231 = arith.addi %mul3A_229, %add3A_230 : i32
      %dma_wait3A_232 = arith.constant 0 : i32
      %dma_wait3A_233 = tpu.memref_slice %arg6[%add3A_231, %dma_wait3A_232] : memref<250x80xi32, #tpu.memory_space<vmem>> -> memref<1x80xi32, #tpu.memory_space<vmem>>
      %dma_wait3A_234 = tpu.memref_squeeze %dma_wait3A_233 : memref<1x80xi32, #tpu.memory_space<vmem>> -> memref<80xi32, #tpu.memory_space<vmem>>
      %dma_wait3A_235 = arith.constant 0 : i32
      %dma_wait3A_236 = arith.constant 0 : i32
      %dma_wait3A_237 = tpu.memref_slice %arg2[%arg0, %dma_wait3A_235, %dma_wait3A_236] : memref<2x10000x64xf32, #tpu.memory_space<hbm>> -> memref<1x10000x64xf32, #tpu.memory_space<hbm>>
      %dma_wait3A_238 = tpu.memref_squeeze %dma_wait3A_237 : memref<1x10000x64xf32, #tpu.memory_space<hbm>> -> memref<10000x64xf32, #tpu.memory_space<hbm>>
      %dma_wait3A_239 = arith.constant 0 : i32
      %dma_wait3A_240 = arith.constant 0 : i32
      %dma_wait3A_241 = tpu.memref_slice %dma_wait3A_238[%dma_wait3A_239, %dma_wait3A_240] : memref<10000x64xf32, #tpu.memory_space<hbm>> -> memref<10000x64xf32, #tpu.memory_space<hbm>>
      tpu.wait_indirect_dma semaphore(%arg20 : memref<!tpu.dma_semaphore, #tpu.memory_space<semaphore_mem>>) src(%dma_wait3A_241 : memref<10000x64xf32, #tpu.memory_space<hbm>>) dst(%arg11 : memref<80x64xf32, #tpu.memory_space<vmem>>)
      %dma_start3A_242 = arith.constant 0 : i32
      %dma_start3A_243 = tpu.memref_slice %arg7[%add3A_231, %dma_start3A_242] : memref<250x80xi32, #tpu.memory_space<vmem>> -> memref<1x80xi32, #tpu.memory_space<vmem>>
      %dma_start3A_244 = tpu.memref_squeeze %dma_start3A_243 : memref<1x80xi32, #tpu.memory_space<vmem>> -> memref<80xi32, #tpu.memory_space<vmem>>
      %dma_start3A_245 = arith.constant 0 : i32
      %dma_start3A_246 = arith.constant 0 : i32
      %dma_start3A_247 = tpu.memref_slice %arg16[%dma_start3A_245, %dma_start3A_246] : memref<10240x64xf32, #tpu.memory_space<vmem_shared>> -> memref<10240x64xf32, #tpu.memory_space<vmem_shared>>
      tpu.enqueue_indirect_dma source(%arg11 : memref<80x64xf32, #tpu.memory_space<vmem>>) target(%dma_start3A_247 : memref<10240x64xf32, #tpu.memory_space<vmem_shared>>) offsets(%dma_start3A_244 : memref<80xi32, #tpu.memory_space<vmem>>) semaphore(%arg28 : memref<!tpu.dma_semaphore, #tpu.memory_space<semaphore_mem>>) {add = true}
      %ge3A_248 = arith.constant 4 : i32
      %ge3A_249 = arith.cmpi sge, %add3A_231, %ge3A_248 : i32
      %convert_element_type3A_250 = arith.extui %ge3A_249 : i1 to i32
      %cond3A_251 = arith.constant 0 : i32
      %cond3A_252 = arith.cmpi ne, %convert_element_type3A_250, %cond3A_251 : i32
      scf.if %cond3A_252 {
        %sub3A = arith.constant 4 : i32
        %sub3A_388 = arith.subi %add3A_231, %sub3A : i32
        %dma_wait3A_389 = arith.constant 0 : i32
        %dma_wait3A_390 = tpu.memref_slice %arg7[%sub3A_388, %dma_wait3A_389] : memref<250x80xi32, #tpu.memory_space<vmem>> -> memref<1x80xi32, #tpu.memory_space<vmem>>
        %dma_wait3A_391 = tpu.memref_squeeze %dma_wait3A_390 : memref<1x80xi32, #tpu.memory_space<vmem>> -> memref<80xi32, #tpu.memory_space<vmem>>
        %dma_wait3A_392 = arith.constant 0 : i32
        %dma_wait3A_393 = arith.constant 0 : i32
        %dma_wait3A_394 = tpu.memref_slice %arg16[%dma_wait3A_392, %dma_wait3A_393] : memref<10240x64xf32, #tpu.memory_space<vmem_shared>> -> memref<10240x64xf32, #tpu.memory_space<vmem_shared>>
        tpu.wait_indirect_dma semaphore(%arg32 : memref<!tpu.dma_semaphore, #tpu.memory_space<semaphore_mem>>) src(%arg15 : memref<80x64xf32, #tpu.memory_space<vmem>>) dst(%dma_wait3A_394 : memref<10240x64xf32, #tpu.memory_space<vmem_shared>>)
      } else {
      }
      %add3A_253 = arith.constant 4 : i32
      %add3A_254 = arith.addi %add3A_231, %add3A_253 : i32
      %lt3A_255 = arith.constant 250 : i32
      %lt3A_256 = arith.cmpi slt, %add3A_254, %lt3A_255 : i32
      %convert_element_type3A_257 = arith.extui %lt3A_256 : i1 to i32
      %cond3A_258 = arith.constant 0 : i32
      %cond3A_259 = arith.cmpi ne, %convert_element_type3A_257, %cond3A_258 : i32
      scf.if %cond3A_259 {
        %add3A_388 = arith.constant 4 : i32
        %add3A_389 = arith.addi %add3A_231, %add3A_388 : i32
        %dma_start3A_390 = arith.constant 0 : i32
        %dma_start3A_391 = tpu.memref_slice %arg6[%add3A_389, %dma_start3A_390] : memref<250x80xi32, #tpu.memory_space<vmem>> -> memref<1x80xi32, #tpu.memory_space<vmem>>
        %dma_start3A_392 = tpu.memref_squeeze %dma_start3A_391 : memref<1x80xi32, #tpu.memory_space<vmem>> -> memref<80xi32, #tpu.memory_space<vmem>>
        %dma_start3A_393 = arith.constant 0 : i32
        %dma_start3A_394 = arith.constant 0 : i32
        %dma_start3A_395 = tpu.memref_slice %arg2[%arg0, %dma_start3A_393, %dma_start3A_394] : memref<2x10000x64xf32, #tpu.memory_space<hbm>> -> memref<1x10000x64xf32, #tpu.memory_space<hbm>>
        %dma_start3A_396 = tpu.memref_squeeze %dma_start3A_395 : memref<1x10000x64xf32, #tpu.memory_space<hbm>> -> memref<10000x64xf32, #tpu.memory_space<hbm>>
        %dma_start3A_397 = arith.constant 0 : i32
        %dma_start3A_398 = arith.constant 0 : i32
        %dma_start3A_399 = tpu.memref_slice %dma_start3A_396[%dma_start3A_397, %dma_start3A_398] : memref<10000x64xf32, #tpu.memory_space<hbm>> -> memref<10000x64xf32, #tpu.memory_space<hbm>>
        tpu.enqueue_indirect_dma source(%dma_start3A_399 : memref<10000x64xf32, #tpu.memory_space<hbm>>) target(%arg15 : memref<80x64xf32, #tpu.memory_space<vmem>>) offsets(%dma_start3A_392 : memref<80xi32, #tpu.memory_space<vmem>>) semaphore(%arg24 : memref<!tpu.dma_semaphore, #tpu.memory_space<semaphore_mem>>)
      } else {
      }
      %mul3A_260 = arith.constant 8 : i32
      %mul3A_261 = arith.muli %scan3A_133, %mul3A_260 : i32
      %add3A_262 = arith.constant 4 : i32
      %add3A_263 = arith.addi %mul3A_261, %add3A_262 : i32
      %dma_wait3A_264 = arith.constant 0 : i32
      %dma_wait3A_265 = tpu.memref_slice %arg6[%add3A_263, %dma_wait3A_264] : memref<250x80xi32, #tpu.memory_space<vmem>> -> memref<1x80xi32, #tpu.memory_space<vmem>>
      %dma_wait3A_266 = tpu.memref_squeeze %dma_wait3A_265 : memref<1x80xi32, #tpu.memory_space<vmem>> -> memref<80xi32, #tpu.memory_space<vmem>>
      %dma_wait3A_267 = arith.constant 0 : i32
      %dma_wait3A_268 = arith.constant 0 : i32
      %dma_wait3A_269 = tpu.memref_slice %arg2[%arg0, %dma_wait3A_267, %dma_wait3A_268] : memref<2x10000x64xf32, #tpu.memory_space<hbm>> -> memref<1x10000x64xf32, #tpu.memory_space<hbm>>
      %dma_wait3A_270 = tpu.memref_squeeze %dma_wait3A_269 : memref<1x10000x64xf32, #tpu.memory_space<hbm>> -> memref<10000x64xf32, #tpu.memory_space<hbm>>
      %dma_wait3A_271 = arith.constant 0 : i32
      %dma_wait3A_272 = arith.constant 0 : i32
      %dma_wait3A_273 = tpu.memref_slice %dma_wait3A_270[%dma_wait3A_271, %dma_wait3A_272] : memref<10000x64xf32, #tpu.memory_space<hbm>> -> memref<10000x64xf32, #tpu.memory_space<hbm>>
      tpu.wait_indirect_dma semaphore(%arg21 : memref<!tpu.dma_semaphore, #tpu.memory_space<semaphore_mem>>) src(%dma_wait3A_273 : memref<10000x64xf32, #tpu.memory_space<hbm>>) dst(%arg12 : memref<80x64xf32, #tpu.memory_space<vmem>>)
      %dma_start3A_274 = arith.constant 0 : i32
      %dma_start3A_275 = tpu.memref_slice %arg7[%add3A_263, %dma_start3A_274] : memref<250x80xi32, #tpu.memory_space<vmem>> -> memref<1x80xi32, #tpu.memory_space<vmem>>
      %dma_start3A_276 = tpu.memref_squeeze %dma_start3A_275 : memref<1x80xi32, #tpu.memory_space<vmem>> -> memref<80xi32, #tpu.memory_space<vmem>>
      %dma_start3A_277 = arith.constant 0 : i32
      %dma_start3A_278 = arith.constant 0 : i32
      %dma_start3A_279 = tpu.memref_slice %arg16[%dma_start3A_277, %dma_start3A_278] : memref<10240x64xf32, #tpu.memory_space<vmem_shared>> -> memref<10240x64xf32, #tpu.memory_space<vmem_shared>>
      tpu.enqueue_indirect_dma source(%arg12 : memref<80x64xf32, #tpu.memory_space<vmem>>) target(%dma_start3A_279 : memref<10240x64xf32, #tpu.memory_space<vmem_shared>>) offsets(%dma_start3A_276 : memref<80xi32, #tpu.memory_space<vmem>>) semaphore(%arg29 : memref<!tpu.dma_semaphore, #tpu.memory_space<semaphore_mem>>) {add = true}
      %ge3A_280 = arith.constant 4 : i32
      %ge3A_281 = arith.cmpi sge, %add3A_263, %ge3A_280 : i32
      %convert_element_type3A_282 = arith.extui %ge3A_281 : i1 to i32
      %cond3A_283 = arith.constant 0 : i32
      %cond3A_284 = arith.cmpi ne, %convert_element_type3A_282, %cond3A_283 : i32
      scf.if %cond3A_284 {
        %sub3A = arith.constant 4 : i32
        %sub3A_388 = arith.subi %add3A_263, %sub3A : i32
        %dma_wait3A_389 = arith.constant 0 : i32
        %dma_wait3A_390 = tpu.memref_slice %arg7[%sub3A_388, %dma_wait3A_389] : memref<250x80xi32, #tpu.memory_space<vmem>> -> memref<1x80xi32, #tpu.memory_space<vmem>>
        %dma_wait3A_391 = tpu.memref_squeeze %dma_wait3A_390 : memref<1x80xi32, #tpu.memory_space<vmem>> -> memref<80xi32, #tpu.memory_space<vmem>>
        %dma_wait3A_392 = arith.constant 0 : i32
        %dma_wait3A_393 = arith.constant 0 : i32
        %dma_wait3A_394 = tpu.memref_slice %arg16[%dma_wait3A_392, %dma_wait3A_393] : memref<10240x64xf32, #tpu.memory_space<vmem_shared>> -> memref<10240x64xf32, #tpu.memory_space<vmem_shared>>
        tpu.wait_indirect_dma semaphore(%arg25 : memref<!tpu.dma_semaphore, #tpu.memory_space<semaphore_mem>>) src(%arg8 : memref<80x64xf32, #tpu.memory_space<vmem>>) dst(%dma_wait3A_394 : memref<10240x64xf32, #tpu.memory_space<vmem_shared>>)
      } else {
      }
      %add3A_285 = arith.constant 4 : i32
      %add3A_286 = arith.addi %add3A_263, %add3A_285 : i32
      %lt3A_287 = arith.constant 250 : i32
      %lt3A_288 = arith.cmpi slt, %add3A_286, %lt3A_287 : i32
      %convert_element_type3A_289 = arith.extui %lt3A_288 : i1 to i32
      %cond3A_290 = arith.constant 0 : i32
      %cond3A_291 = arith.cmpi ne, %convert_element_type3A_289, %cond3A_290 : i32
      scf.if %cond3A_291 {
        %add3A_388 = arith.constant 4 : i32
        %add3A_389 = arith.addi %add3A_263, %add3A_388 : i32
        %dma_start3A_390 = arith.constant 0 : i32
        %dma_start3A_391 = tpu.memref_slice %arg6[%add3A_389, %dma_start3A_390] : memref<250x80xi32, #tpu.memory_space<vmem>> -> memref<1x80xi32, #tpu.memory_space<vmem>>
        %dma_start3A_392 = tpu.memref_squeeze %dma_start3A_391 : memref<1x80xi32, #tpu.memory_space<vmem>> -> memref<80xi32, #tpu.memory_space<vmem>>
        %dma_start3A_393 = arith.constant 0 : i32
        %dma_start3A_394 = arith.constant 0 : i32
        %dma_start3A_395 = tpu.memref_slice %arg2[%arg0, %dma_start3A_393, %dma_start3A_394] : memref<2x10000x64xf32, #tpu.memory_space<hbm>> -> memref<1x10000x64xf32, #tpu.memory_space<hbm>>
        %dma_start3A_396 = tpu.memref_squeeze %dma_start3A_395 : memref<1x10000x64xf32, #tpu.memory_space<hbm>> -> memref<10000x64xf32, #tpu.memory_space<hbm>>
        %dma_start3A_397 = arith.constant 0 : i32
        %dma_start3A_398 = arith.constant 0 : i32
        %dma_start3A_399 = tpu.memref_slice %dma_start3A_396[%dma_start3A_397, %dma_start3A_398] : memref<10000x64xf32, #tpu.memory_space<hbm>> -> memref<10000x64xf32, #tpu.memory_space<hbm>>
        tpu.enqueue_indirect_dma source(%dma_start3A_399 : memref<10000x64xf32, #tpu.memory_space<hbm>>) target(%arg8 : memref<80x64xf32, #tpu.memory_space<vmem>>) offsets(%dma_start3A_392 : memref<80xi32, #tpu.memory_space<vmem>>) semaphore(%arg17 : memref<!tpu.dma_semaphore, #tpu.memory_space<semaphore_mem>>)
      } else {
      }
      %mul3A_292 = arith.constant 8 : i32
      %mul3A_293 = arith.muli %scan3A_133, %mul3A_292 : i32
      %add3A_294 = arith.constant 5 : i32
      %add3A_295 = arith.addi %mul3A_293, %add3A_294 : i32
      %dma_wait3A_296 = arith.constant 0 : i32
      %dma_wait3A_297 = tpu.memref_slice %arg6[%add3A_295, %dma_wait3A_296] : memref<250x80xi32, #tpu.memory_space<vmem>> -> memref<1x80xi32, #tpu.memory_space<vmem>>
      %dma_wait3A_298 = tpu.memref_squeeze %dma_wait3A_297 : memref<1x80xi32, #tpu.memory_space<vmem>> -> memref<80xi32, #tpu.memory_space<vmem>>
      %dma_wait3A_299 = arith.constant 0 : i32
      %dma_wait3A_300 = arith.constant 0 : i32
      %dma_wait3A_301 = tpu.memref_slice %arg2[%arg0, %dma_wait3A_299, %dma_wait3A_300] : memref<2x10000x64xf32, #tpu.memory_space<hbm>> -> memref<1x10000x64xf32, #tpu.memory_space<hbm>>
      %dma_wait3A_302 = tpu.memref_squeeze %dma_wait3A_301 : memref<1x10000x64xf32, #tpu.memory_space<hbm>> -> memref<10000x64xf32, #tpu.memory_space<hbm>>
      %dma_wait3A_303 = arith.constant 0 : i32
      %dma_wait3A_304 = arith.constant 0 : i32
      %dma_wait3A_305 = tpu.memref_slice %dma_wait3A_302[%dma_wait3A_303, %dma_wait3A_304] : memref<10000x64xf32, #tpu.memory_space<hbm>> -> memref<10000x64xf32, #tpu.memory_space<hbm>>
      tpu.wait_indirect_dma semaphore(%arg22 : memref<!tpu.dma_semaphore, #tpu.memory_space<semaphore_mem>>) src(%dma_wait3A_305 : memref<10000x64xf32, #tpu.memory_space<hbm>>) dst(%arg13 : memref<80x64xf32, #tpu.memory_space<vmem>>)
      %dma_start3A_306 = arith.constant 0 : i32
      %dma_start3A_307 = tpu.memref_slice %arg7[%add3A_295, %dma_start3A_306] : memref<250x80xi32, #tpu.memory_space<vmem>> -> memref<1x80xi32, #tpu.memory_space<vmem>>
      %dma_start3A_308 = tpu.memref_squeeze %dma_start3A_307 : memref<1x80xi32, #tpu.memory_space<vmem>> -> memref<80xi32, #tpu.memory_space<vmem>>
      %dma_start3A_309 = arith.constant 0 : i32
      %dma_start3A_310 = arith.constant 0 : i32
      %dma_start3A_311 = tpu.memref_slice %arg16[%dma_start3A_309, %dma_start3A_310] : memref<10240x64xf32, #tpu.memory_space<vmem_shared>> -> memref<10240x64xf32, #tpu.memory_space<vmem_shared>>
      tpu.enqueue_indirect_dma source(%arg13 : memref<80x64xf32, #tpu.memory_space<vmem>>) target(%dma_start3A_311 : memref<10240x64xf32, #tpu.memory_space<vmem_shared>>) offsets(%dma_start3A_308 : memref<80xi32, #tpu.memory_space<vmem>>) semaphore(%arg30 : memref<!tpu.dma_semaphore, #tpu.memory_space<semaphore_mem>>) {add = true}
      %ge3A_312 = arith.constant 4 : i32
      %ge3A_313 = arith.cmpi sge, %add3A_295, %ge3A_312 : i32
      %convert_element_type3A_314 = arith.extui %ge3A_313 : i1 to i32
      %cond3A_315 = arith.constant 0 : i32
      %cond3A_316 = arith.cmpi ne, %convert_element_type3A_314, %cond3A_315 : i32
      scf.if %cond3A_316 {
        %sub3A = arith.constant 4 : i32
        %sub3A_388 = arith.subi %add3A_295, %sub3A : i32
        %dma_wait3A_389 = arith.constant 0 : i32
        %dma_wait3A_390 = tpu.memref_slice %arg7[%sub3A_388, %dma_wait3A_389] : memref<250x80xi32, #tpu.memory_space<vmem>> -> memref<1x80xi32, #tpu.memory_space<vmem>>
        %dma_wait3A_391 = tpu.memref_squeeze %dma_wait3A_390 : memref<1x80xi32, #tpu.memory_space<vmem>> -> memref<80xi32, #tpu.memory_space<vmem>>
        %dma_wait3A_392 = arith.constant 0 : i32
        %dma_wait3A_393 = arith.constant 0 : i32
        %dma_wait3A_394 = tpu.memref_slice %arg16[%dma_wait3A_392, %dma_wait3A_393] : memref<10240x64xf32, #tpu.memory_space<vmem_shared>> -> memref<10240x64xf32, #tpu.memory_space<vmem_shared>>
        tpu.wait_indirect_dma semaphore(%arg26 : memref<!tpu.dma_semaphore, #tpu.memory_space<semaphore_mem>>) src(%arg9 : memref<80x64xf32, #tpu.memory_space<vmem>>) dst(%dma_wait3A_394 : memref<10240x64xf32, #tpu.memory_space<vmem_shared>>)
      } else {
      }
      %add3A_317 = arith.constant 4 : i32
      %add3A_318 = arith.addi %add3A_295, %add3A_317 : i32
      %lt3A_319 = arith.constant 250 : i32
      %lt3A_320 = arith.cmpi slt, %add3A_318, %lt3A_319 : i32
      %convert_element_type3A_321 = arith.extui %lt3A_320 : i1 to i32
      %cond3A_322 = arith.constant 0 : i32
      %cond3A_323 = arith.cmpi ne, %convert_element_type3A_321, %cond3A_322 : i32
      scf.if %cond3A_323 {
        %add3A_388 = arith.constant 4 : i32
        %add3A_389 = arith.addi %add3A_295, %add3A_388 : i32
        %dma_start3A_390 = arith.constant 0 : i32
        %dma_start3A_391 = tpu.memref_slice %arg6[%add3A_389, %dma_start3A_390] : memref<250x80xi32, #tpu.memory_space<vmem>> -> memref<1x80xi32, #tpu.memory_space<vmem>>
        %dma_start3A_392 = tpu.memref_squeeze %dma_start3A_391 : memref<1x80xi32, #tpu.memory_space<vmem>> -> memref<80xi32, #tpu.memory_space<vmem>>
        %dma_start3A_393 = arith.constant 0 : i32
        %dma_start3A_394 = arith.constant 0 : i32
        %dma_start3A_395 = tpu.memref_slice %arg2[%arg0, %dma_start3A_393, %dma_start3A_394] : memref<2x10000x64xf32, #tpu.memory_space<hbm>> -> memref<1x10000x64xf32, #tpu.memory_space<hbm>>
        %dma_start3A_396 = tpu.memref_squeeze %dma_start3A_395 : memref<1x10000x64xf32, #tpu.memory_space<hbm>> -> memref<10000x64xf32, #tpu.memory_space<hbm>>
        %dma_start3A_397 = arith.constant 0 : i32
        %dma_start3A_398 = arith.constant 0 : i32
        %dma_start3A_399 = tpu.memref_slice %dma_start3A_396[%dma_start3A_397, %dma_start3A_398] : memref<10000x64xf32, #tpu.memory_space<hbm>> -> memref<10000x64xf32, #tpu.memory_space<hbm>>
        tpu.enqueue_indirect_dma source(%dma_start3A_399 : memref<10000x64xf32, #tpu.memory_space<hbm>>) target(%arg9 : memref<80x64xf32, #tpu.memory_space<vmem>>) offsets(%dma_start3A_392 : memref<80xi32, #tpu.memory_space<vmem>>) semaphore(%arg18 : memref<!tpu.dma_semaphore, #tpu.memory_space<semaphore_mem>>)
      } else {
      }
      %mul3A_324 = arith.constant 8 : i32
      %mul3A_325 = arith.muli %scan3A_133, %mul3A_324 : i32
      %add3A_326 = arith.constant 6 : i32
      %add3A_327 = arith.addi %mul3A_325, %add3A_326 : i32
      %dma_wait3A_328 = arith.constant 0 : i32
      %dma_wait3A_329 = tpu.memref_slice %arg6[%add3A_327, %dma_wait3A_328] : memref<250x80xi32, #tpu.memory_space<vmem>> -> memref<1x80xi32, #tpu.memory_space<vmem>>
      %dma_wait3A_330 = tpu.memref_squeeze %dma_wait3A_329 : memref<1x80xi32, #tpu.memory_space<vmem>> -> memref<80xi32, #tpu.memory_space<vmem>>
      %dma_wait3A_331 = arith.constant 0 : i32
      %dma_wait3A_332 = arith.constant 0 : i32
      %dma_wait3A_333 = tpu.memref_slice %arg2[%arg0, %dma_wait3A_331, %dma_wait3A_332] : memref<2x10000x64xf32, #tpu.memory_space<hbm>> -> memref<1x10000x64xf32, #tpu.memory_space<hbm>>
      %dma_wait3A_334 = tpu.memref_squeeze %dma_wait3A_333 : memref<1x10000x64xf32, #tpu.memory_space<hbm>> -> memref<10000x64xf32, #tpu.memory_space<hbm>>
      %dma_wait3A_335 = arith.constant 0 : i32
      %dma_wait3A_336 = arith.constant 0 : i32
      %dma_wait3A_337 = tpu.memref_slice %dma_wait3A_334[%dma_wait3A_335, %dma_wait3A_336] : memref<10000x64xf32, #tpu.memory_space<hbm>> -> memref<10000x64xf32, #tpu.memory_space<hbm>>
      tpu.wait_indirect_dma semaphore(%arg23 : memref<!tpu.dma_semaphore, #tpu.memory_space<semaphore_mem>>) src(%dma_wait3A_337 : memref<10000x64xf32, #tpu.memory_space<hbm>>) dst(%arg14 : memref<80x64xf32, #tpu.memory_space<vmem>>)
      %dma_start3A_338 = arith.constant 0 : i32
      %dma_start3A_339 = tpu.memref_slice %arg7[%add3A_327, %dma_start3A_338] : memref<250x80xi32, #tpu.memory_space<vmem>> -> memref<1x80xi32, #tpu.memory_space<vmem>>
      %dma_start3A_340 = tpu.memref_squeeze %dma_start3A_339 : memref<1x80xi32, #tpu.memory_space<vmem>> -> memref<80xi32, #tpu.memory_space<vmem>>
      %dma_start3A_341 = arith.constant 0 : i32
      %dma_start3A_342 = arith.constant 0 : i32
      %dma_start3A_343 = tpu.memref_slice %arg16[%dma_start3A_341, %dma_start3A_342] : memref<10240x64xf32, #tpu.memory_space<vmem_shared>> -> memref<10240x64xf32, #tpu.memory_space<vmem_shared>>
      tpu.enqueue_indirect_dma source(%arg14 : memref<80x64xf32, #tpu.memory_space<vmem>>) target(%dma_start3A_343 : memref<10240x64xf32, #tpu.memory_space<vmem_shared>>) offsets(%dma_start3A_340 : memref<80xi32, #tpu.memory_space<vmem>>) semaphore(%arg31 : memref<!tpu.dma_semaphore, #tpu.memory_space<semaphore_mem>>) {add = true}
      %ge3A_344 = arith.constant 4 : i32
      %ge3A_345 = arith.cmpi sge, %add3A_327, %ge3A_344 : i32
      %convert_element_type3A_346 = arith.extui %ge3A_345 : i1 to i32
      %cond3A_347 = arith.constant 0 : i32
      %cond3A_348 = arith.cmpi ne, %convert_element_type3A_346, %cond3A_347 : i32
      scf.if %cond3A_348 {
        %sub3A = arith.constant 4 : i32
        %sub3A_388 = arith.subi %add3A_327, %sub3A : i32
        %dma_wait3A_389 = arith.constant 0 : i32
        %dma_wait3A_390 = tpu.memref_slice %arg7[%sub3A_388, %dma_wait3A_389] : memref<250x80xi32, #tpu.memory_space<vmem>> -> memref<1x80xi32, #tpu.memory_space<vmem>>
        %dma_wait3A_391 = tpu.memref_squeeze %dma_wait3A_390 : memref<1x80xi32, #tpu.memory_space<vmem>> -> memref<80xi32, #tpu.memory_space<vmem>>
        %dma_wait3A_392 = arith.constant 0 : i32
        %dma_wait3A_393 = arith.constant 0 : i32
        %dma_wait3A_394 = tpu.memref_slice %arg16[%dma_wait3A_392, %dma_wait3A_393] : memref<10240x64xf32, #tpu.memory_space<vmem_shared>> -> memref<10240x64xf32, #tpu.memory_space<vmem_shared>>
        tpu.wait_indirect_dma semaphore(%arg27 : memref<!tpu.dma_semaphore, #tpu.memory_space<semaphore_mem>>) src(%arg10 : memref<80x64xf32, #tpu.memory_space<vmem>>) dst(%dma_wait3A_394 : memref<10240x64xf32, #tpu.memory_space<vmem_shared>>)
      } else {
      }
      %add3A_349 = arith.constant 4 : i32
      %add3A_350 = arith.addi %add3A_327, %add3A_349 : i32
      %lt3A_351 = arith.constant 250 : i32
      %lt3A_352 = arith.cmpi slt, %add3A_350, %lt3A_351 : i32
      %convert_element_type3A_353 = arith.extui %lt3A_352 : i1 to i32
      %cond3A_354 = arith.constant 0 : i32
      %cond3A_355 = arith.cmpi ne, %convert_element_type3A_353, %cond3A_354 : i32
      scf.if %cond3A_355 {
        %add3A_388 = arith.constant 4 : i32
        %add3A_389 = arith.addi %add3A_327, %add3A_388 : i32
        %dma_start3A_390 = arith.constant 0 : i32
        %dma_start3A_391 = tpu.memref_slice %arg6[%add3A_389, %dma_start3A_390] : memref<250x80xi32, #tpu.memory_space<vmem>> -> memref<1x80xi32, #tpu.memory_space<vmem>>
        %dma_start3A_392 = tpu.memref_squeeze %dma_start3A_391 : memref<1x80xi32, #tpu.memory_space<vmem>> -> memref<80xi32, #tpu.memory_space<vmem>>
        %dma_start3A_393 = arith.constant 0 : i32
        %dma_start3A_394 = arith.constant 0 : i32
        %dma_start3A_395 = tpu.memref_slice %arg2[%arg0, %dma_start3A_393, %dma_start3A_394] : memref<2x10000x64xf32, #tpu.memory_space<hbm>> -> memref<1x10000x64xf32, #tpu.memory_space<hbm>>
        %dma_start3A_396 = tpu.memref_squeeze %dma_start3A_395 : memref<1x10000x64xf32, #tpu.memory_space<hbm>> -> memref<10000x64xf32, #tpu.memory_space<hbm>>
        %dma_start3A_397 = arith.constant 0 : i32
        %dma_start3A_398 = arith.constant 0 : i32
        %dma_start3A_399 = tpu.memref_slice %dma_start3A_396[%dma_start3A_397, %dma_start3A_398] : memref<10000x64xf32, #tpu.memory_space<hbm>> -> memref<10000x64xf32, #tpu.memory_space<hbm>>
        tpu.enqueue_indirect_dma source(%dma_start3A_399 : memref<10000x64xf32, #tpu.memory_space<hbm>>) target(%arg10 : memref<80x64xf32, #tpu.memory_space<vmem>>) offsets(%dma_start3A_392 : memref<80xi32, #tpu.memory_space<vmem>>) semaphore(%arg19 : memref<!tpu.dma_semaphore, #tpu.memory_space<semaphore_mem>>)
      } else {
      }
      %mul3A_356 = arith.constant 8 : i32
      %mul3A_357 = arith.muli %scan3A_133, %mul3A_356 : i32
      %add3A_358 = arith.constant 7 : i32
      %add3A_359 = arith.addi %mul3A_357, %add3A_358 : i32
      %dma_wait3A_360 = arith.constant 0 : i32
      %dma_wait3A_361 = tpu.memref_slice %arg6[%add3A_359, %dma_wait3A_360] : memref<250x80xi32, #tpu.memory_space<vmem>> -> memref<1x80xi32, #tpu.memory_space<vmem>>
      %dma_wait3A_362 = tpu.memref_squeeze %dma_wait3A_361 : memref<1x80xi32, #tpu.memory_space<vmem>> -> memref<80xi32, #tpu.memory_space<vmem>>
      %dma_wait3A_363 = arith.constant 0 : i32
      %dma_wait3A_364 = arith.constant 0 : i32
      %dma_wait3A_365 = tpu.memref_slice %arg2[%arg0, %dma_wait3A_363, %dma_wait3A_364] : memref<2x10000x64xf32, #tpu.memory_space<hbm>> -> memref<1x10000x64xf32, #tpu.memory_space<hbm>>
      %dma_wait3A_366 = tpu.memref_squeeze %dma_wait3A_365 : memref<1x10000x64xf32, #tpu.memory_space<hbm>> -> memref<10000x64xf32, #tpu.memory_space<hbm>>
      %dma_wait3A_367 = arith.constant 0 : i32
      %dma_wait3A_368 = arith.constant 0 : i32
      %dma_wait3A_369 = tpu.memref_slice %dma_wait3A_366[%dma_wait3A_367, %dma_wait3A_368] : memref<10000x64xf32, #tpu.memory_space<hbm>> -> memref<10000x64xf32, #tpu.memory_space<hbm>>
      tpu.wait_indirect_dma semaphore(%arg24 : memref<!tpu.dma_semaphore, #tpu.memory_space<semaphore_mem>>) src(%dma_wait3A_369 : memref<10000x64xf32, #tpu.memory_space<hbm>>) dst(%arg15 : memref<80x64xf32, #tpu.memory_space<vmem>>)
      %dma_start3A_370 = arith.constant 0 : i32
      %dma_start3A_371 = tpu.memref_slice %arg7[%add3A_359, %dma_start3A_370] : memref<250x80xi32, #tpu.memory_space<vmem>> -> memref<1x80xi32, #tpu.memory_space<vmem>>
      %dma_start3A_372 = tpu.memref_squeeze %dma_start3A_371 : memref<1x80xi32, #tpu.memory_space<vmem>> -> memref<80xi32, #tpu.memory_space<vmem>>
      %dma_start3A_373 = arith.constant 0 : i32
      %dma_start3A_374 = arith.constant 0 : i32
      %dma_start3A_375 = tpu.memref_slice %arg16[%dma_start3A_373, %dma_start3A_374] : memref<10240x64xf32, #tpu.memory_space<vmem_shared>> -> memref<10240x64xf32, #tpu.memory_space<vmem_shared>>
      tpu.enqueue_indirect_dma source(%arg15 : memref<80x64xf32, #tpu.memory_space<vmem>>) target(%dma_start3A_375 : memref<10240x64xf32, #tpu.memory_space<vmem_shared>>) offsets(%dma_start3A_372 : memref<80xi32, #tpu.memory_space<vmem>>) semaphore(%arg32 : memref<!tpu.dma_semaphore, #tpu.memory_space<semaphore_mem>>) {add = true}
      %ge3A_376 = arith.constant 4 : i32
      %ge3A_377 = arith.cmpi sge, %add3A_359, %ge3A_376 : i32
      %convert_element_type3A_378 = arith.extui %ge3A_377 : i1 to i32
      %cond3A_379 = arith.constant 0 : i32
      %cond3A_380 = arith.cmpi ne, %convert_element_type3A_378, %cond3A_379 : i32
      scf.if %cond3A_380 {
        %sub3A = arith.constant 4 : i32
        %sub3A_388 = arith.subi %add3A_359, %sub3A : i32
        %dma_wait3A_389 = arith.constant 0 : i32
        %dma_wait3A_390 = tpu.memref_slice %arg7[%sub3A_388, %dma_wait3A_389] : memref<250x80xi32, #tpu.memory_space<vmem>> -> memref<1x80xi32, #tpu.memory_space<vmem>>
        %dma_wait3A_391 = tpu.memref_squeeze %dma_wait3A_390 : memref<1x80xi32, #tpu.memory_space<vmem>> -> memref<80xi32, #tpu.memory_space<vmem>>
        %dma_wait3A_392 = arith.constant 0 : i32
        %dma_wait3A_393 = arith.constant 0 : i32
        %dma_wait3A_394 = tpu.memref_slice %arg16[%dma_wait3A_392, %dma_wait3A_393] : memref<10240x64xf32, #tpu.memory_space<vmem_shared>> -> memref<10240x64xf32, #tpu.memory_space<vmem_shared>>
        tpu.wait_indirect_dma semaphore(%arg28 : memref<!tpu.dma_semaphore, #tpu.memory_space<semaphore_mem>>) src(%arg11 : memref<80x64xf32, #tpu.memory_space<vmem>>) dst(%dma_wait3A_394 : memref<10240x64xf32, #tpu.memory_space<vmem_shared>>)
      } else {
      }
      %add3A_381 = arith.constant 4 : i32
      %add3A_382 = arith.addi %add3A_359, %add3A_381 : i32
      %lt3A_383 = arith.constant 250 : i32
      %lt3A_384 = arith.cmpi slt, %add3A_382, %lt3A_383 : i32
      %convert_element_type3A_385 = arith.extui %lt3A_384 : i1 to i32
      %cond3A_386 = arith.constant 0 : i32
      %cond3A_387 = arith.cmpi ne, %convert_element_type3A_385, %cond3A_386 : i32
      scf.if %cond3A_387 {
        %add3A_388 = arith.constant 4 : i32
        %add3A_389 = arith.addi %add3A_359, %add3A_388 : i32
        %dma_start3A_390 = arith.constant 0 : i32
        %dma_start3A_391 = tpu.memref_slice %arg6[%add3A_389, %dma_start3A_390] : memref<250x80xi32, #tpu.memory_space<vmem>> -> memref<1x80xi32, #tpu.memory_space<vmem>>
        %dma_start3A_392 = tpu.memref_squeeze %dma_start3A_391 : memref<1x80xi32, #tpu.memory_space<vmem>> -> memref<80xi32, #tpu.memory_space<vmem>>
        %dma_start3A_393 = arith.constant 0 : i32
        %dma_start3A_394 = arith.constant 0 : i32
        %dma_start3A_395 = tpu.memref_slice %arg2[%arg0, %dma_start3A_393, %dma_start3A_394] : memref<2x10000x64xf32, #tpu.memory_space<hbm>> -> memref<1x10000x64xf32, #tpu.memory_space<hbm>>
        %dma_start3A_396 = tpu.memref_squeeze %dma_start3A_395 : memref<1x10000x64xf32, #tpu.memory_space<hbm>> -> memref<10000x64xf32, #tpu.memory_space<hbm>>
        %dma_start3A_397 = arith.constant 0 : i32
        %dma_start3A_398 = arith.constant 0 : i32
        %dma_start3A_399 = tpu.memref_slice %dma_start3A_396[%dma_start3A_397, %dma_start3A_398] : memref<10000x64xf32, #tpu.memory_space<hbm>> -> memref<10000x64xf32, #tpu.memory_space<hbm>>
        tpu.enqueue_indirect_dma source(%dma_start3A_399 : memref<10000x64xf32, #tpu.memory_space<hbm>>) target(%arg11 : memref<80x64xf32, #tpu.memory_space<vmem>>) offsets(%dma_start3A_392 : memref<80xi32, #tpu.memory_space<vmem>>) semaphore(%arg20 : memref<!tpu.dma_semaphore, #tpu.memory_space<semaphore_mem>>)
      } else {
      }
    }
    %scan3A_53 = arith.constant 31 : i32
    %dma_wait3A = arith.constant 248 : i32
    %dma_wait3A_54 = arith.constant 0 : i32
    %dma_wait3A_55 = tpu.memref_slice %arg6[%dma_wait3A, %dma_wait3A_54] : memref<250x80xi32, #tpu.memory_space<vmem>> -> memref<1x80xi32, #tpu.memory_space<vmem>>
    %dma_wait3A_56 = tpu.memref_squeeze %dma_wait3A_55 : memref<1x80xi32, #tpu.memory_space<vmem>> -> memref<80xi32, #tpu.memory_space<vmem>>
    %dma_wait3A_57 = arith.constant 0 : i32
    %dma_wait3A_58 = arith.constant 0 : i32
    %dma_wait3A_59 = tpu.memref_slice %arg2[%arg0, %dma_wait3A_57, %dma_wait3A_58] : memref<2x10000x64xf32, #tpu.memory_space<hbm>> -> memref<1x10000x64xf32, #tpu.memory_space<hbm>>
    %dma_wait3A_60 = tpu.memref_squeeze %dma_wait3A_59 : memref<1x10000x64xf32, #tpu.memory_space<hbm>> -> memref<10000x64xf32, #tpu.memory_space<hbm>>
    %dma_wait3A_61 = arith.constant 0 : i32
    %dma_wait3A_62 = arith.constant 0 : i32
    %dma_wait3A_63 = tpu.memref_slice %dma_wait3A_60[%dma_wait3A_61, %dma_wait3A_62] : memref<10000x64xf32, #tpu.memory_space<hbm>> -> memref<10000x64xf32, #tpu.memory_space<hbm>>
    tpu.wait_indirect_dma semaphore(%arg17 : memref<!tpu.dma_semaphore, #tpu.memory_space<semaphore_mem>>) src(%dma_wait3A_63 : memref<10000x64xf32, #tpu.memory_space<hbm>>) dst(%arg8 : memref<80x64xf32, #tpu.memory_space<vmem>>)
    %dma_start3A_64 = arith.constant 248 : i32
    %dma_start3A_65 = arith.constant 0 : i32
    %dma_start3A_66 = tpu.memref_slice %arg7[%dma_start3A_64, %dma_start3A_65] : memref<250x80xi32, #tpu.memory_space<vmem>> -> memref<1x80xi32, #tpu.memory_space<vmem>>
    %dma_start3A_67 = tpu.memref_squeeze %dma_start3A_66 : memref<1x80xi32, #tpu.memory_space<vmem>> -> memref<80xi32, #tpu.memory_space<vmem>>
    %dma_start3A_68 = arith.constant 0 : i32
    %dma_start3A_69 = arith.constant 0 : i32
    %dma_start3A_70 = tpu.memref_slice %arg16[%dma_start3A_68, %dma_start3A_69] : memref<10240x64xf32, #tpu.memory_space<vmem_shared>> -> memref<10240x64xf32, #tpu.memory_space<vmem_shared>>
    tpu.enqueue_indirect_dma source(%arg8 : memref<80x64xf32, #tpu.memory_space<vmem>>) target(%dma_start3A_70 : memref<10240x64xf32, #tpu.memory_space<vmem_shared>>) offsets(%dma_start3A_67 : memref<80xi32, #tpu.memory_space<vmem>>) semaphore(%arg25 : memref<!tpu.dma_semaphore, #tpu.memory_space<semaphore_mem>>) {add = true}
    %dma_wait3A_71 = arith.constant 244 : i32
    %dma_wait3A_72 = arith.constant 0 : i32
    %dma_wait3A_73 = tpu.memref_slice %arg7[%dma_wait3A_71, %dma_wait3A_72] : memref<250x80xi32, #tpu.memory_space<vmem>> -> memref<1x80xi32, #tpu.memory_space<vmem>>
    %dma_wait3A_74 = tpu.memref_squeeze %dma_wait3A_73 : memref<1x80xi32, #tpu.memory_space<vmem>> -> memref<80xi32, #tpu.memory_space<vmem>>
    %dma_wait3A_75 = arith.constant 0 : i32
    %dma_wait3A_76 = arith.constant 0 : i32
    %dma_wait3A_77 = tpu.memref_slice %arg16[%dma_wait3A_75, %dma_wait3A_76] : memref<10240x64xf32, #tpu.memory_space<vmem_shared>> -> memref<10240x64xf32, #tpu.memory_space<vmem_shared>>
    tpu.wait_indirect_dma semaphore(%arg29 : memref<!tpu.dma_semaphore, #tpu.memory_space<semaphore_mem>>) src(%arg12 : memref<80x64xf32, #tpu.memory_space<vmem>>) dst(%dma_wait3A_77 : memref<10240x64xf32, #tpu.memory_space<vmem_shared>>)
    %dma_wait3A_78 = arith.constant 249 : i32
    %dma_wait3A_79 = arith.constant 0 : i32
    %dma_wait3A_80 = tpu.memref_slice %arg6[%dma_wait3A_78, %dma_wait3A_79] : memref<250x80xi32, #tpu.memory_space<vmem>> -> memref<1x80xi32, #tpu.memory_space<vmem>>
    %dma_wait3A_81 = tpu.memref_squeeze %dma_wait3A_80 : memref<1x80xi32, #tpu.memory_space<vmem>> -> memref<80xi32, #tpu.memory_space<vmem>>
    %dma_wait3A_82 = arith.constant 0 : i32
    %dma_wait3A_83 = arith.constant 0 : i32
    %dma_wait3A_84 = tpu.memref_slice %arg2[%arg0, %dma_wait3A_82, %dma_wait3A_83] : memref<2x10000x64xf32, #tpu.memory_space<hbm>> -> memref<1x10000x64xf32, #tpu.memory_space<hbm>>
    %dma_wait3A_85 = tpu.memref_squeeze %dma_wait3A_84 : memref<1x10000x64xf32, #tpu.memory_space<hbm>> -> memref<10000x64xf32, #tpu.memory_space<hbm>>
    %dma_wait3A_86 = arith.constant 0 : i32
    %dma_wait3A_87 = arith.constant 0 : i32
    %dma_wait3A_88 = tpu.memref_slice %dma_wait3A_85[%dma_wait3A_86, %dma_wait3A_87] : memref<10000x64xf32, #tpu.memory_space<hbm>> -> memref<10000x64xf32, #tpu.memory_space<hbm>>
    tpu.wait_indirect_dma semaphore(%arg18 : memref<!tpu.dma_semaphore, #tpu.memory_space<semaphore_mem>>) src(%dma_wait3A_88 : memref<10000x64xf32, #tpu.memory_space<hbm>>) dst(%arg9 : memref<80x64xf32, #tpu.memory_space<vmem>>)
    %dma_start3A_89 = arith.constant 249 : i32
    %dma_start3A_90 = arith.constant 0 : i32
    %dma_start3A_91 = tpu.memref_slice %arg7[%dma_start3A_89, %dma_start3A_90] : memref<250x80xi32, #tpu.memory_space<vmem>> -> memref<1x80xi32, #tpu.memory_space<vmem>>
    %dma_start3A_92 = tpu.memref_squeeze %dma_start3A_91 : memref<1x80xi32, #tpu.memory_space<vmem>> -> memref<80xi32, #tpu.memory_space<vmem>>
    %dma_start3A_93 = arith.constant 0 : i32
    %dma_start3A_94 = arith.constant 0 : i32
    %dma_start3A_95 = tpu.memref_slice %arg16[%dma_start3A_93, %dma_start3A_94] : memref<10240x64xf32, #tpu.memory_space<vmem_shared>> -> memref<10240x64xf32, #tpu.memory_space<vmem_shared>>
    tpu.enqueue_indirect_dma source(%arg9 : memref<80x64xf32, #tpu.memory_space<vmem>>) target(%dma_start3A_95 : memref<10240x64xf32, #tpu.memory_space<vmem_shared>>) offsets(%dma_start3A_92 : memref<80xi32, #tpu.memory_space<vmem>>) semaphore(%arg26 : memref<!tpu.dma_semaphore, #tpu.memory_space<semaphore_mem>>) {add = true}
    %dma_wait3A_96 = arith.constant 245 : i32
    %dma_wait3A_97 = arith.constant 0 : i32
    %dma_wait3A_98 = tpu.memref_slice %arg7[%dma_wait3A_96, %dma_wait3A_97] : memref<250x80xi32, #tpu.memory_space<vmem>> -> memref<1x80xi32, #tpu.memory_space<vmem>>
    %dma_wait3A_99 = tpu.memref_squeeze %dma_wait3A_98 : memref<1x80xi32, #tpu.memory_space<vmem>> -> memref<80xi32, #tpu.memory_space<vmem>>
    %dma_wait3A_100 = arith.constant 0 : i32
    %dma_wait3A_101 = arith.constant 0 : i32
    %dma_wait3A_102 = tpu.memref_slice %arg16[%dma_wait3A_100, %dma_wait3A_101] : memref<10240x64xf32, #tpu.memory_space<vmem_shared>> -> memref<10240x64xf32, #tpu.memory_space<vmem_shared>>
    tpu.wait_indirect_dma semaphore(%arg30 : memref<!tpu.dma_semaphore, #tpu.memory_space<semaphore_mem>>) src(%arg13 : memref<80x64xf32, #tpu.memory_space<vmem>>) dst(%dma_wait3A_102 : memref<10240x64xf32, #tpu.memory_space<vmem_shared>>)
    %dma_wait3A_103 = arith.constant 246 : i32
    %dma_wait3A_104 = arith.constant 0 : i32
    %dma_wait3A_105 = tpu.memref_slice %arg7[%dma_wait3A_103, %dma_wait3A_104] : memref<250x80xi32, #tpu.memory_space<vmem>> -> memref<1x80xi32, #tpu.memory_space<vmem>>
    %dma_wait3A_106 = tpu.memref_squeeze %dma_wait3A_105 : memref<1x80xi32, #tpu.memory_space<vmem>> -> memref<80xi32, #tpu.memory_space<vmem>>
    %dma_wait3A_107 = arith.constant 0 : i32
    %dma_wait3A_108 = arith.constant 0 : i32
    %dma_wait3A_109 = tpu.memref_slice %arg16[%dma_wait3A_107, %dma_wait3A_108] : memref<10240x64xf32, #tpu.memory_space<vmem_shared>> -> memref<10240x64xf32, #tpu.memory_space<vmem_shared>>
    tpu.wait_indirect_dma semaphore(%arg31 : memref<!tpu.dma_semaphore, #tpu.memory_space<semaphore_mem>>) src(%arg14 : memref<80x64xf32, #tpu.memory_space<vmem>>) dst(%dma_wait3A_109 : memref<10240x64xf32, #tpu.memory_space<vmem_shared>>)
    %dma_wait3A_110 = arith.constant 247 : i32
    %dma_wait3A_111 = arith.constant 0 : i32
    %dma_wait3A_112 = tpu.memref_slice %arg7[%dma_wait3A_110, %dma_wait3A_111] : memref<250x80xi32, #tpu.memory_space<vmem>> -> memref<1x80xi32, #tpu.memory_space<vmem>>
    %dma_wait3A_113 = tpu.memref_squeeze %dma_wait3A_112 : memref<1x80xi32, #tpu.memory_space<vmem>> -> memref<80xi32, #tpu.memory_space<vmem>>
    %dma_wait3A_114 = arith.constant 0 : i32
    %dma_wait3A_115 = arith.constant 0 : i32
    %dma_wait3A_116 = tpu.memref_slice %arg16[%dma_wait3A_114, %dma_wait3A_115] : memref<10240x64xf32, #tpu.memory_space<vmem_shared>> -> memref<10240x64xf32, #tpu.memory_space<vmem_shared>>
    tpu.wait_indirect_dma semaphore(%arg32 : memref<!tpu.dma_semaphore, #tpu.memory_space<semaphore_mem>>) src(%arg15 : memref<80x64xf32, #tpu.memory_space<vmem>>) dst(%dma_wait3A_116 : memref<10240x64xf32, #tpu.memory_space<vmem_shared>>)
    %dma_wait3A_117 = arith.constant 248 : i32
    %dma_wait3A_118 = arith.constant 0 : i32
    %dma_wait3A_119 = tpu.memref_slice %arg7[%dma_wait3A_117, %dma_wait3A_118] : memref<250x80xi32, #tpu.memory_space<vmem>> -> memref<1x80xi32, #tpu.memory_space<vmem>>
    %dma_wait3A_120 = tpu.memref_squeeze %dma_wait3A_119 : memref<1x80xi32, #tpu.memory_space<vmem>> -> memref<80xi32, #tpu.memory_space<vmem>>
    %dma_wait3A_121 = arith.constant 0 : i32
    %dma_wait3A_122 = arith.constant 0 : i32
    %dma_wait3A_123 = tpu.memref_slice %arg16[%dma_wait3A_121, %dma_wait3A_122] : memref<10240x64xf32, #tpu.memory_space<vmem_shared>> -> memref<10240x64xf32, #tpu.memory_space<vmem_shared>>
    tpu.wait_indirect_dma semaphore(%arg25 : memref<!tpu.dma_semaphore, #tpu.memory_space<semaphore_mem>>) src(%arg8 : memref<80x64xf32, #tpu.memory_space<vmem>>) dst(%dma_wait3A_123 : memref<10240x64xf32, #tpu.memory_space<vmem_shared>>)
    %dma_wait3A_124 = arith.constant 249 : i32
    %dma_wait3A_125 = arith.constant 0 : i32
    %dma_wait3A_126 = tpu.memref_slice %arg7[%dma_wait3A_124, %dma_wait3A_125] : memref<250x80xi32, #tpu.memory_space<vmem>> -> memref<1x80xi32, #tpu.memory_space<vmem>>
    %dma_wait3A_127 = tpu.memref_squeeze %dma_wait3A_126 : memref<1x80xi32, #tpu.memory_space<vmem>> -> memref<80xi32, #tpu.memory_space<vmem>>
    %dma_wait3A_128 = arith.constant 0 : i32
    %dma_wait3A_129 = arith.constant 0 : i32
    %dma_wait3A_130 = tpu.memref_slice %arg16[%dma_wait3A_128, %dma_wait3A_129] : memref<10240x64xf32, #tpu.memory_space<vmem_shared>> -> memref<10240x64xf32, #tpu.memory_space<vmem_shared>>
    tpu.wait_indirect_dma semaphore(%arg26 : memref<!tpu.dma_semaphore, #tpu.memory_space<semaphore_mem>>) src(%arg9 : memref<80x64xf32, #tpu.memory_space<vmem>>) dst(%dma_wait3A_130 : memref<10240x64xf32, #tpu.memory_space<vmem_shared>>)
    %barrier3A_131 = arith.constant 0 : index
    tpu.barrier barrier_id(%barrier3A_131)
    %mul3A = arith.constant 640 : i32
    %mul3A_132 = arith.muli %arg1, %mul3A : i32
    "tpu.region"() ({
      %run_scoped3A = tpu.sem_alloc : memref<!tpu.dma_semaphore, #tpu.memory_space<semaphore_mem>>
      %dma_start3A_133 = arith.constant 0 : i32
      %dma_start3A_134 = arith.constant 0 : i32
      %dma_start3A_135 = tpu.memref_slice %arg5[%arg0, %arg1, %dma_start3A_133, %dma_start3A_134] : memref<2x16x640x64xf32, #tpu.memory_space<hbm>> -> memref<1x1x640x64xf32, #tpu.memory_space<hbm>>
      %dma_start3A_136 = tpu.memref_squeeze %dma_start3A_135 : memref<1x1x640x64xf32, #tpu.memory_space<hbm>> -> memref<640x64xf32, #tpu.memory_space<hbm>>
      %dma_start3A_137 = arith.constant 0 : i32
      %dma_start3A_138 = tpu.memref_slice %arg16[%mul3A_132, %dma_start3A_137] : memref<10240x64xf32, #tpu.memory_space<vmem_shared>> -> memref<640x64xf32, #tpu.memory_space<vmem_shared>>
      tpu.enqueue_dma source(%dma_start3A_138 : memref<640x64xf32, #tpu.memory_space<vmem_shared>>) target(%dma_start3A_136 : memref<640x64xf32, #tpu.memory_space<hbm>>) target_semaphore(%run_scoped3A : memref<!tpu.dma_semaphore, #tpu.memory_space<semaphore_mem>>)
      %dma_wait3A_139 = arith.constant 0 : i32
      %dma_wait3A_140 = arith.constant 0 : i32
      %dma_wait3A_141 = tpu.memref_slice %arg5[%arg0, %arg1, %dma_wait3A_139, %dma_wait3A_140] : memref<2x16x640x64xf32, #tpu.memory_space<hbm>> -> memref<1x1x640x64xf32, #tpu.memory_space<hbm>>
      %dma_wait3A_142 = tpu.memref_squeeze %dma_wait3A_141 : memref<1x1x640x64xf32, #tpu.memory_space<hbm>> -> memref<640x64xf32, #tpu.memory_space<hbm>>
      %dma_wait3A_143 = arith.constant 0 : i32
      %dma_wait3A_144 = tpu.memref_slice %arg16[%mul3A_132, %dma_wait3A_143] : memref<10240x64xf32, #tpu.memory_space<vmem_shared>> -> memref<640x64xf32, #tpu.memory_space<vmem_shared>>
      tpu.wait_dma2 semaphore(%run_scoped3A : memref<!tpu.dma_semaphore, #tpu.memory_space<semaphore_mem>>) src(%dma_wait3A_144 : memref<640x64xf32, #tpu.memory_space<vmem_shared>>) dst(%dma_wait3A_142 : memref<640x64xf32, #tpu.memory_space<hbm>>)
      tpu.yield
    }) : () -> ()
    return
  }
}

#map = affine_map<(d0, d1) -> (0, 0)>
module attributes {stable_mosaic.version = 14 : i64} {
  func.func @_deg_body(%arg0: i32, %arg1: i32, %arg2: memref<32x10000xi32, #tpu.memory_space<hbm>>, %arg3: memref<32x10000xi32, #tpu.memory_space<hbm>>, %arg4: memref<32x10000xf32, #tpu.memory_space<hbm>>, %arg5: memref<32x10000xf32, #tpu.memory_space<hbm>>, %arg6: memref<32x10000xi32, #tpu.memory_space<hbm>>, %arg7: memref<10000xi32, #tpu.memory_space<vmem>>, %arg8: memref<10000xi32, #tpu.memory_space<vmem>>, %arg9: memref<10000xi32, #tpu.memory_space<vmem>>, %arg10: memref<10000xf32, #tpu.memory_space<vmem>>, %arg11: memref<10000xf32, #tpu.memory_space<vmem>>) attributes {dimension_semantics = [#tpu.dimension_semantics<core_parallel>, #tpu.dimension_semantics<subcore_parallel>], iteration_bounds = array<i64: 2, 16>, scalar_prefetch = 0 : i64, scratch_operands = 5 : i64, tpu.core_type = #tpu.core_type<sc_vector_subcore>, window_params = [{transform_indices = #map}, {transform_indices = #map}, {transform_indices = #map}, {transform_indices = #map}, {transform_indices = #map}]} {
    %mul3A = arith.constant 2 : i32
    %mul3A_0 = arith.muli %arg1, %mul3A : i32
    %add3A = arith.addi %mul3A_0, %arg0 : i32
    "tpu.region"() ({
      %run_scoped3A = tpu.sem_alloc : memref<!tpu.dma_semaphore, #tpu.memory_space<semaphore_mem>>
      %dma_start3A = arith.constant 0 : i32
      %dma_start3A_17 = tpu.memref_slice %arg2[%add3A, %dma_start3A] : memref<32x10000xi32, #tpu.memory_space<hbm>> -> memref<1x10000xi32, #tpu.memory_space<hbm>>
      %dma_start3A_18 = tpu.memref_squeeze %dma_start3A_17 : memref<1x10000xi32, #tpu.memory_space<hbm>> -> memref<10000xi32, #tpu.memory_space<hbm>>
      %dma_start3A_19 = arith.constant 0 : i32
      %dma_start3A_20 = tpu.memref_slice %arg2[%add3A, %dma_start3A_19] : memref<32x10000xi32, #tpu.memory_space<hbm>> -> memref<1x10000xi32, #tpu.memory_space<hbm>>
      %dma_start3A_21 = tpu.memref_squeeze %dma_start3A_20 : memref<1x10000xi32, #tpu.memory_space<hbm>> -> memref<10000xi32, #tpu.memory_space<hbm>>
      tpu.enqueue_dma source(%dma_start3A_21 : memref<10000xi32, #tpu.memory_space<hbm>>) target(%arg7 : memref<10000xi32, #tpu.memory_space<vmem>>) target_semaphore(%run_scoped3A : memref<!tpu.dma_semaphore, #tpu.memory_space<semaphore_mem>>)
      %dma_wait3A = arith.constant 0 : i32
      %dma_wait3A_22 = tpu.memref_slice %arg2[%add3A, %dma_wait3A] : memref<32x10000xi32, #tpu.memory_space<hbm>> -> memref<1x10000xi32, #tpu.memory_space<hbm>>
      %dma_wait3A_23 = tpu.memref_squeeze %dma_wait3A_22 : memref<1x10000xi32, #tpu.memory_space<hbm>> -> memref<10000xi32, #tpu.memory_space<hbm>>
      %dma_wait3A_24 = arith.constant 0 : i32
      %dma_wait3A_25 = tpu.memref_slice %arg2[%add3A, %dma_wait3A_24] : memref<32x10000xi32, #tpu.memory_space<hbm>> -> memref<1x10000xi32, #tpu.memory_space<hbm>>
      %dma_wait3A_26 = tpu.memref_squeeze %dma_wait3A_25 : memref<1x10000xi32, #tpu.memory_space<hbm>> -> memref<10000xi32, #tpu.memory_space<hbm>>
      tpu.wait_dma2 semaphore(%run_scoped3A : memref<!tpu.dma_semaphore, #tpu.memory_space<semaphore_mem>>) src(%dma_wait3A_26 : memref<10000xi32, #tpu.memory_space<hbm>>) dst(%arg7 : memref<10000xi32, #tpu.memory_space<vmem>>)
      tpu.yield
    }) : () -> ()
    "tpu.region"() ({
      %run_scoped3A = tpu.sem_alloc : memref<!tpu.dma_semaphore, #tpu.memory_space<semaphore_mem>>
      %dma_start3A = arith.constant 0 : i32
      %dma_start3A_17 = tpu.memref_slice %arg3[%add3A, %dma_start3A] : memref<32x10000xi32, #tpu.memory_space<hbm>> -> memref<1x10000xi32, #tpu.memory_space<hbm>>
      %dma_start3A_18 = tpu.memref_squeeze %dma_start3A_17 : memref<1x10000xi32, #tpu.memory_space<hbm>> -> memref<10000xi32, #tpu.memory_space<hbm>>
      %dma_start3A_19 = arith.constant 0 : i32
      %dma_start3A_20 = tpu.memref_slice %arg3[%add3A, %dma_start3A_19] : memref<32x10000xi32, #tpu.memory_space<hbm>> -> memref<1x10000xi32, #tpu.memory_space<hbm>>
      %dma_start3A_21 = tpu.memref_squeeze %dma_start3A_20 : memref<1x10000xi32, #tpu.memory_space<hbm>> -> memref<10000xi32, #tpu.memory_space<hbm>>
      tpu.enqueue_dma source(%dma_start3A_21 : memref<10000xi32, #tpu.memory_space<hbm>>) target(%arg8 : memref<10000xi32, #tpu.memory_space<vmem>>) target_semaphore(%run_scoped3A : memref<!tpu.dma_semaphore, #tpu.memory_space<semaphore_mem>>)
      %dma_wait3A = arith.constant 0 : i32
      %dma_wait3A_22 = tpu.memref_slice %arg3[%add3A, %dma_wait3A] : memref<32x10000xi32, #tpu.memory_space<hbm>> -> memref<1x10000xi32, #tpu.memory_space<hbm>>
      %dma_wait3A_23 = tpu.memref_squeeze %dma_wait3A_22 : memref<1x10000xi32, #tpu.memory_space<hbm>> -> memref<10000xi32, #tpu.memory_space<hbm>>
      %dma_wait3A_24 = arith.constant 0 : i32
      %dma_wait3A_25 = tpu.memref_slice %arg3[%add3A, %dma_wait3A_24] : memref<32x10000xi32, #tpu.memory_space<hbm>> -> memref<1x10000xi32, #tpu.memory_space<hbm>>
      %dma_wait3A_26 = tpu.memref_squeeze %dma_wait3A_25 : memref<1x10000xi32, #tpu.memory_space<hbm>> -> memref<10000xi32, #tpu.memory_space<hbm>>
      tpu.wait_dma2 semaphore(%run_scoped3A : memref<!tpu.dma_semaphore, #tpu.memory_space<semaphore_mem>>) src(%dma_wait3A_26 : memref<10000xi32, #tpu.memory_space<hbm>>) dst(%arg8 : memref<10000xi32, #tpu.memory_space<vmem>>)
      tpu.yield
    }) : () -> ()
    %broadcast_in_dim3A = arith.constant 0.000000e+00 : f32
    %broadcast_in_dim3A_1 = vector.broadcast %broadcast_in_dim3A : f32 to vector<16xf32>
    %scan3A = arith.constant 0 : i32
    %scan3A_2 = arith.constant 0 : i32
    %scan3A_3 = arith.constant 625 : i32
    %scan3A_4 = arith.addi %scan3A_2, %scan3A_3 : i32
    %scan3A_5 = arith.constant 1 : i32
    scf.for %scan3A_17 = %scan3A_2 to %scan3A_4 step %scan3A_5  : i32 {
      %mul3A_18 = arith.constant 16 : i32
      %mul3A_19 = arith.muli %scan3A_17, %mul3A_18 : i32
      %swap3A = arith.index_cast %mul3A_19 : i32 to index
      %swap3A_20 = tpu.vector_load %arg10[%swap3A] {strides = array<i32>} : memref<10000xf32, #tpu.memory_space<vmem>>, vector<16xf32>,
      tpu.vector_store %arg10[%swap3A], %broadcast_in_dim3A_1 {strides = array<i32>} : memref<10000xf32, #tpu.memory_space<vmem>>, vector<16xf32>,
      %mul3A_21 = arith.constant 16 : i32
      %mul3A_22 = arith.muli %scan3A_17, %mul3A_21 : i32
      %swap3A_23 = arith.index_cast %mul3A_22 : i32 to index
      %swap3A_24 = tpu.vector_load %arg11[%swap3A_23] {strides = array<i32>} : memref<10000xf32, #tpu.memory_space<vmem>>, vector<16xf32>,
      tpu.vector_store %arg11[%swap3A_23], %broadcast_in_dim3A_1 {strides = array<i32>} : memref<10000xf32, #tpu.memory_space<vmem>>, vector<16xf32>,
    }
    %scan3A_6 = arith.constant 625 : i32
    %broadcast_in_dim3A_7 = arith.constant 1.000000e+00 : f32
    %broadcast_in_dim3A_8 = vector.broadcast %broadcast_in_dim3A_7 : f32 to vector<16xf32>
    %broadcast_in_dim3A_9 = arith.constant 10000 : i32
    %broadcast_in_dim3A_10 = vector.broadcast %broadcast_in_dim3A_9 : i32 to vector<16xi32>
    %scan3A_11 = arith.constant 0 : i32
    %scan3A_12 = arith.constant 0 : i32
    %scan3A_13 = arith.constant 625 : i32
    %scan3A_14 = arith.addi %scan3A_12, %scan3A_13 : i32
    %scan3A_15 = arith.constant 1 : i32
    scf.for %scan3A_17 = %scan3A_12 to %scan3A_14 step %scan3A_15  : i32 {
      %mul3A_18 = arith.constant 16 : i32
      %mul3A_19 = arith.muli %scan3A_17, %mul3A_18 : i32
      %get3A = arith.index_cast %mul3A_19 : i32 to index
      %get3A_20 = tpu.vector_load %arg7[%get3A] {strides = array<i32>} : memref<10000xi32, #tpu.memory_space<vmem>>, vector<16xi32>,
      %mul3A_21 = arith.constant 16 : i32
      %mul3A_22 = arith.muli %scan3A_17, %mul3A_21 : i32
      %get3A_23 = arith.index_cast %mul3A_22 : i32 to index
      %get3A_24 = tpu.vector_load %arg8[%get3A_23] {strides = array<i32>} : memref<10000xi32, #tpu.memory_space<vmem>>, vector<16xi32>,
      %ne3A = arith.cmpi ne, %get3A_20, %get3A_24 : vector<16xi32>
      tpu.vector_store_idx %arg10[%get3A_20], %broadcast_in_dim3A_8 masked %ne3A {add = true} : memref<10000xf32, #tpu.memory_space<vmem>>[vector<16xi32>], vector<16xf32>, vector<16xi1>
      tpu.vector_store_idx %arg11[%get3A_24], %broadcast_in_dim3A_8 masked %ne3A {add = true} : memref<10000xf32, #tpu.memory_space<vmem>>[vector<16xi32>], vector<16xf32>, vector<16xi1>
      %select_n3A = arith.select %ne3A, %get3A_24, %broadcast_in_dim3A_10 : vector<16xi1>, vector<16xi32>
      %mul3A_25 = arith.constant 16 : i32
      %mul3A_26 = arith.muli %scan3A_17, %mul3A_25 : i32
      %swap3A = arith.index_cast %mul3A_26 : i32 to index
      %swap3A_27 = tpu.vector_load %arg9[%swap3A] {strides = array<i32>} : memref<10000xi32, #tpu.memory_space<vmem>>, vector<16xi32>,
      tpu.vector_store %arg9[%swap3A], %select_n3A {strides = array<i32>} : memref<10000xi32, #tpu.memory_space<vmem>>, vector<16xi32>,
    }
    %scan3A_16 = arith.constant 625 : i32
    "tpu.region"() ({
      %run_scoped3A = tpu.sem_alloc : memref<!tpu.dma_semaphore, #tpu.memory_space<semaphore_mem>>
      %dma_start3A = arith.constant 0 : i32
      %dma_start3A_17 = tpu.memref_slice %arg4[%add3A, %dma_start3A] : memref<32x10000xf32, #tpu.memory_space<hbm>> -> memref<1x10000xf32, #tpu.memory_space<hbm>>
      %dma_start3A_18 = tpu.memref_squeeze %dma_start3A_17 : memref<1x10000xf32, #tpu.memory_space<hbm>> -> memref<10000xf32, #tpu.memory_space<hbm>>
      %dma_start3A_19 = arith.constant 0 : i32
      %dma_start3A_20 = tpu.memref_slice %arg4[%add3A, %dma_start3A_19] : memref<32x10000xf32, #tpu.memory_space<hbm>> -> memref<1x10000xf32, #tpu.memory_space<hbm>>
      %dma_start3A_21 = tpu.memref_squeeze %dma_start3A_20 : memref<1x10000xf32, #tpu.memory_space<hbm>> -> memref<10000xf32, #tpu.memory_space<hbm>>
      tpu.enqueue_dma source(%arg10 : memref<10000xf32, #tpu.memory_space<vmem>>) target(%dma_start3A_21 : memref<10000xf32, #tpu.memory_space<hbm>>) target_semaphore(%run_scoped3A : memref<!tpu.dma_semaphore, #tpu.memory_space<semaphore_mem>>)
      %dma_wait3A = arith.constant 0 : i32
      %dma_wait3A_22 = tpu.memref_slice %arg4[%add3A, %dma_wait3A] : memref<32x10000xf32, #tpu.memory_space<hbm>> -> memref<1x10000xf32, #tpu.memory_space<hbm>>
      %dma_wait3A_23 = tpu.memref_squeeze %dma_wait3A_22 : memref<1x10000xf32, #tpu.memory_space<hbm>> -> memref<10000xf32, #tpu.memory_space<hbm>>
      %dma_wait3A_24 = arith.constant 0 : i32
      %dma_wait3A_25 = tpu.memref_slice %arg4[%add3A, %dma_wait3A_24] : memref<32x10000xf32, #tpu.memory_space<hbm>> -> memref<1x10000xf32, #tpu.memory_space<hbm>>
      %dma_wait3A_26 = tpu.memref_squeeze %dma_wait3A_25 : memref<1x10000xf32, #tpu.memory_space<hbm>> -> memref<10000xf32, #tpu.memory_space<hbm>>
      tpu.wait_dma2 semaphore(%run_scoped3A : memref<!tpu.dma_semaphore, #tpu.memory_space<semaphore_mem>>) src(%arg10 : memref<10000xf32, #tpu.memory_space<vmem>>) dst(%dma_wait3A_26 : memref<10000xf32, #tpu.memory_space<hbm>>)
      tpu.yield
    }) : () -> ()
    "tpu.region"() ({
      %run_scoped3A = tpu.sem_alloc : memref<!tpu.dma_semaphore, #tpu.memory_space<semaphore_mem>>
      %dma_start3A = arith.constant 0 : i32
      %dma_start3A_17 = tpu.memref_slice %arg5[%add3A, %dma_start3A] : memref<32x10000xf32, #tpu.memory_space<hbm>> -> memref<1x10000xf32, #tpu.memory_space<hbm>>
      %dma_start3A_18 = tpu.memref_squeeze %dma_start3A_17 : memref<1x10000xf32, #tpu.memory_space<hbm>> -> memref<10000xf32, #tpu.memory_space<hbm>>
      %dma_start3A_19 = arith.constant 0 : i32
      %dma_start3A_20 = tpu.memref_slice %arg5[%add3A, %dma_start3A_19] : memref<32x10000xf32, #tpu.memory_space<hbm>> -> memref<1x10000xf32, #tpu.memory_space<hbm>>
      %dma_start3A_21 = tpu.memref_squeeze %dma_start3A_20 : memref<1x10000xf32, #tpu.memory_space<hbm>> -> memref<10000xf32, #tpu.memory_space<hbm>>
      tpu.enqueue_dma source(%arg11 : memref<10000xf32, #tpu.memory_space<vmem>>) target(%dma_start3A_21 : memref<10000xf32, #tpu.memory_space<hbm>>) target_semaphore(%run_scoped3A : memref<!tpu.dma_semaphore, #tpu.memory_space<semaphore_mem>>)
      %dma_wait3A = arith.constant 0 : i32
      %dma_wait3A_22 = tpu.memref_slice %arg5[%add3A, %dma_wait3A] : memref<32x10000xf32, #tpu.memory_space<hbm>> -> memref<1x10000xf32, #tpu.memory_space<hbm>>
      %dma_wait3A_23 = tpu.memref_squeeze %dma_wait3A_22 : memref<1x10000xf32, #tpu.memory_space<hbm>> -> memref<10000xf32, #tpu.memory_space<hbm>>
      %dma_wait3A_24 = arith.constant 0 : i32
      %dma_wait3A_25 = tpu.memref_slice %arg5[%add3A, %dma_wait3A_24] : memref<32x10000xf32, #tpu.memory_space<hbm>> -> memref<1x10000xf32, #tpu.memory_space<hbm>>
      %dma_wait3A_26 = tpu.memref_squeeze %dma_wait3A_25 : memref<1x10000xf32, #tpu.memory_space<hbm>> -> memref<10000xf32, #tpu.memory_space<hbm>>
      tpu.wait_dma2 semaphore(%run_scoped3A : memref<!tpu.dma_semaphore, #tpu.memory_space<semaphore_mem>>) src(%arg11 : memref<10000xf32, #tpu.memory_space<vmem>>) dst(%dma_wait3A_26 : memref<10000xf32, #tpu.memory_space<hbm>>)
      tpu.yield
    }) : () -> ()
    "tpu.region"() ({
      %run_scoped3A = tpu.sem_alloc : memref<!tpu.dma_semaphore, #tpu.memory_space<semaphore_mem>>
      %dma_start3A = arith.constant 0 : i32
      %dma_start3A_17 = tpu.memref_slice %arg6[%add3A, %dma_start3A] : memref<32x10000xi32, #tpu.memory_space<hbm>> -> memref<1x10000xi32, #tpu.memory_space<hbm>>
      %dma_start3A_18 = tpu.memref_squeeze %dma_start3A_17 : memref<1x10000xi32, #tpu.memory_space<hbm>> -> memref<10000xi32, #tpu.memory_space<hbm>>
      %dma_start3A_19 = arith.constant 0 : i32
      %dma_start3A_20 = tpu.memref_slice %arg6[%add3A, %dma_start3A_19] : memref<32x10000xi32, #tpu.memory_space<hbm>> -> memref<1x10000xi32, #tpu.memory_space<hbm>>
      %dma_start3A_21 = tpu.memref_squeeze %dma_start3A_20 : memref<1x10000xi32, #tpu.memory_space<hbm>> -> memref<10000xi32, #tpu.memory_space<hbm>>
      tpu.enqueue_dma source(%arg9 : memref<10000xi32, #tpu.memory_space<vmem>>) target(%dma_start3A_21 : memref<10000xi32, #tpu.memory_space<hbm>>) target_semaphore(%run_scoped3A : memref<!tpu.dma_semaphore, #tpu.memory_space<semaphore_mem>>)
      %dma_wait3A = arith.constant 0 : i32
      %dma_wait3A_22 = tpu.memref_slice %arg6[%add3A, %dma_wait3A] : memref<32x10000xi32, #tpu.memory_space<hbm>> -> memref<1x10000xi32, #tpu.memory_space<hbm>>
      %dma_wait3A_23 = tpu.memref_squeeze %dma_wait3A_22 : memref<1x10000xi32, #tpu.memory_space<hbm>> -> memref<10000xi32, #tpu.memory_space<hbm>>
      %dma_wait3A_24 = arith.constant 0 : i32
      %dma_wait3A_25 = tpu.memref_slice %arg6[%add3A, %dma_wait3A_24] : memref<32x10000xi32, #tpu.memory_space<hbm>> -> memref<1x10000xi32, #tpu.memory_space<hbm>>
      %dma_wait3A_26 = tpu.memref_squeeze %dma_wait3A_25 : memref<1x10000xi32, #tpu.memory_space<hbm>> -> memref<10000xi32, #tpu.memory_space<hbm>>
      tpu.wait_dma2 semaphore(%run_scoped3A : memref<!tpu.dma_semaphore, #tpu.memory_space<semaphore_mem>>) src(%arg9 : memref<10000xi32, #tpu.memory_space<vmem>>) dst(%dma_wait3A_26 : memref<10000xi32, #tpu.memory_space<hbm>>)
      tpu.yield
    }) : () -> ()
    return
  }
}

module attributes {stable_mosaic.version = 14 : i64} {
  func.func @_prep_body(%arg0: memref<32x10000xf32, #tpu.memory_space<vmem>>, %arg1: memref<32x10000xf32, #tpu.memory_space<vmem>>, %arg2: memref<1x10000xf32, #tpu.memory_space<vmem>>, %arg3: memref<1x10000xf32, #tpu.memory_space<vmem>>) attributes {dimension_semantics = [], scalar_prefetch = 0 : i64, scratch_operands = 0 : i64, tpu.core_type = #tpu.core_type<tc>} {
    %get3A = arith.constant 0 : index
    %get3A_0 = arith.constant 0 : index
    %get3A_1 = vector.load %arg0[%get3A, %get3A_0] : memref<32x10000xf32, #tpu.memory_space<vmem>>, vector<32x10000xf32>
    %reduce_sum3A = arith.constant dense<0.000000e+00> : vector<10000xf32>
    %reduce_sum3A_2 = vector.multi_reduction <add>, %get3A_1, %reduce_sum3A [0] : vector<32x10000xf32> to vector<10000xf32>
    %broadcast_in_dim3A = vector.shape_cast %reduce_sum3A_2 : vector<10000xf32> to vector<1x10000xf32>
    %add3A = arith.constant 1.000000e+00 : f32
    %add3A_3 = vector.broadcast %add3A : f32 to vector<1x10000xf32>
    %add3A_4 = arith.addf %broadcast_in_dim3A, %add3A_3 : vector<1x10000xf32>
    %get3A_5 = arith.constant 0 : index
    %get3A_6 = arith.constant 0 : index
    %get3A_7 = vector.load %arg1[%get3A_5, %get3A_6] : memref<32x10000xf32, #tpu.memory_space<vmem>>, vector<32x10000xf32>
    %reduce_sum3A_8 = arith.constant dense<0.000000e+00> : vector<10000xf32>
    %reduce_sum3A_9 = vector.multi_reduction <add>, %get3A_7, %reduce_sum3A_8 [0] : vector<32x10000xf32> to vector<10000xf32>
    %broadcast_in_dim3A_10 = vector.shape_cast %reduce_sum3A_9 : vector<10000xf32> to vector<1x10000xf32>
    %add3A_11 = arith.constant 1.000000e+00 : f32
    %add3A_12 = vector.broadcast %add3A_11 : f32 to vector<1x10000xf32>
    %add3A_13 = arith.addf %broadcast_in_dim3A_10, %add3A_12 : vector<1x10000xf32>
    %rsqrt3A = math.rsqrt %add3A_4 : vector<1x10000xf32>
    %swap3A = arith.constant 0 : index
    %swap3A_14 = arith.constant 0 : index
    %swap3A_15 = vector.load %arg2[%swap3A, %swap3A_14] : memref<1x10000xf32, #tpu.memory_space<vmem>>, vector<1x10000xf32>
    tpu.vector_store %arg2[%swap3A, %swap3A_14], %rsqrt3A {strides = array<i32>} : memref<1x10000xf32, #tpu.memory_space<vmem>>, vector<1x10000xf32>,
    %rsqrt3A_16 = math.rsqrt %add3A_13 : vector<1x10000xf32>
    %swap3A_17 = arith.constant 0 : index
    %swap3A_18 = arith.constant 0 : index
    %swap3A_19 = vector.load %arg3[%swap3A_17, %swap3A_18] : memref<1x10000xf32, #tpu.memory_space<vmem>>, vector<1x10000xf32>
    tpu.vector_store %arg3[%swap3A_17, %swap3A_18], %rsqrt3A_16 {strides = array<i32>} : memref<1x10000xf32, #tpu.memory_space<vmem>>, vector<1x10000xf32>,
    return
  }
}

module attributes {stable_mosaic.version = 14 : i64} {
  func.func @_scale_body(%arg0: i32, %arg1: memref<1000x128xf32, #tpu.memory_space<vmem>>, %arg2: memref<1000x1xf32, #tpu.memory_space<vmem>>, %arg3: memref<2x1000x64xf32, #tpu.memory_space<vmem>>) attributes {dimension_semantics = [#tpu.dimension_semantics<arbitrary>], iteration_bounds = array<i64: 10>, scalar_prefetch = 0 : i64, scratch_operands = 0 : i64, tpu.core_type = #tpu.core_type<tc>, window_params = [{transform_indices = @transform_0, window_bounds = array<i64: 1000, 128>}, {transform_indices = @transform_1, window_bounds = array<i64: 1000, 1>}, {transform_indices = @transform_2, window_bounds = array<i64: 2, 1000, 64>}]} {
    %get3A = arith.constant 0 : index
    %get3A_0 = arith.constant 0 : index
    %get3A_1 = vector.load %arg1[%get3A, %get3A_0] : memref<1000x128xf32, #tpu.memory_space<vmem>>, vector<1000x128xf32>
    %get3A_2 = arith.constant 0 : index
    %get3A_3 = arith.constant 0 : index
    %get3A_4 = vector.load %arg2[%get3A_2, %get3A_3] : memref<1000x1xf32, #tpu.memory_space<vmem>>, vector<1000x1xf32>
    %mul3A = vector.broadcast %get3A_4 : vector<1000x1xf32> to vector<1000x128xf32>
    %mul3A_5 = arith.mulf %get3A_1, %mul3A : vector<1000x128xf32>
    %slice3A = vector.extract_strided_slice %mul3A_5 {offsets = [0, 0], sizes = [1000, 64], strides = [1, 1]} : vector<1000x128xf32> to vector<1000x64xf32>
    %swap3A = arith.constant 0 : index
    %swap3A_6 = arith.constant 0 : index
    %swap3A_7 = arith.constant 0 : index
    %swap3A_8 = vector.load %arg3[%swap3A, %swap3A_6, %swap3A_7] : memref<2x1000x64xf32, #tpu.memory_space<vmem>>, vector<1x1000x64xf32>
    %swap3A_9 = vector.shape_cast %swap3A_8 : vector<1x1000x64xf32> to vector<1000x64xf32>
    %swap3A_10 = vector.shape_cast %slice3A : vector<1000x64xf32> to vector<1x1000x64xf32>
    tpu.vector_store %arg3[%swap3A, %swap3A_6, %swap3A_7], %swap3A_10 {strides = array<i32>} : memref<2x1000x64xf32, #tpu.memory_space<vmem>>, vector<1x1000x64xf32>,
    %slice3A_11 = vector.extract_strided_slice %mul3A_5 {offsets = [0, 64], sizes = [1000, 64], strides = [1, 1]} : vector<1000x128xf32> to vector<1000x64xf32>
    %swap3A_12 = arith.constant 1 : index
    %swap3A_13 = arith.constant 0 : index
    %swap3A_14 = arith.constant 0 : index
    %swap3A_15 = vector.load %arg3[%swap3A_12, %swap3A_13, %swap3A_14] : memref<2x1000x64xf32, #tpu.memory_space<vmem>>, vector<1x1000x64xf32>
    %swap3A_16 = vector.shape_cast %swap3A_15 : vector<1x1000x64xf32> to vector<1000x64xf32>
    %swap3A_17 = vector.shape_cast %slice3A_11 : vector<1000x64xf32> to vector<1x1000x64xf32>
    tpu.vector_store %arg3[%swap3A_12, %swap3A_13, %swap3A_14], %swap3A_17 {strides = array<i32>} : memref<2x1000x64xf32, #tpu.memory_space<vmem>>, vector<1x1000x64xf32>,
    return
  }
  func.func @transform_0(%arg0: i32) -> (i32, i32) {
    %c0_i32 = arith.constant 0 : i32
    %c0_i32_0 = arith.constant 0 : i32
    return %arg0, %c0_i32 : i32, i32
  }
  func.func @transform_1(%arg0: i32) -> (i32, i32) {
    %c0_i32 = arith.constant 0 : i32
    %c0_i32_0 = arith.constant 0 : i32
    return %arg0, %c0_i32 : i32, i32
  }
  func.func @transform_2(%arg0: i32) -> (i32, i32, i32) {
    %c0_i32 = arith.constant 0 : i32
    %c0_i32_0 = arith.constant 0 : i32
    %c0_i32_1 = arith.constant 0 : i32
    return %c0_i32, %arg0, %c0_i32_0 : i32, i32, i32
  }
}

module attributes {stable_mosaic.version = 14 : i64} {
  func.func @_layer_body(%arg0: i32, %arg1: memref<1x1000x64xf32, #tpu.memory_space<vmem>>, %arg2: memref<1x1000x64xf32, #tpu.memory_space<vmem>>, %arg3: memref<1000x1xf32, #tpu.memory_space<vmem>>, %arg4: memref<1000x1xf32, #tpu.memory_space<vmem>>, %arg5: memref<128x128xf32, #tpu.memory_space<vmem>>, %arg6: memref<1x128xf32, #tpu.memory_space<vmem>>, %arg7: memref<2x1000x64xf32, #tpu.memory_space<vmem>>) attributes {dimension_semantics = [#tpu.dimension_semantics<arbitrary>], iteration_bounds = array<i64: 10>, scalar_prefetch = 0 : i64, scratch_operands = 0 : i64, tpu.core_type = #tpu.core_type<tc>, window_params = [{transform_indices = @transform_0, window_bounds = array<i64: 1, 1000, 64>}, {transform_indices = @transform_1, window_bounds = array<i64: 1, 1000, 64>}, {transform_indices = @transform_2, window_bounds = array<i64: 1000, 1>}, {transform_indices = @transform_3, window_bounds = array<i64: 1000, 1>}, {pipeline_mode = #tpu.pipeline_mode<synchronous>, transform_indices = @transform_4, window_bounds = array<i64: 128, 128>}, {pipeline_mode = #tpu.pipeline_mode<synchronous>, transform_indices = @transform_5, window_bounds = array<i64: 1, 128>}, {transform_indices = @transform_6, window_bounds = array<i64: 2, 1000, 64>}]} {
    %get3A = arith.constant 0 : index
    %get3A_0 = arith.constant 0 : index
    %get3A_1 = arith.constant 0 : index
    %get3A_2 = vector.load %arg1[%get3A, %get3A_0, %get3A_1] : memref<1x1000x64xf32, #tpu.memory_space<vmem>>, vector<1x1000x64xf32>
    %get3A_3 = vector.shape_cast %get3A_2 : vector<1x1000x64xf32> to vector<1000x64xf32>
    %get3A_4 = arith.constant 0 : index
    %get3A_5 = arith.constant 0 : index
    %get3A_6 = arith.constant 0 : index
    %get3A_7 = vector.load %arg2[%get3A_4, %get3A_5, %get3A_6] : memref<1x1000x64xf32, #tpu.memory_space<vmem>>, vector<1x1000x64xf32>
    %get3A_8 = vector.shape_cast %get3A_7 : vector<1x1000x64xf32> to vector<1000x64xf32>
    %concatenate3A = tpu.concatenate %get3A_3, %get3A_8 in 1 : vector<1000x64xf32>, vector<1000x64xf32> -> vector<1000x128xf32>
    %get3A_9 = arith.constant 0 : index
    %get3A_10 = arith.constant 0 : index
    %get3A_11 = vector.load %arg3[%get3A_9, %get3A_10] : memref<1000x1xf32, #tpu.memory_space<vmem>>, vector<1000x1xf32>
    %mul3A = vector.broadcast %get3A_11 : vector<1000x1xf32> to vector<1000x128xf32>
    %mul3A_12 = arith.mulf %concatenate3A, %mul3A : vector<1000x128xf32>
    %get3A_13 = arith.constant 0 : index
    %get3A_14 = arith.constant 0 : index
    %get3A_15 = vector.load %arg5[%get3A_13, %get3A_14] : memref<128x128xf32, #tpu.memory_space<vmem>>, vector<128x128xf32>
    %dot_general3A = arith.constant dense<0.000000e+00> : vector<1000x128xf32>
    %dot_general3A_16 = tpu.matmul %mul3A_12, %get3A_15, %dot_general3A {dimension_numbers = #tpu.dot_dimension_numbers<[1], [0], [0], [1], [0, 0, 1, 1], [], []>, transpose_lhs_hint = false} : vector<1000x128xf32>, vector<128x128xf32>, vector<1000x128xf32> -> vector<1000x128xf32>
    %get3A_17 = arith.constant 0 : index
    %get3A_18 = arith.constant 0 : index
    %get3A_19 = vector.load %arg6[%get3A_17, %get3A_18] : memref<1x128xf32, #tpu.memory_space<vmem>>, vector<1x128xf32>
    %add3A = vector.broadcast %get3A_19 : vector<1x128xf32> to vector<1000x128xf32>
    %add3A_20 = arith.addf %dot_general3A_16, %add3A : vector<1000x128xf32>
    %ge3A = arith.constant 0.000000e+00 : f32
    %ge3A_21 = vector.broadcast %ge3A : f32 to vector<1000x128xf32>
    %ge3A_22 = arith.cmpf oge, %add3A_20, %ge3A_21 : vector<1000x128xf32>
    %mul3A_23 = arith.constant 0.00999999977 : f32
    %mul3A_24 = vector.broadcast %mul3A_23 : f32 to vector<1000x128xf32>
    %mul3A_25 = arith.mulf %add3A_20, %mul3A_24 : vector<1000x128xf32>
    %select_n3A = arith.select %ge3A_22, %add3A_20, %mul3A_25 : vector<1000x128xi1>, vector<1000x128xf32>
    %get3A_26 = arith.constant 0 : index
    %get3A_27 = arith.constant 0 : index
    %get3A_28 = vector.load %arg4[%get3A_26, %get3A_27] : memref<1000x1xf32, #tpu.memory_space<vmem>>, vector<1000x1xf32>
    %mul3A_29 = vector.broadcast %get3A_28 : vector<1000x1xf32> to vector<1000x128xf32>
    %mul3A_30 = arith.mulf %select_n3A, %mul3A_29 : vector<1000x128xf32>
    %slice3A = vector.extract_strided_slice %mul3A_30 {offsets = [0, 0], sizes = [1000, 64], strides = [1, 1]} : vector<1000x128xf32> to vector<1000x64xf32>
    %swap3A = arith.constant 0 : index
    %swap3A_31 = arith.constant 0 : index
    %swap3A_32 = arith.constant 0 : index
    %swap3A_33 = vector.load %arg7[%swap3A, %swap3A_31, %swap3A_32] : memref<2x1000x64xf32, #tpu.memory_space<vmem>>, vector<1x1000x64xf32>
    %swap3A_34 = vector.shape_cast %swap3A_33 : vector<1x1000x64xf32> to vector<1000x64xf32>
    %swap3A_35 = vector.shape_cast %slice3A : vector<1000x64xf32> to vector<1x1000x64xf32>
    tpu.vector_store %arg7[%swap3A, %swap3A_31, %swap3A_32], %swap3A_35 {strides = array<i32>} : memref<2x1000x64xf32, #tpu.memory_space<vmem>>, vector<1x1000x64xf32>,
    %slice3A_36 = vector.extract_strided_slice %mul3A_30 {offsets = [0, 64], sizes = [1000, 64], strides = [1, 1]} : vector<1000x128xf32> to vector<1000x64xf32>
    %swap3A_37 = arith.constant 1 : index
    %swap3A_38 = arith.constant 0 : index
    %swap3A_39 = arith.constant 0 : index
    %swap3A_40 = vector.load %arg7[%swap3A_37, %swap3A_38, %swap3A_39] : memref<2x1000x64xf32, #tpu.memory_space<vmem>>, vector<1x1000x64xf32>
    %swap3A_41 = vector.shape_cast %swap3A_40 : vector<1x1000x64xf32> to vector<1000x64xf32>
    %swap3A_42 = vector.shape_cast %slice3A_36 : vector<1000x64xf32> to vector<1x1000x64xf32>
    tpu.vector_store %arg7[%swap3A_37, %swap3A_38, %swap3A_39], %swap3A_42 {strides = array<i32>} : memref<2x1000x64xf32, #tpu.memory_space<vmem>>, vector<1x1000x64xf32>,
    return
  }
  func.func @transform_0(%arg0: i32) -> (i32, i32, i32) {
    %c0_i32 = arith.constant 0 : i32
    %c0_i32_0 = arith.constant 0 : i32
    %c0_i32_1 = arith.constant 0 : i32
    return %c0_i32, %arg0, %c0_i32_0 : i32, i32, i32
  }
  func.func @transform_1(%arg0: i32) -> (i32, i32, i32) {
    %c1_i32 = arith.constant 1 : i32
    %c0_i32 = arith.constant 0 : i32
    %c0_i32_0 = arith.constant 0 : i32
    return %c1_i32, %arg0, %c0_i32 : i32, i32, i32
  }
  func.func @transform_2(%arg0: i32) -> (i32, i32) {
    %c0_i32 = arith.constant 0 : i32
    %c0_i32_0 = arith.constant 0 : i32
    return %arg0, %c0_i32 : i32, i32
  }
  func.func @transform_3(%arg0: i32) -> (i32, i32) {
    %c0_i32 = arith.constant 0 : i32
    %c0_i32_0 = arith.constant 0 : i32
    return %arg0, %c0_i32 : i32, i32
  }
  func.func @transform_4(%arg0: i32) -> (i32, i32) {
    %c0_i32 = arith.constant 0 : i32
    %c0_i32_0 = arith.constant 0 : i32
    %c0_i32_1 = arith.constant 0 : i32
    return %c0_i32, %c0_i32_0 : i32, i32
  }
  func.func @transform_5(%arg0: i32) -> (i32, i32) {
    %c0_i32 = arith.constant 0 : i32
    %c0_i32_0 = arith.constant 0 : i32
    %c0_i32_1 = arith.constant 0 : i32
    return %c0_i32, %c0_i32_0 : i32, i32
  }
  func.func @transform_6(%arg0: i32) -> (i32, i32, i32) {
    %c0_i32 = arith.constant 0 : i32
    %c0_i32_0 = arith.constant 0 : i32
    %c0_i32_1 = arith.constant 0 : i32
    return %c0_i32, %arg0, %c0_i32_0 : i32, i32, i32
  }
}

module attributes {stable_mosaic.version = 14 : i64} {
  func.func @_layer_body(%arg0: i32, %arg1: memref<1x1000x64xf32, #tpu.memory_space<vmem>>, %arg2: memref<1x1000x64xf32, #tpu.memory_space<vmem>>, %arg3: memref<1000x1xf32, #tpu.memory_space<vmem>>, %arg4: memref<1000x1xf32, #tpu.memory_space<vmem>>, %arg5: memref<128x128xf32, #tpu.memory_space<vmem>>, %arg6: memref<1x128xf32, #tpu.memory_space<vmem>>, %arg7: memref<1000x128xf32, #tpu.memory_space<vmem>>) attributes {dimension_semantics = [#tpu.dimension_semantics<arbitrary>], iteration_bounds = array<i64: 10>, scalar_prefetch = 0 : i64, scratch_operands = 0 : i64, tpu.core_type = #tpu.core_type<tc>, window_params = [{transform_indices = @transform_0, window_bounds = array<i64: 1, 1000, 64>}, {transform_indices = @transform_1, window_bounds = array<i64: 1, 1000, 64>}, {transform_indices = @transform_2, window_bounds = array<i64: 1000, 1>}, {transform_indices = @transform_3, window_bounds = array<i64: 1000, 1>}, {pipeline_mode = #tpu.pipeline_mode<synchronous>, transform_indices = @transform_4, window_bounds = array<i64: 128, 128>}, {pipeline_mode = #tpu.pipeline_mode<synchronous>, transform_indices = @transform_5, window_bounds = array<i64: 1, 128>}, {transform_indices = @transform_6, window_bounds = array<i64: 1000, 128>}]} {
    %get3A = arith.constant 0 : index
    %get3A_0 = arith.constant 0 : index
    %get3A_1 = arith.constant 0 : index
    %get3A_2 = vector.load %arg1[%get3A, %get3A_0, %get3A_1] : memref<1x1000x64xf32, #tpu.memory_space<vmem>>, vector<1x1000x64xf32>
    %get3A_3 = vector.shape_cast %get3A_2 : vector<1x1000x64xf32> to vector<1000x64xf32>
    %get3A_4 = arith.constant 0 : index
    %get3A_5 = arith.constant 0 : index
    %get3A_6 = arith.constant 0 : index
    %get3A_7 = vector.load %arg2[%get3A_4, %get3A_5, %get3A_6] : memref<1x1000x64xf32, #tpu.memory_space<vmem>>, vector<1x1000x64xf32>
    %get3A_8 = vector.shape_cast %get3A_7 : vector<1x1000x64xf32> to vector<1000x64xf32>
    %concatenate3A = tpu.concatenate %get3A_3, %get3A_8 in 1 : vector<1000x64xf32>, vector<1000x64xf32> -> vector<1000x128xf32>
    %get3A_9 = arith.constant 0 : index
    %get3A_10 = arith.constant 0 : index
    %get3A_11 = vector.load %arg3[%get3A_9, %get3A_10] : memref<1000x1xf32, #tpu.memory_space<vmem>>, vector<1000x1xf32>
    %mul3A = vector.broadcast %get3A_11 : vector<1000x1xf32> to vector<1000x128xf32>
    %mul3A_12 = arith.mulf %concatenate3A, %mul3A : vector<1000x128xf32>
    %get3A_13 = arith.constant 0 : index
    %get3A_14 = arith.constant 0 : index
    %get3A_15 = vector.load %arg5[%get3A_13, %get3A_14] : memref<128x128xf32, #tpu.memory_space<vmem>>, vector<128x128xf32>
    %dot_general3A = arith.constant dense<0.000000e+00> : vector<1000x128xf32>
    %dot_general3A_16 = tpu.matmul %mul3A_12, %get3A_15, %dot_general3A {dimension_numbers = #tpu.dot_dimension_numbers<[1], [0], [0], [1], [0, 0, 1, 1], [], []>, transpose_lhs_hint = false} : vector<1000x128xf32>, vector<128x128xf32>, vector<1000x128xf32> -> vector<1000x128xf32>
    %get3A_17 = arith.constant 0 : index
    %get3A_18 = arith.constant 0 : index
    %get3A_19 = vector.load %arg6[%get3A_17, %get3A_18] : memref<1x128xf32, #tpu.memory_space<vmem>>, vector<1x128xf32>
    %add3A = vector.broadcast %get3A_19 : vector<1x128xf32> to vector<1000x128xf32>
    %add3A_20 = arith.addf %dot_general3A_16, %add3A : vector<1000x128xf32>
    %ge3A = arith.constant 0.000000e+00 : f32
    %ge3A_21 = vector.broadcast %ge3A : f32 to vector<1000x128xf32>
    %ge3A_22 = arith.cmpf oge, %add3A_20, %ge3A_21 : vector<1000x128xf32>
    %mul3A_23 = arith.constant 0.00999999977 : f32
    %mul3A_24 = vector.broadcast %mul3A_23 : f32 to vector<1000x128xf32>
    %mul3A_25 = arith.mulf %add3A_20, %mul3A_24 : vector<1000x128xf32>
    %select_n3A = arith.select %ge3A_22, %add3A_20, %mul3A_25 : vector<1000x128xi1>, vector<1000x128xf32>
    %get3A_26 = arith.constant 0 : index
    %get3A_27 = arith.constant 0 : index
    %get3A_28 = vector.load %arg4[%get3A_26, %get3A_27] : memref<1000x1xf32, #tpu.memory_space<vmem>>, vector<1000x1xf32>
    %mul3A_29 = vector.broadcast %get3A_28 : vector<1000x1xf32> to vector<1000x128xf32>
    %mul3A_30 = arith.mulf %select_n3A, %mul3A_29 : vector<1000x128xf32>
    %swap3A = arith.constant 0 : index
    %swap3A_31 = arith.constant 0 : index
    %swap3A_32 = vector.load %arg7[%swap3A, %swap3A_31] : memref<1000x128xf32, #tpu.memory_space<vmem>>, vector<1000x128xf32>
    tpu.vector_store %arg7[%swap3A, %swap3A_31], %mul3A_30 {strides = array<i32>} : memref<1000x128xf32, #tpu.memory_space<vmem>>, vector<1000x128xf32>,
    return
  }
  func.func @transform_0(%arg0: i32) -> (i32, i32, i32) {
    %c0_i32 = arith.constant 0 : i32
    %c0_i32_0 = arith.constant 0 : i32
    %c0_i32_1 = arith.constant 0 : i32
    return %c0_i32, %arg0, %c0_i32_0 : i32, i32, i32
  }
  func.func @transform_1(%arg0: i32) -> (i32, i32, i32) {
    %c1_i32 = arith.constant 1 : i32
    %c0_i32 = arith.constant 0 : i32
    %c0_i32_0 = arith.constant 0 : i32
    return %c1_i32, %arg0, %c0_i32 : i32, i32, i32
  }
  func.func @transform_2(%arg0: i32) -> (i32, i32) {
    %c0_i32 = arith.constant 0 : i32
    %c0_i32_0 = arith.constant 0 : i32
    return %arg0, %c0_i32 : i32, i32
  }
  func.func @transform_3(%arg0: i32) -> (i32, i32) {
    %c0_i32 = arith.constant 0 : i32
    %c0_i32_0 = arith.constant 0 : i32
    return %arg0, %c0_i32 : i32, i32
  }
  func.func @transform_4(%arg0: i32) -> (i32, i32) {
    %c0_i32 = arith.constant 0 : i32
    %c0_i32_0 = arith.constant 0 : i32
    %c0_i32_1 = arith.constant 0 : i32
    return %c0_i32, %c0_i32_0 : i32, i32
  }
  func.func @transform_5(%arg0: i32) -> (i32, i32) {
    %c0_i32 = arith.constant 0 : i32
    %c0_i32_0 = arith.constant 0 : i32
    %c0_i32_1 = arith.constant 0 : i32
    return %c0_i32, %c0_i32_0 : i32, i32
  }
  func.func @transform_6(%arg0: i32) -> (i32, i32) {
    %c0_i32 = arith.constant 0 : i32
    %c0_i32_0 = arith.constant 0 : i32
    return %arg0, %c0_i32 : i32, i32
  }
}

</mosaic_0001>

<sc_bundles>
// kernel: kernel.12.cloned.1.call-start
scs
__scs_entry_jumppad:
0x0: {  	(pc) =	sbr.rel $0x88, $3  }
0x1: {  	(tag) =	ssettag $0x0;
	lr =	simm.s32 $0x1  }
0x2: {  	[smem:$0x3F9B] =	sst lr;
	_ =	strace $0xD0000000  }
0x3: {  	_ = 	snop  }
0x4: {  	_ = 	snop  }
0x5: {  	_ = 	snop  }
0x6: {  	_ = 	snop  }
0x7: {  	_ = 	snop  }
__scs_overlays_trampoline_lowered:
0x8: {  	[smem:$0x3FAA] =	sst s0  }
0x9: {  	[smem:$0x3FAB] =	sst s1  }
0xa: {  	[smem:$0x3FAC] =	sst s2  }
0xb: {  	[smem:$0x3FAD] =	sst s3  }
0xc: {  	[smem:$0x3FAE] =	sst s4  }
0xd: {  	[smem:$0x3FAF] =	sst s5  }
0xe: {  	[smem:$0x3FB0] =	sst s6  }
0xf: {  	[smem:$0x3FB1] =	sst s7  }
0x10: {  	[smem:$0x3FB2] =	sst s8  }
0x11: {  	[smem:$0x3FB3] =	sst s9;
	s0 =	simm.s32 @!p0 $0x0  }
0x12: {  	s1 =	sld [smem:$0x3F99];
	s0 =	simm.s32 @p0 $0x1  }
0x13: {  	[smem:$0x3FB4] =	sst s0;
	s0 =	simm.s32 @!p1 $0x0  }
0x14: {  	s2 =	sld [smem:$0x3F98];
	s0 =	simm.s32 @p1 $0x1  }
0x15: {  	[smem:$0x3FB5] =	sst s0;
	s0 =	simm.s32 @!p2 $0x0  }
0x16: {  	s3 =	sld [smem:$0x3FDB];
	s0 =	simm.s32 @p2 $0x1  }
0x17: {  	s4 =	simm.s32 $0x1BF5;
	[smem:$0x3FB7] =	sst s0  }
0x18: {  	s0 =	sld [smem:$0x3F9A];
	_ =	swait.ge [sflag:s4], $0x0  }
0x19: {  	s7 =	sld [smem:$0x3F9B]  }
0x1a: {  	s8 =	sadd.s32 $0xFFFFE003, lr  }
0x1b: {  	s9 =	sadd.s32 $0xFFFFFEF7, lr;
	s5 =	simm.s32 $0xFFFFFFFF;
	p2 =	slt.u32 s8, $0xFFFFF086  }
0x1c: {  	p1 =	slt.u32 s9, $0xF7A;
	s5 =	simm.s32 @!p2 $0x0  }
0x1d: {  	s5 =	simm.s32 @p1 $0x1;
	p0 =	seq.s32 s7, s2  }
0x1e: {  	s7 =	smul.u32 @!p0 $0xF7A, s2;
	p2 =	seq.s32 @!p0 s5, $0x0  }
0x1f: {  	s9 =	smul.u32 $0xF7A, s1;
	s8 =	simm.s32 @!p0 $0x1BF5;
	p2 =	por !p2, p0  }
0x20: {  	[sflag:s8] =	ssyncset.s32 @!p0 $0xFFFFF086;
	s6 =	sadd.s32 @!p0 s3, s7;
	s7 =	simm.s32 @!p0 $0x108  }
0x21: {  	s3 =	sadd.s32 s3, s9;
	s6 =	sadd.s32 @!p0 $0x88, s6;
	s7 =	simm.s32 @p2 $0x1082  }
0x22: {  	[simem:s7], [sflag:s8] =	dma.local @!p0 [hbm:s6], $0xF7A  }
0x23: {  	s9 =	sor.u32 $0xD0000000, s2;
	s6 =	simm.s32 $0x108;
	_ =	swait.ge @!p0 [sflag:s8], $0x0  }
0x24: {  	s3 =	sadd.s32 $0x88, s3;
	s6 =	simm.s32 @!p1 $0x1082;
	[sflag:s4] =	ssyncset.s32 $0xFFFFF086  }
0x25: {  	[simem:s6], [sflag:s4] =	dma.local [hbm:s3], $0xF7A  }
0x26: {  	[smem:$0x3F9B] =	sst s1;
	(tag) =	ssettag s2;
	_ =	strace s9  }
0x27: {  	s1 =	sld [smem:$0x3FAB]  }
0x28: {  	s2 =	sld [smem:$0x3FAC]  }
0x29: {  	s4 =	sld [smem:$0x3FAE]  }
0x2a: {  	p0 =	seq.s32 s5, $0x0;
	s5 =	sld [smem:$0x3FAF]  }
0x2b: {  	s6 =	sld [smem:$0x3FB0]  }
0x2c: {  	s7 =	sld [smem:$0x3FB1]  }
0x2d: {  	s3 =	simm.s32 $0x108;
	s8 =	sld [smem:$0x3FB2]  }
0x2e: {  	s3 =	simm.s32 @!p0 $0x1082;
	s9 =	sld [smem:$0x3FB3]  }
0x2f: {  	lr =	sadd.s32 s0, s3;
	s0 =	sld [smem:$0x3FAA]  }
0x30: {  	s3 =	sld [smem:$0x3FAD]  }
0x31: {  	[smem:$0x3FB6] =	sst s10  }
0x32: {  	s10 =	sld [smem:$0x3FB4];
	_ =	sdelay $0x3  }
0x33: {  	p0 =	seq.s32 s10, $0x1;
	s10 =	sld [smem:$0x3FB6];
	_ =	sdelay $0x3  }
0x34: {  	[smem:$0x3FB6] =	sst s10  }
0x35: {  	s10 =	sld [smem:$0x3FB5];
	_ =	sdelay $0x3  }
0x36: {  	p1 =	seq.s32 s10, $0x1;
	s10 =	sld [smem:$0x3FB6];
	_ =	sdelay $0x3  }
0x37: {  	[smem:$0x3FB6] =	sst s10  }
0x38: {  	s10 =	sld [smem:$0x3FB7]  }
0x39: {  	_ = 	snop;
	(pc) =	sbr.ind lr, $3  }
0x3a: {  	_ = 	snop  }
0x3b: {  	_ = 	snop  }
0x3c: {  	p2 =	seq.s32 s10, $0x1;
	s10 =	sld [smem:$0x3FB6]  }
0x3d: {  	_ =	shalt  }
0x3e: {  	_ =	shalt  }
0x3f: {  	_ =	shalt  }
0x40: {  	_ =	shalt  }
0x41: {  	_ =	shalt  }
0x42: {  	_ =	shalt  }
0x43: {  	_ =	shalt  }
0x44: {  	_ =	shalt  }
0x45: {  	_ =	shalt  }
0x46: {  	_ =	shalt  }
0x47: {  	_ =	shalt  }
0x48: {  	_ =	shalt  }
0x49: {  	_ =	shalt  }
0x4a: {  	_ =	shalt  }
0x4b: {  	_ =	shalt  }
0x4c: {  	_ =	shalt  }
0x4d: {  	_ =	shalt  }
0x4e: {  	_ =	shalt  }
0x4f: {  	_ =	shalt  }
0x50: {  	_ =	shalt  }
0x51: {  	_ =	shalt  }
0x52: {  	_ =	shalt  }
0x53: {  	_ =	shalt  }
0x54: {  	_ =	shalt  }
0x55: {  	_ =	shalt  }
0x56: {  	_ =	shalt  }
0x57: {  	_ =	shalt  }
0x58: {  	_ =	shalt  }
0x59: {  	_ =	shalt  }
0x5a: {  	_ =	shalt  }
0x5b: {  	_ =	shalt  }
0x5c: {  	_ =	shalt  }
0x5d: {  	_ =	shalt  }
0x5e: {  	_ =	shalt  }
0x5f: {  	_ =	shalt  }
0x60: {  	_ =	shalt  }
0x61: {  	_ =	shalt  }
0x62: {  	_ =	shalt  }
0x63: {  	_ =	shalt  }
0x64: {  	_ =	shalt  }
0x65: {  	_ =	shalt  }
0x66: {  	_ =	shalt  }
0x67: {  	_ =	shalt  }
0x68: {  	_ =	shalt  }
0x69: {  	_ =	shalt  }
0x6a: {  	_ =	shalt  }
0x6b: {  	_ =	shalt  }
0x6c: {  	_ =	shalt  }
0x6d: {  	_ =	shalt  }
0x6e: {  	_ =	shalt  }
0x6f: {  	_ =	shalt  }
0x70: {  	_ =	shalt  }
0x71: {  	_ =	shalt  }
0x72: {  	_ =	shalt  }
0x73: {  	_ =	shalt  }
0x74: {  	_ =	shalt  }
0x75: {  	_ =	shalt  }
0x76: {  	_ =	shalt  }
0x77: {  	_ =	shalt  }
0x78: {  	_ =	shalt  }
0x79: {  	_ =	shalt  }
0x7a: {  	_ =	shalt  }
0x7b: {  	_ =	shalt  }
0x7c: {  	_ =	shalt  }
0x7d: {  	_ =	shalt  }
0x7e: {  	_ =	shalt  }
0x7f: {  	_ =	shalt  }
0x80: {  	_ =	shalt  }
0x81: {  	_ =	shalt  }
0x82: {  	_ =	shalt  }
0x83: {  	_ =	shalt  }
0x84: {  	_ =	shalt  }
0x85: {  	_ =	shalt  }
0x86: {  	_ =	shalt  }
0x87: {  	_ =	shalt  }
.Lfunc_end0:
.L_simem_size_0:
called_computation.1_lowered:
.L_overlay_start_0:
0x88: {  	s2 =	sld [smem:$0x3FD9]  }
0x89: {  	s3 =	sld [smem:$0x3FFE];
	_ =	sdelay $0x1  }
0x8a: {  	s1 =	srdreg.scid  }
0x8b: {  	s0 =	sand.u32 $0x1, s1  }
0x8c: {  	s17 =	sshll.u32 s0, $0xA;
	s2 =	sadd.s32 s3, s2  }
0x8d: {  	s2 =	sadd.s32 s2, s17  }
0x8e: {  	[smem:$0x3FC2] =	sst s2  }
0x8f: {  	_ = 	snop  }
0x90: {  	s2 =	sld [smem:$0x3FD0];
	(tm) =	ssettm $0x1  }
0x91: {  	s18 =	sld [smem:$0x3FFB];
	_ =	sdelay $0x3  }
0x92: {  	_ =	strace s18  }
0x93: {  	s3 =	sld [smem:$0x3FFC];
	_ =	sdelay $0x3  }
0x94: {  	_ =	strace s3  }
0x95: {  	s3 =	sld [smem:$0x3FFD];
	_ =	sdelay $0x3  }
0x96: {  	_ =	strace s3  }
0x97: {  	_ =	strace $0x8FFFFFFF  }
0x98: {  	s19 =	sld [smem:$0x3FDB];
	_ =	sdelay $0x1  }
0x99: {  	s4 =	simm.s32 $_scs_section_size  }
0x9a: {  	s5 =	simm.s32 $_size__tile_overlayer_lowered;
	s6 =	simm.s32 $_tile_overlayer_lowered  }
0x9b: {  	s22 =	simm.s32 $0x1BFF;
	s21 =	sshll.u32 s6, $0x1;
	s3 =	sadd.s32 s4, s19  }
0x9c: {  	s7 =	simm.s32 $0x0;
	s20 =	sshll.u32 s5, $0x1;
	s5 =	sadd.s32 s21, s3  }
0x9d: {  	[timem:s7], [sflag:s22] =	dma.local [hbm:s5], s20  }
0x9e: {  	_ =	swait.ge [sflag:s22], s20  }
0x9f: {  	s4 =	ssub.s32 $0x0, s20;
	[sflag:s22] =	ssyncset.done $0x0  }
0xa0: {  	[sflag:s22] =	ssyncadd.s32 s4;
	_ =	sdelay $0x1  }
0xa1: {  	s23 =	simm.s32 $0x1B8B  }
0xa2: {  	_ =	swait.ge [sflag:s23], $0x1  }
0xa3: {  	[sflag:s23] =	ssyncset.done $0x0  }
0xa4: {  	s25 =	simm.s32 $0x1B8E;
	s24 =	sld [smem:$0x3FFE];
	[sflag:s23] =	ssyncadd.s32 $0xFFFFFFFF  }
0xa5: {  	s26 =	simm.s32 $execute0_lowered;
	[smem:$0x3FD2] =	sst s25  }
0xa6: {  	s5 =	sshll.u32 s26, $0x1;
	_ =	strace $0x80000049;
	[dreg:$0x1] =	wrdreg $0xFFFFFFFF  }
0xa7: {  	s28 =	simm.s32 $_size_execute0_lowered;
	s3 =	sadd.s32 s3, s5;
	[dreg:$0x0] =	wrdreg $0x0  }
0xa8: {  	s5 =	sshll.u32 s28, $0x1;
	[dreg:$0x2] =	wrdreg s3  }
0xa9: {  	[dreg:$0x3] =	wrdreg s5  }
0xaa: {  	[dreg:$0x4] =	wrdreg $0xC0  }
0xab: {  	_ =	task [dreg:s7], $0x5FFFF  }
0xac: {  	[dreg:$0x1] =	wrdreg $0xFFFFFFFF  }
0xad: {  	[dreg:$0x0] =	wrdreg $0x60  }
0xae: {  	[dreg:$0x2] =	wrdreg s2  }
0xaf: {  	[dreg:$0x3] =	wrdreg s24  }
0xb0: {  	[dreg:$0x4] =	wrdreg $0x13C400  }
0xb1: {  	[dreg:$0x5] =	wrdreg $0x9  }
0xb2: {  	_ =	task.clear_ibuf [dreg:s7], $0x6FFFF;
	_ =	strace $0x90000049  }
0xb3: {  	s29 =	simm.s32 $0x9;
	_ =	strace $0x8000004B  }
0xb4: {  	_ =	swait.ge [sflag:s29], $0x1  }
0xb5: {  	[sflag:s29] =	ssyncadd.s32 $0xFFFFFFFF  }
0xb6: {  	_ =	strace $0x9000004B  }
0xb7: {  	_ =	sfence  }
0xb8: {  	s30 =	sld [smem:$0x0];
	_ =	sdelay $0x2  }
0xb9: {  	s31 =	sshll.u32 s1, $0xD;
	s1 =	sshrl.u32 s1, $0x2  }
0xba: {  	s3 =	sand.u32 $0x4000, s31;
	s1 =	sadd.s32 s1, s30  }
0xbb: {  	s0 =	sor.u32 s3, s0;
	s1 =	sshll.u32 s1, $0x11  }
0xbc: {  	s0 =	sor.u32 s1, s0  }
0xbd: {  	s0 =	sadd.s32 $0x8F2B, s0  }
0xbe: {  	[sflag:s0] =	ssyncadd.remote.s32 $0x1  }
0xbf: {  	_ =	sfence.sel $0xFFFF  }
0xc0: {  	[dreg:$0x0] =	wrdreg $0xFFFFFFFF;
	(pc) =	sbr.abs _section_cstart, $3  }
0xc1: {  	[dreg:$0x1] =	wrdreg $0xFFFFFFFF  }
0xc2: {  	_ =	task.clear_ibuf [dreg:s7], $0x2FFFF;
	_ =	strace $0x9FFFFFFF  }
0xc3: {  	(tm) =	ssettm $0x7FFFFFFF  }
tec
execute0_lowered:
.L_overlay_start_1:
0x0: {  	(tag) =	ssettag $0x1  }
0x1: {  	s0 =	rddreg [dreg:$0x0]  }
0x2: {  	s1 =	rddreg [dreg:$0x1]  }
0x3: {  	s9 =	stileid.u32;
	s3 =	srdreg.scid  }
0x4: {  	s2 =	rddreg [dreg:$0x2];
	s6 =	simm.s32 $0x0;
	s11 =	simm.s32 $0x11  }
0x5: {  	s16 =	simm.s32 $0x50;
	s17 =	simm.s32 $0x9C40;
	s18 =	simm.s32 $0xB040  }
0x6: {  	s28 =	simm.s32 $0x10040;
	s29 =	simm.s32 $0x3;
	s30 =	simm.s32 $0x11440  }
0x7: {  	s31 =	simm.s32 $0x4;
	s10 =	simm.s32 $0x5;
	s4 =	smul.u32 $0xA000, s9  }
0x8: {  	s19 =	simm.s32 $0x6;
	s15 =	simm.s32 $0x0;
	s20 =	smul.u32 $0x9C4, s9  }
0x9: {  	s3 =	sand.u32 $0x1, s3;
	[smem:$0x7FF] =	sst s6;
	s23 =	smul.u32 $0x28000, s9  }
0xa: {  	p0 =	seq.s32 s9, $0xF;
	s5 =	smul.u32 $0xA0000, s3;
	_ =	strace $0x8000004A  }
0xb: {  	s7 =	ssub.s32 $0x2, s3;
	s3 =	smul.u32 $0x13880, s3;
	s6 =	sadd.s32 s20, s1  }
0xc: {  	s8 =	sshrl.u32 s7, $0x1;
	s24 =	sshrl.u32 s23, $0x2;
	s20 =	simm.s32 $0xC440  }
0xd: {  	s23 =	simm.s32 $0x1;
	s5 =	sadd.s32 s4, s5;
	s21 =	ssub.s32 s7, s8  }
0xe: {  	s22 =	sadd.s32 $0x2200, s6;
	s6 =	sadd.s32 $0xC000, s6;
	s8 =	sadd.s32 s4, s2  }
0xf: {  	s7 =	simm.s32 $0x8;
	s5 =	sshrl.u32 s5, $0x3;
	[dreg:$0x4] =	wrdreg s22  }
0x10: {  	[dreg:$0x5] =	wrdreg s6;
	s6 =	sadd.s32 s0, s3;
	s0 =	sshrl.u32 s4, $0x3  }
0x11: {  	s3 =	sadd.s32 $0x96000, s2;
	s25 =	smax.u32 s21, $0x1;
	s22 =	simm.s32 $0xD840  }
0x12: {  	s21 =	simm.s32 $0xA;
	[dreg:$0x7] =	wrdreg s25;
	s4 =	sadd.s32 @p0 $0x12C00, s6  }
0x13: {  	s1 =	sadd.s32 s5, s1;
	s3 =	sshrl.u32 @p0 s3, $0x3;
	[dreg:$0x8] =	wrdreg s4  }
0x14: {  	s0 =	sadd.s32 @!p0 s0, s6;
	s5 =	simm.s32 $0xB;
	[dreg:$0x9] =	wrdreg s3  }
0x15: {  	s1 =	sadd.s32 $0x15E00, s1;
	[dreg:$0xa] =	wrdreg s0;
	s0 =	sshll.u32 @!p0 s9, $0x6  }
.Ltmp0:
0x16: {  	s4 =	simm.s32 $0x7;
	[dreg:$0x6] =	wrdreg s1;
	(pc) =	sbr.rel .LBB2_1-.Ltmp0, $4  }
0x17: {  	s1 =	sadd.s32 s24, s2;
	s0 =	sor.u32 @!p0 $0x1C11, s0;
	s24 =	simm.s32 $0xEC40  }
0x18: {  	[dreg:$0xb] =	wrdreg s0;
	s0 =	sshrl.u32 @!p0 s8, $0x3;
	s26 =	sshrl.u32 s1, $0x3  }
0x19: {  	s1 =	simm.s32 $0x12840;
	s8 =	simm.s32 $0xC;
	[dreg:$0xc] =	wrdreg s0  }
0x1a: {  	[dreg:$0xd] =	wrdreg s26;
	s26 =	simm.s32 $0x2;
	s0 =	simm.s32 $0x9  }
.LBB2_4:
0x1b: {  	_ =	swait.ge [sflag:s7], $0x1400  }
0x1c: {  	[sflag:s7] =	ssyncset.done $0x0  }
0x1d: {  	[sflag:s7] =	ssyncadd.s32 $0xFFFFEC00  }
0x1e: {  	[spmem:s2] =	stream.indirect.scatter.add.f32 [tilespmem:s1], [sflag:$0x10], $0x40, s11, s16, $0xb8;
	[tilespmem:$0x1DC40] =	vst v63  }
0x1f: {  	_ =	swait.ge [sflag:s8], $0x1400  }
0x20: {  	[sflag:s8] =	ssyncset.done $0x0  }
0x21: {  	[sflag:s8] =	ssyncadd.s32 $0xFFFFEC00  }
0x22: {  	_ =	swait.ge [sflag:s23], $0x1400  }
0x23: {  	[sflag:s23] =	ssyncset.done $0x0  }
0x24: {  	s3 =	simm.s32 $0x9BA0;
	s14 =	simm.s32 $0xD;
	[sflag:s23] =	ssyncadd.s32 $0xFFFFEC00  }
0x25: {  	[spmem:s2] =	stream.indirect.scatter.add.f32 [tilespmem:s17], [sflag:$0x9], $0x40, s3, s16, $0xb8;
	[tilespmem:$0x1DC40] =	vst v63  }
0x26: {  	_ =	swait.ge [sflag:s14], $0x1400  }
0x27: {  	[sflag:s14] =	ssyncset.done $0x0  }
0x28: {  	[sflag:s14] =	ssyncadd.s32 $0xFFFFEC00  }
0x29: {  	_ =	swait.ge [sflag:s26], $0x1400  }
0x2a: {  	[sflag:s26] =	ssyncset.done $0x0  }
0x2b: {  	s25 =	simm.s32 $0x9BF0;
	s9 =	simm.s32 $0xE;
	[sflag:s26] =	ssyncadd.s32 $0xFFFFEC00  }
0x2c: {  	[spmem:s2] =	stream.indirect.scatter.add.f32 [tilespmem:s18], [sflag:$0xA], $0x40, s25, s16, $0xb8;
	[tilespmem:$0x1DC40] =	vst v63  }
0x2d: {  	_ =	swait.ge [sflag:s9], $0x1400  }
0x2e: {  	[sflag:s9] =	ssyncset.done $0x0  }
0x2f: {  	s11 =	simm.s32 $0xF;
	[sflag:s9] =	ssyncadd.s32 $0xFFFFEC00  }
0x30: {  	_ =	swait.ge [sflag:s11], $0x1400  }
0x31: {  	[sflag:s11] =	ssyncset.done $0x0  }
0x32: {  	s12 =	simm.s32 $0x10;
	[sflag:s11] =	ssyncadd.s32 $0xFFFFEC00  }
0x33: {  	_ =	swait.ge [sflag:s12], $0x1400  }
0x34: {  	[sflag:s12] =	ssyncset.done $0x0  }
0x35: {  	[sflag:s12] =	ssyncadd.s32 $0xFFFFEC00  }
0x36: {  	_ =	swait.ge [sflag:s0], $0x1400  }
0x37: {  	[sflag:s0] =	ssyncset.done $0x0  }
0x38: {  	[sflag:s0] =	ssyncadd.s32 $0xFFFFEC00  }
0x39: {  	_ =	swait.ge [sflag:s21], $0x1400  }
0x3a: {  	[sflag:s21] =	ssyncset.done $0x0  }
0x3b: {  	[sflag:s21] =	ssyncadd.s32 $0xFFFFEC00  }
0x3c: {  	s13 =	stileid.u32;
	[bflag:$0x0] =	sbarrier.arrive $0xFFFF  }
0x3d: {  	s3 =	sshll.u32 s13, $0x6;
	s9 =	rddreg [dreg:$0x6]  }
0x3e: {  	s3 =	sor.u32 $0x1C11, s3;
	s11 =	simm.s32 $0x11;
	s14 =	rddreg [dreg:$0xd]  }
0x3f: {  	[hbm:s9], [sflag:s3] =	dma.local [spmem:s14], $0x1400  }
0x40: {  	_ =	swait.ge [sflag:s11], $0x1400  }
0x41: {  	s15 =	sadd.s32 $0x1, s15;
	s25 =	rddreg [dreg:$0x7]  }
0x42: {  	p1 =	sne.s32 s15, s25  }
.Ltmp1:
0x43: {  	_ = 	snop;
	(pc) =	sbr.rel @!p1 .LBB2_5-.Ltmp1, $3  }
0x44: {  	_ =	sdelay $0x1  }
0x45: {  	[sflag:s11] =	ssyncset.done $0x0  }
0x46: {  	[sflag:s11] =	ssyncadd.s32 $0xFFFFEC00  }
.LBB2_1:
0x47: {  	s9 =	simm.s32 $0x0;
	s3 =	rddreg [dreg:$0x4]  }
0x48: {  	[tilespmem:s9], [sflag:$0x11] =	stream.linear.gather [hbm4b:s3+s9], $0x4E20, $0x38;
	[tilespmem:$0x1DC40] =	vst v63  }
0x49: {  	_ =	swait.ge [sflag:s11], $0x4E20  }
0x4a: {  	[sflag:s11] =	ssyncset.done $0x0  }
0x4b: {  	s12 =	simm.s32 $0x4E20;
	s13 =	rddreg [dreg:$0x5];
	[sflag:s11] =	ssyncadd.s32 $0xFFFFB1E0  }
0x4c: {  	[tilespmem:s12], [sflag:$0x11] =	stream.linear.gather [hbm4b:s13+s9], $0x4E20, $0x38;
	[tilespmem:$0x1DC40] =	vst v63  }
0x4d: {  	_ =	swait.ge [sflag:s11], $0x4E20  }
0x4e: {  	[sflag:s11] =	ssyncset.done $0x0;
	s12 =	rddreg [dreg:$0x9]  }
0x4f: {  	s3 =	simm.s32 @p0 $0x1FD1;
	[sflag:s11] =	ssyncadd.s32 $0xFFFFB1E0;
	s11 =	rddreg [dreg:$0x8]  }
0x50: {  	[spmem:s12], [sflag:s3] =	dma.local @p0 [hbm:s11], $0xC80  }
0x51: {  	s3 =	simm.s32 @p0 $0x11  }
0x52: {  	_ =	swait.ge @p0 [sflag:s3], $0xC80  }
0x53: {  	s11 =	rddreg [dreg:$0xb]  }
0x54: {  	[sflag:s3] =	ssyncset.done @p0 $0x0;
	s12 =	rddreg [dreg:$0xc]  }
0x55: {  	[sflag:s3] =	ssyncadd.s32 @p0 $0xFFFFF380;
	s3 =	rddreg [dreg:$0xa]  }
0x56: {  	[spmem:s12], [sflag:s11] =	dma.local @!p0 [hbm:s3], $0x1400  }
0x57: {  	s3 =	simm.s32 @!p0 $0x11  }
0x58: {  	_ =	swait.ge @!p0 [sflag:s3], $0x1400  }
0x59: {  	[sflag:s3] =	ssyncset.done @!p0 $0x0  }
0x5a: {  	[sflag:s3] =	ssyncadd.s32 @!p0 $0xFFFFEC00  }
0x5b: {  	[bflag:$0x0] =	sbarrier.arrive $0xFFFF  }
0x5c: {  	[tilespmem:s17], [sflag:$0x1] =	stream.indirect.gather [hbm4b:s6+s16], $0x40, s9, s16, $0xb8;
	[tilespmem:$0x1DC40] =	vst v63  }
0x5d: {  	_ = 	snop  }
0x5e: {  	[tilespmem:s18], [sflag:$0x2] =	stream.indirect.gather [hbm4b:s6+s16], $0x40, s16, s16, $0xb8;
	[tilespmem:$0x1DC40] =	vst v63  }
0x5f: {  	s14 =	simm.s32 $0xA0  }
0x60: {  	[tilespmem:s20], [sflag:$0x3] =	stream.indirect.gather [hbm4b:s6+s16], $0x40, s14, s16, $0xb8;
	[tilespmem:$0x1DC40] =	vst v63  }
0x61: {  	s25 =	simm.s32 $0xF0  }
0x62: {  	[tilespmem:s22], [sflag:$0x4] =	stream.indirect.gather [hbm4b:s6+s16], $0x40, s25, s16, $0xb8;
	[tilespmem:$0x1DC40] =	vst v63  }
0x63: {  	s25 =	simm.s32 $0x0  }
.LBB2_2:
0x64: {  	_ =	swait.ge [sflag:s23], $0x1400  }
0x65: {  	s3 =	sshra.s32 s25, $0x2;
	[sflag:s23] =	ssyncset.done $0x0  }
0x66: {  	p1 =	seq.s32 s25, $0x0;
	s11 =	sadd.s32 $0x4E20, s3;
	[sflag:s23] =	ssyncadd.s32 $0xFFFFEC00  }
0x67: {  	[spmem:s2] =	stream.indirect.scatter.add.f32 [tilespmem:s17], [sflag:$0x9], $0x40, s11, s16, $0xb8;
	[tilespmem:$0x1DC40] =	vst v63  }
0x68: {  	s11 =	simm.s32 @!p1 $0xD  }
0x69: {  	s12 =	sadd.s32 @!p1 $0x500, s25;
	_ =	swait.ge @!p1 [sflag:s11], $0x1400  }
0x6a: {  	s12 =	simm.s32 @p1 $0x500;
	[sflag:s11] =	ssyncset.done @!p1 $0x0  }
0x6b: {  	[sflag:s11] =	ssyncadd.s32 @!p1 $0xFFFFEC00;
	s11 =	sshra.s32 s12, $0x2  }
0x6c: {  	[tilespmem:s24], [sflag:$0x5] =	stream.indirect.gather [hbm4b:s6+s16], $0x40, s11, s16, $0xb8;
	[tilespmem:$0x1DC40] =	vst v63  }
0x6d: {  	_ =	swait.ge [sflag:s26], $0x1400  }
0x6e: {  	[sflag:s26] =	ssyncset.done $0x0  }
0x6f: {  	s13 =	sadd.s32 $0x4E70, s3;
	s12 =	simm.s32 @!p1 $0xE;
	[sflag:s26] =	ssyncadd.s32 $0xFFFFEC00  }
0x70: {  	[spmem:s2] =	stream.indirect.scatter.add.f32 [tilespmem:s18], [sflag:$0xA], $0x40, s13, s16, $0xb8;
	[tilespmem:$0x1DC40] =	vst v63  }
0x71: {  	s13 =	sadd.s32 @!p1 $0x640, s25;
	_ =	swait.ge @!p1 [sflag:s12], $0x1400  }
0x72: {  	s13 =	simm.s32 @p1 $0x640;
	[sflag:s12] =	ssyncset.done @!p1 $0x0  }
0x73: {  	[sflag:s12] =	ssyncadd.s32 @!p1 $0xFFFFEC00;
	s12 =	sshra.s32 s13, $0x2  }
0x74: {  	[tilespmem:s28], [sflag:$0x6] =	stream.indirect.gather [hbm4b:s6+s16], $0x40, s12, s16, $0xb8;
	[tilespmem:$0x1DC40] =	vst v63  }
0x75: {  	_ =	swait.ge [sflag:s29], $0x1400  }
0x76: {  	[sflag:s29] =	ssyncset.done $0x0  }
0x77: {  	s14 =	sadd.s32 $0x4EC0, s3;
	s13 =	simm.s32 @!p1 $0xF;
	[sflag:s29] =	ssyncadd.s32 $0xFFFFEC00  }
0x78: {  	[spmem:s2] =	stream.indirect.scatter.add.f32 [tilespmem:s20], [sflag:$0xB], $0x40, s14, s16, $0xb8;
	[tilespmem:$0x1DC40] =	vst v63  }
0x79: {  	s14 =	sadd.s32 @!p1 $0x780, s25;
	_ =	swait.ge @!p1 [sflag:s13], $0x1400  }
0x7a: {  	s14 =	simm.s32 @p1 $0x780;
	[sflag:s13] =	ssyncset.done @!p1 $0x0  }
0x7b: {  	[sflag:s13] =	ssyncadd.s32 @!p1 $0xFFFFEC00;
	s13 =	sshra.s32 s14, $0x2  }
0x7c: {  	[tilespmem:s30], [sflag:$0x7] =	stream.indirect.gather [hbm4b:s6+s16], $0x40, s13, s16, $0xb8;
	[tilespmem:$0x1DC40] =	vst v63  }
0x7d: {  	_ =	swait.ge [sflag:s31], $0x1400  }
0x7e: {  	[sflag:s31] =	ssyncset.done $0x0  }
0x7f: {  	s9 =	sadd.s32 $0x4F10, s3;
	s14 =	simm.s32 @!p1 $0x10;
	[sflag:s31] =	ssyncadd.s32 $0xFFFFEC00  }
0x80: {  	[spmem:s2] =	stream.indirect.scatter.add.f32 [tilespmem:s22], [sflag:$0xC], $0x40, s9, s16, $0xb8;
	[tilespmem:$0x1DC40] =	vst v63  }
0x81: {  	s9 =	sadd.s32 @!p1 $0x8C0, s25;
	_ =	swait.ge @!p1 [sflag:s14], $0x1400  }
0x82: {  	s9 =	simm.s32 @p1 $0x8C0;
	[sflag:s14] =	ssyncset.done @!p1 $0x0  }
0x83: {  	s9 =	sshra.s32 s9, $0x2;
	[sflag:s14] =	ssyncadd.s32 @!p1 $0xFFFFEC00  }
0x84: {  	[tilespmem:s1], [sflag:$0x8] =	stream.indirect.gather [hbm4b:s6+s16], $0x40, s9, s16, $0xb8;
	[tilespmem:$0x1DC40] =	vst v63  }
0x85: {  	_ =	swait.ge [sflag:s10], $0x1400  }
0x86: {  	[sflag:s10] =	ssyncset.done $0x0  }
0x87: {  	s11 =	sadd.s32 $0x4E20, s11;
	[sflag:s10] =	ssyncadd.s32 $0xFFFFEC00  }
0x88: {  	[spmem:s2] =	stream.indirect.scatter.add.f32 [tilespmem:s24], [sflag:$0xD], $0x40, s11, s16, $0xb8;
	[tilespmem:$0x1DC40] =	vst v63  }
0x89: {  	_ =	swait.ge [sflag:s0], $0x1400  }
0x8a: {  	[sflag:s0] =	ssyncset.done $0x0  }
0x8b: {  	s14 =	sadd.s32 $0x280, s3;
	[sflag:s0] =	ssyncadd.s32 $0xFFFFEC00  }
0x8c: {  	[tilespmem:s17], [sflag:$0x1] =	stream.indirect.gather [hbm4b:s6+s16], $0x40, s14, s16, $0xb8;
	[tilespmem:$0x1DC40] =	vst v63  }
0x8d: {  	_ =	swait.ge [sflag:s19], $0x1400  }
0x8e: {  	[sflag:s19] =	ssyncset.done $0x0  }
0x8f: {  	s14 =	sadd.s32 $0x4E20, s12;
	[sflag:s19] =	ssyncadd.s32 $0xFFFFEC00  }
0x90: {  	[spmem:s2] =	stream.indirect.scatter.add.f32 [tilespmem:s28], [sflag:$0xE], $0x40, s14, s16, $0xb8;
	[tilespmem:$0x1DC40] =	vst v63  }
0x91: {  	_ =	swait.ge [sflag:s21], $0x1400  }
0x92: {  	[sflag:s21] =	ssyncset.done $0x0  }
0x93: {  	s12 =	sadd.s32 $0x2D0, s3;
	[sflag:s21] =	ssyncadd.s32 $0xFFFFEC00  }
0x94: {  	[tilespmem:s18], [sflag:$0x2] =	stream.indirect.gather [hbm4b:s6+s16], $0x40, s12, s16, $0xb8;
	[tilespmem:$0x1DC40] =	vst v63  }
0x95: {  	_ =	swait.ge [sflag:s4], $0x1400  }
0x96: {  	p1 =	seq.s32 s25, $0x12C00;
	[sflag:s4] =	ssyncset.done $0x0  }
.Ltmp2:
0x97: {  	s14 =	sadd.s32 $0x4E20, s13;
	[sflag:s4] =	ssyncadd.s32 $0xFFFFEC00;
	(pc) =	sbr.rel @p1 .LBB2_4-.Ltmp2, $4  }
0x98: {  	[spmem:s2] =	stream.indirect.scatter.add.f32 [tilespmem:s30], [sflag:$0xF], $0x40, s14, s16, $0xb8;
	[tilespmem:$0x1DC40] =	vst v63  }
0x99: {  	_ =	swait.ge [sflag:s5], $0x1400  }
0x9a: {  	[sflag:s5] =	ssyncset.done $0x0  }
0x9b: {  	s11 =	sadd.s32 $0x4E20, s9;
	[sflag:s5] =	ssyncadd.s32 $0xFFFFEC00  }
0x9c: {  	s9 =	sadd.s32 $0x320, s3  }
0x9d: {  	[tilespmem:s20], [sflag:$0x3] =	stream.indirect.gather [hbm4b:s6+s16], $0x40, s9, s16, $0xb8;
	[tilespmem:$0x1DC40] =	vst v63  }
0x9e: {  	_ =	swait.ge [sflag:s7], $0x1400  }
0x9f: {  	[sflag:s7] =	ssyncset.done $0x0  }
0xa0: {  	[sflag:s7] =	ssyncadd.s32 $0xFFFFEC00  }
0xa1: {  	[spmem:s2] =	stream.indirect.scatter.add.f32 [tilespmem:s1], [sflag:$0x10], $0x40, s11, s16, $0xb8;
	[tilespmem:$0x1DC40] =	vst v63  }
.Ltmp3:
0xa2: {  	_ = 	snop;
	(pc) =	sbr.rel .LBB2_2-.Ltmp3, $4  }
0xa3: {  	_ =	swait.ge [sflag:s8], $0x1400  }
0xa4: {  	[sflag:s8] =	ssyncset.done $0x0  }
0xa5: {  	s14 =	sadd.s32 $0x370, s3;
	s25 =	sadd.s32 $0xA00, s25;
	[sflag:s8] =	ssyncadd.s32 $0xFFFFEC00  }
0xa6: {  	[tilespmem:s22], [sflag:$0x4] =	stream.indirect.gather [hbm4b:s6+s16], $0x40, s14, s16, $0xb8;
	[tilespmem:$0x1DC40] =	vst v63  }
.LBB2_5:
0xa7: {  	_ =	sfence.sel $0x180000  }
0xa8: {  	[bflag:$0x0] =	sbarrier.arrive $0xFFFF  }
0xa9: {  	_ =	strace $0x9000004A  }
0xaa: {  	s0 =	stileid.u32;
	[bflag:$0x2] =	sbarrier.arrive $0xFFFF  }
0xab: {  	p0 =	sne.s32 s0, $0x0;
	s0 =	rddreg [dreg:$0x3]  }
0xac: {  	s0 =	sadd.s32 @!p0 $0x100000, s0  }
0xad: {  	[sflag:s0] =	ssyncadd.tile.s32 @!p0 $0x1;
	_ =	shalt  }
.Lfunc_end2:
_tile_overlayer_lowered:
.L_overlay_start_2:
0xae: {  	(tag) =	ssettag $0x2  }
0xaf: {  	s0 =	rddreg [dreg:$0x0];
	s2 =	stileid.u32  }
0xb0: {  	s1 =	rddreg [dreg:$0x1];
	p0 =	sne.s32 s2, $0x0  }
0xb1: {  	s3 =	rddreg [dreg:$0x2];
	[bflag:$0x3] =	sbarrier.arrive $0xFFFF;
	s2 =	simm.s32 @!p0 $0x1C11  }
0xb2: {  	[timem:s3], [sflag:s2] =	dma.local @!p0 [hbm:s0], s1  }
0xb3: {  	s0 =	simm.s32 @!p0 $0x11  }
0xb4: {  	_ =	swait.ge @!p0 [sflag:s0], s1  }
0xb5: {  	s1 =	ssub.s32 @!p0 $0x0, s1;
	[sflag:s0] =	ssyncset.done @!p0 $0x0  }
0xb6: {  	[sflag:s0] =	ssyncadd.s32 @!p0 s1  }
0xb7: {  	[bflag:$0x3] =	sbarrier.arrive $0xFFFF  }
0xb8: {  	_ =	shalt  }

// kernel: kernel.15.cloned.1.call-start
scs
__scs_entry_jumppad:
0x0: {  	(pc) =	sbr.rel $0x88, $3  }
0x1: {  	(tag) =	ssettag $0x0;
	lr =	simm.s32 $0x1  }
0x2: {  	[smem:$0x3F9B] =	sst lr;
	_ =	strace $0xD0000000  }
0x3: {  	_ = 	snop  }
0x4: {  	_ = 	snop  }
0x5: {  	_ = 	snop  }
0x6: {  	_ = 	snop  }
0x7: {  	_ = 	snop  }
__scs_overlays_trampoline_lowered:
0x8: {  	[smem:$0x3FAA] =	sst s0  }
0x9: {  	[smem:$0x3FAB] =	sst s1  }
0xa: {  	[smem:$0x3FAC] =	sst s2  }
0xb: {  	[smem:$0x3FAD] =	sst s3  }
0xc: {  	[smem:$0x3FAE] =	sst s4  }
0xd: {  	[smem:$0x3FAF] =	sst s5  }
0xe: {  	[smem:$0x3FB0] =	sst s6  }
0xf: {  	[smem:$0x3FB1] =	sst s7  }
0x10: {  	[smem:$0x3FB2] =	sst s8  }
0x11: {  	[smem:$0x3FB3] =	sst s9;
	s0 =	simm.s32 @!p0 $0x0  }
0x12: {  	s1 =	sld [smem:$0x3F99];
	s0 =	simm.s32 @p0 $0x1  }
0x13: {  	[smem:$0x3FB4] =	sst s0;
	s0 =	simm.s32 @!p1 $0x0  }
0x14: {  	s2 =	sld [smem:$0x3F98];
	s0 =	simm.s32 @p1 $0x1  }
0x15: {  	[smem:$0x3FB5] =	sst s0;
	s0 =	simm.s32 @!p2 $0x0  }
0x16: {  	s3 =	sld [smem:$0x3FDB];
	s0 =	simm.s32 @p2 $0x1  }
0x17: {  	s4 =	simm.s32 $0x1BF5;
	[smem:$0x3FB7] =	sst s0  }
0x18: {  	s0 =	sld [smem:$0x3F9A];
	_ =	swait.ge [sflag:s4], $0x0  }
0x19: {  	s7 =	sld [smem:$0x3F9B]  }
0x1a: {  	s8 =	sadd.s32 $0xFFFFE003, lr  }
0x1b: {  	s9 =	sadd.s32 $0xFFFFFEF7, lr;
	s5 =	simm.s32 $0xFFFFFFFF;
	p2 =	slt.u32 s8, $0xFFFFF086  }
0x1c: {  	p1 =	slt.u32 s9, $0xF7A;
	s5 =	simm.s32 @!p2 $0x0  }
0x1d: {  	s5 =	simm.s32 @p1 $0x1;
	p0 =	seq.s32 s7, s2  }
0x1e: {  	s7 =	smul.u32 @!p0 $0xF7A, s2;
	p2 =	seq.s32 @!p0 s5, $0x0  }
0x1f: {  	s9 =	smul.u32 $0xF7A, s1;
	s8 =	simm.s32 @!p0 $0x1BF5;
	p2 =	por !p2, p0  }
0x20: {  	[sflag:s8] =	ssyncset.s32 @!p0 $0xFFFFF086;
	s6 =	sadd.s32 @!p0 s3, s7;
	s7 =	simm.s32 @!p0 $0x108  }
0x21: {  	s3 =	sadd.s32 s3, s9;
	s6 =	sadd.s32 @!p0 $0x88, s6;
	s7 =	simm.s32 @p2 $0x1082  }
0x22: {  	[simem:s7], [sflag:s8] =	dma.local @!p0 [hbm:s6], $0xF7A  }
0x23: {  	s9 =	sor.u32 $0xD0000000, s2;
	s6 =	simm.s32 $0x108;
	_ =	swait.ge @!p0 [sflag:s8], $0x0  }
0x24: {  	s3 =	sadd.s32 $0x88, s3;
	s6 =	simm.s32 @!p1 $0x1082;
	[sflag:s4] =	ssyncset.s32 $0xFFFFF086  }
0x25: {  	[simem:s6], [sflag:s4] =	dma.local [hbm:s3], $0xF7A  }
0x26: {  	[smem:$0x3F9B] =	sst s1;
	(tag) =	ssettag s2;
	_ =	strace s9  }
0x27: {  	s1 =	sld [smem:$0x3FAB]  }
0x28: {  	s2 =	sld [smem:$0x3FAC]  }
0x29: {  	s4 =	sld [smem:$0x3FAE]  }
0x2a: {  	p0 =	seq.s32 s5, $0x0;
	s5 =	sld [smem:$0x3FAF]  }
0x2b: {  	s6 =	sld [smem:$0x3FB0]  }
0x2c: {  	s7 =	sld [smem:$0x3FB1]  }
0x2d: {  	s3 =	simm.s32 $0x108;
	s8 =	sld [smem:$0x3FB2]  }
0x2e: {  	s3 =	simm.s32 @!p0 $0x1082;
	s9 =	sld [smem:$0x3FB3]  }
0x2f: {  	lr =	sadd.s32 s0, s3;
	s0 =	sld [smem:$0x3FAA]  }
0x30: {  	s3 =	sld [smem:$0x3FAD]  }
0x31: {  	[smem:$0x3FB6] =	sst s10  }
0x32: {  	s10 =	sld [smem:$0x3FB4];
	_ =	sdelay $0x3  }
0x33: {  	p0 =	seq.s32 s10, $0x1;
	s10 =	sld [smem:$0x3FB6];
	_ =	sdelay $0x3  }
0x34: {  	[smem:$0x3FB6] =	sst s10  }
0x35: {  	s10 =	sld [smem:$0x3FB5];
	_ =	sdelay $0x3  }
0x36: {  	p1 =	seq.s32 s10, $0x1;
	s10 =	sld [smem:$0x3FB6];
	_ =	sdelay $0x3  }
0x37: {  	[smem:$0x3FB6] =	sst s10  }
0x38: {  	s10 =	sld [smem:$0x3FB7]  }
0x39: {  	_ = 	snop;
	(pc) =	sbr.ind lr, $3  }
0x3a: {  	_ = 	snop  }
0x3b: {  	_ = 	snop  }
0x3c: {  	p2 =	seq.s32 s10, $0x1;
	s10 =	sld [smem:$0x3FB6]  }
0x3d: {  	_ =	shalt  }
0x3e: {  	_ =	shalt  }
0x3f: {  	_ =	shalt  }
0x40: {  	_ =	shalt  }
0x41: {  	_ =	shalt  }
0x42: {  	_ =	shalt  }
0x43: {  	_ =	shalt  }
0x44: {  	_ =	shalt  }
0x45: {  	_ =	shalt  }
0x46: {  	_ =	shalt  }
0x47: {  	_ =	shalt  }
0x48: {  	_ =	shalt  }
0x49: {  	_ =	shalt  }
0x4a: {  	_ =	shalt  }
0x4b: {  	_ =	shalt  }
0x4c: {  	_ =	shalt  }
0x4d: {  	_ =	shalt  }
0x4e: {  	_ =	shalt  }
0x4f: {  	_ =	shalt  }
0x50: {  	_ =	shalt  }
0x51: {  	_ =	shalt  }
0x52: {  	_ =	shalt  }
0x53: {  	_ =	shalt  }
0x54: {  	_ =	shalt  }
0x55: {  	_ =	shalt  }
0x56: {  	_ =	shalt  }
0x57: {  	_ =	shalt  }
0x58: {  	_ =	shalt  }
0x59: {  	_ =	shalt  }
0x5a: {  	_ =	shalt  }
0x5b: {  	_ =	shalt  }
0x5c: {  	_ =	shalt  }
0x5d: {  	_ =	shalt  }
0x5e: {  	_ =	shalt  }
0x5f: {  	_ =	shalt  }
0x60: {  	_ =	shalt  }
0x61: {  	_ =	shalt  }
0x62: {  	_ =	shalt  }
0x63: {  	_ =	shalt  }
0x64: {  	_ =	shalt  }
0x65: {  	_ =	shalt  }
0x66: {  	_ =	shalt  }
0x67: {  	_ =	shalt  }
0x68: {  	_ =	shalt  }
0x69: {  	_ =	shalt  }
0x6a: {  	_ =	shalt  }
0x6b: {  	_ =	shalt  }
0x6c: {  	_ =	shalt  }
0x6d: {  	_ =	shalt  }
0x6e: {  	_ =	shalt  }
0x6f: {  	_ =	shalt  }
0x70: {  	_ =	shalt  }
0x71: {  	_ =	shalt  }
0x72: {  	_ =	shalt  }
0x73: {  	_ =	shalt  }
0x74: {  	_ =	shalt  }
0x75: {  	_ =	shalt  }
0x76: {  	_ =	shalt  }
0x77: {  	_ =	shalt  }
0x78: {  	_ =	shalt  }
0x79: {  	_ =	shalt  }
0x7a: {  	_ =	shalt  }
0x7b: {  	_ =	shalt  }
0x7c: {  	_ =	shalt  }
0x7d: {  	_ =	shalt  }
0x7e: {  	_ =	shalt  }
0x7f: {  	_ =	shalt  }
0x80: {  	_ =	shalt  }
0x81: {  	_ =	shalt  }
0x82: {  	_ =	shalt  }
0x83: {  	_ =	shalt  }
0x84: {  	_ =	shalt  }
0x85: {  	_ =	shalt  }
0x86: {  	_ =	shalt  }
0x87: {  	_ =	shalt  }
.Lfunc_end0:
.L_simem_size_0:
called_computation.2_lowered:
.L_overlay_start_0:
0x88: {  	s2 =	sld [smem:$0x3FD9]  }
0x89: {  	s3 =	sld [smem:$0x3FFE];
	_ =	sdelay $0x1  }
0x8a: {  	s1 =	srdreg.scid  }
0x8b: {  	s0 =	sand.u32 $0x1, s1  }
0x8c: {  	s17 =	sshll.u32 s0, $0xA;
	s2 =	sadd.s32 s3, s2  }
0x8d: {  	s2 =	sadd.s32 s2, s17  }
0x8e: {  	[smem:$0x3FC2] =	sst s2  }
0x8f: {  	_ = 	snop  }
0x90: {  	s2 =	sld [smem:$0x3FD0];
	(tm) =	ssettm $0x1  }
0x91: {  	s18 =	sld [smem:$0x3FFB];
	_ =	sdelay $0x3  }
0x92: {  	_ =	strace s18  }
0x93: {  	s3 =	sld [smem:$0x3FFC];
	_ =	sdelay $0x3  }
0x94: {  	_ =	strace s3  }
0x95: {  	s3 =	sld [smem:$0x3FFD];
	_ =	sdelay $0x3  }
0x96: {  	_ =	strace s3  }
0x97: {  	_ =	strace $0x8FFFFFFF  }
0x98: {  	s19 =	sld [smem:$0x3FDB];
	_ =	sdelay $0x1  }
0x99: {  	s4 =	simm.s32 $_scs_section_size  }
0x9a: {  	s5 =	simm.s32 $_size__tile_overlayer_lowered;
	s6 =	simm.s32 $_tile_overlayer_lowered  }
0x9b: {  	s22 =	simm.s32 $0x1BFF;
	s21 =	sshll.u32 s6, $0x1;
	s3 =	sadd.s32 s4, s19  }
0x9c: {  	s7 =	simm.s32 $0x0;
	s20 =	sshll.u32 s5, $0x1;
	s5 =	sadd.s32 s21, s3  }
0x9d: {  	[timem:s7], [sflag:s22] =	dma.local [hbm:s5], s20  }
0x9e: {  	_ =	swait.ge [sflag:s22], s20  }
0x9f: {  	s4 =	ssub.s32 $0x0, s20;
	[sflag:s22] =	ssyncset.done $0x0  }
0xa0: {  	[sflag:s22] =	ssyncadd.s32 s4;
	_ =	sdelay $0x1  }
0xa1: {  	s23 =	simm.s32 $0x1B8B  }
0xa2: {  	_ =	swait.ge [sflag:s23], $0x1  }
0xa3: {  	[sflag:s23] =	ssyncset.done $0x0  }
0xa4: {  	s25 =	simm.s32 $0x1B8E;
	s24 =	sld [smem:$0x3FFE];
	[sflag:s23] =	ssyncadd.s32 $0xFFFFFFFF  }
0xa5: {  	s26 =	simm.s32 $execute0_lowered;
	[smem:$0x3FD2] =	sst s25  }
0xa6: {  	s5 =	sshll.u32 s26, $0x1;
	_ =	strace $0x8000004C;
	[dreg:$0x1] =	wrdreg $0xFFFFFFFF  }
0xa7: {  	s28 =	simm.s32 $_size_execute0_lowered;
	s3 =	sadd.s32 s3, s5;
	[dreg:$0x0] =	wrdreg $0x0  }
0xa8: {  	s5 =	sshll.u32 s28, $0x1;
	[dreg:$0x2] =	wrdreg s3  }
0xa9: {  	[dreg:$0x3] =	wrdreg s5  }
0xaa: {  	[dreg:$0x4] =	wrdreg $0xC0  }
0xab: {  	_ =	task [dreg:s7], $0x5FFFF  }
0xac: {  	[dreg:$0x1] =	wrdreg $0xFFFFFFFF  }
0xad: {  	[dreg:$0x0] =	wrdreg $0x60  }
0xae: {  	[dreg:$0x2] =	wrdreg s2  }
0xaf: {  	[dreg:$0x3] =	wrdreg s24  }
0xb0: {  	[dreg:$0x4] =	wrdreg $0x13C400  }
0xb1: {  	[dreg:$0x5] =	wrdreg $0x9  }
0xb2: {  	_ =	task.clear_ibuf [dreg:s7], $0x6FFFF;
	_ =	strace $0x9000004C  }
0xb3: {  	s29 =	simm.s32 $0x9;
	_ =	strace $0x8000004E  }
0xb4: {  	_ =	swait.ge [sflag:s29], $0x1  }
0xb5: {  	[sflag:s29] =	ssyncadd.s32 $0xFFFFFFFF  }
0xb6: {  	_ =	strace $0x9000004E  }
0xb7: {  	_ =	sfence  }
0xb8: {  	s30 =	sld [smem:$0x0];
	_ =	sdelay $0x2  }
0xb9: {  	s31 =	sshll.u32 s1, $0xD;
	s1 =	sshrl.u32 s1, $0x2  }
0xba: {  	s3 =	sand.u32 $0x4000, s31;
	s1 =	sadd.s32 s1, s30  }
0xbb: {  	s0 =	sor.u32 s3, s0;
	s1 =	sshll.u32 s1, $0x11  }
0xbc: {  	s0 =	sor.u32 s1, s0  }
0xbd: {  	s0 =	sadd.s32 $0x8F2B, s0  }
0xbe: {  	[sflag:s0] =	ssyncadd.remote.s32 $0x1  }
0xbf: {  	_ =	sfence.sel $0xFFFF  }
0xc0: {  	[dreg:$0x0] =	wrdreg $0xFFFFFFFF;
	(pc) =	sbr.abs _section_cstart, $3  }
0xc1: {  	[dreg:$0x1] =	wrdreg $0xFFFFFFFF  }
0xc2: {  	_ =	task.clear_ibuf [dreg:s7], $0x2FFFF;
	_ =	strace $0x9FFFFFFF  }
0xc3: {  	(tm) =	ssettm $0x7FFFFFFF  }
tec
execute0_lowered:
.L_overlay_start_1:
0x0: {  	(tag) =	ssettag $0x1  }
0x1: {  	s0 =	rddreg [dreg:$0x0]  }
0x2: {  	s1 =	rddreg [dreg:$0x1]  }
0x3: {  	s9 =	stileid.u32;
	s3 =	srdreg.scid  }
0x4: {  	s2 =	rddreg [dreg:$0x2];
	s6 =	simm.s32 $0x0;
	s11 =	simm.s32 $0x11  }
0x5: {  	s16 =	simm.s32 $0x50;
	s17 =	simm.s32 $0x9C40;
	s18 =	simm.s32 $0xB040  }
0x6: {  	s28 =	simm.s32 $0x10040;
	s29 =	simm.s32 $0x3;
	s30 =	simm.s32 $0x11440  }
0x7: {  	s31 =	simm.s32 $0x4;
	s10 =	simm.s32 $0x5;
	s4 =	smul.u32 $0xA000, s9  }
0x8: {  	s19 =	simm.s32 $0x6;
	s15 =	simm.s32 $0x0;
	s20 =	smul.u32 $0x9C4, s9  }
0x9: {  	s3 =	sand.u32 $0x1, s3;
	[smem:$0x7FF] =	sst s6;
	s23 =	smul.u32 $0x28000, s9  }
0xa: {  	p0 =	seq.s32 s9, $0xF;
	s5 =	smul.u32 $0xA0000, s3;
	_ =	strace $0x8000004D  }
0xb: {  	s7 =	ssub.s32 $0x2, s3;
	s3 =	smul.u32 $0x13880, s3;
	s6 =	sadd.s32 s20, s1  }
0xc: {  	s8 =	sshrl.u32 s7, $0x1;
	s24 =	sshrl.u32 s23, $0x2;
	s20 =	simm.s32 $0xC440  }
0xd: {  	s23 =	simm.s32 $0x1;
	s5 =	sadd.s32 s4, s5;
	s21 =	ssub.s32 s7, s8  }
0xe: {  	s22 =	sadd.s32 $0x2200, s6;
	s6 =	sadd.s32 $0xC000, s6;
	s8 =	sadd.s32 s4, s2  }
0xf: {  	s7 =	simm.s32 $0x8;
	s5 =	sshrl.u32 s5, $0x3;
	[dreg:$0x4] =	wrdreg s22  }
0x10: {  	[dreg:$0x5] =	wrdreg s6;
	s6 =	sadd.s32 s0, s3;
	s0 =	sshrl.u32 s4, $0x3  }
0x11: {  	s3 =	sadd.s32 $0x96000, s2;
	s25 =	smax.u32 s21, $0x1;
	s22 =	simm.s32 $0xD840  }
0x12: {  	s21 =	simm.s32 $0xA;
	[dreg:$0x7] =	wrdreg s25;
	s4 =	sadd.s32 @p0 $0x12C00, s6  }
0x13: {  	s1 =	sadd.s32 s5, s1;
	s3 =	sshrl.u32 @p0 s3, $0x3;
	[dreg:$0x8] =	wrdreg s4  }
0x14: {  	s0 =	sadd.s32 @!p0 s0, s6;
	s5 =	simm.s32 $0xB;
	[dreg:$0x9] =	wrdreg s3  }
0x15: {  	s1 =	sadd.s32 $0x15E00, s1;
	[dreg:$0xa] =	wrdreg s0;
	s0 =	sshll.u32 @!p0 s9, $0x6  }
.Ltmp0:
0x16: {  	s4 =	simm.s32 $0x7;
	[dreg:$0x6] =	wrdreg s1;
	(pc) =	sbr.rel .LBB2_1-.Ltmp0, $4  }
0x17: {  	s1 =	sadd.s32 s24, s2;
	s0 =	sor.u32 @!p0 $0x1C11, s0;
	s24 =	simm.s32 $0xEC40  }
0x18: {  	[dreg:$0xb] =	wrdreg s0;
	s0 =	sshrl.u32 @!p0 s8, $0x3;
	s26 =	sshrl.u32 s1, $0x3  }
0x19: {  	s1 =	simm.s32 $0x12840;
	s8 =	simm.s32 $0xC;
	[dreg:$0xc] =	wrdreg s0  }
0x1a: {  	[dreg:$0xd] =	wrdreg s26;
	s26 =	simm.s32 $0x2;
	s0 =	simm.s32 $0x9  }
.LBB2_4:
0x1b: {  	_ =	swait.ge [sflag:s7], $0x1400  }
0x1c: {  	[sflag:s7] =	ssyncset.done $0x0  }
0x1d: {  	[sflag:s7] =	ssyncadd.s32 $0xFFFFEC00  }
0x1e: {  	[spmem:s2] =	stream.indirect.scatter.add.f32 [tilespmem:s1], [sflag:$0x10], $0x40, s11, s16, $0xb8;
	[tilespmem:$0x1DC40] =	vst v63  }
0x1f: {  	_ =	swait.ge [sflag:s8], $0x1400  }
0x20: {  	[sflag:s8] =	ssyncset.done $0x0  }
0x21: {  	[sflag:s8] =	ssyncadd.s32 $0xFFFFEC00  }
0x22: {  	_ =	swait.ge [sflag:s23], $0x1400  }
0x23: {  	[sflag:s23] =	ssyncset.done $0x0  }
0x24: {  	s3 =	simm.s32 $0x9BA0;
	s14 =	simm.s32 $0xD;
	[sflag:s23] =	ssyncadd.s32 $0xFFFFEC00  }
0x25: {  	[spmem:s2] =	stream.indirect.scatter.add.f32 [tilespmem:s17], [sflag:$0x9], $0x40, s3, s16, $0xb8;
	[tilespmem:$0x1DC40] =	vst v63  }
0x26: {  	_ =	swait.ge [sflag:s14], $0x1400  }
0x27: {  	[sflag:s14] =	ssyncset.done $0x0  }
0x28: {  	[sflag:s14] =	ssyncadd.s32 $0xFFFFEC00  }
0x29: {  	_ =	swait.ge [sflag:s26], $0x1400  }
0x2a: {  	[sflag:s26] =	ssyncset.done $0x0  }
0x2b: {  	s25 =	simm.s32 $0x9BF0;
	s9 =	simm.s32 $0xE;
	[sflag:s26] =	ssyncadd.s32 $0xFFFFEC00  }
0x2c: {  	[spmem:s2] =	stream.indirect.scatter.add.f32 [tilespmem:s18], [sflag:$0xA], $0x40, s25, s16, $0xb8;
	[tilespmem:$0x1DC40] =	vst v63  }
0x2d: {  	_ =	swait.ge [sflag:s9], $0x1400  }
0x2e: {  	[sflag:s9] =	ssyncset.done $0x0  }
0x2f: {  	s11 =	simm.s32 $0xF;
	[sflag:s9] =	ssyncadd.s32 $0xFFFFEC00  }
0x30: {  	_ =	swait.ge [sflag:s11], $0x1400  }
0x31: {  	[sflag:s11] =	ssyncset.done $0x0  }
0x32: {  	s12 =	simm.s32 $0x10;
	[sflag:s11] =	ssyncadd.s32 $0xFFFFEC00  }
0x33: {  	_ =	swait.ge [sflag:s12], $0x1400  }
0x34: {  	[sflag:s12] =	ssyncset.done $0x0  }
0x35: {  	[sflag:s12] =	ssyncadd.s32 $0xFFFFEC00  }
0x36: {  	_ =	swait.ge [sflag:s0], $0x1400  }
0x37: {  	[sflag:s0] =	ssyncset.done $0x0  }
0x38: {  	[sflag:s0] =	ssyncadd.s32 $0xFFFFEC00  }
0x39: {  	_ =	swait.ge [sflag:s21], $0x1400  }
0x3a: {  	[sflag:s21] =	ssyncset.done $0x0  }
0x3b: {  	[sflag:s21] =	ssyncadd.s32 $0xFFFFEC00  }
0x3c: {  	s13 =	stileid.u32;
	[bflag:$0x0] =	sbarrier.arrive $0xFFFF  }
0x3d: {  	s3 =	sshll.u32 s13, $0x6;
	s9 =	rddreg [dreg:$0x6]  }
0x3e: {  	s3 =	sor.u32 $0x1C11, s3;
	s11 =	simm.s32 $0x11;
	s14 =	rddreg [dreg:$0xd]  }
0x3f: {  	[hbm:s9], [sflag:s3] =	dma.local [spmem:s14], $0x1400  }
0x40: {  	_ =	swait.ge [sflag:s11], $0x1400  }
0x41: {  	s15 =	sadd.s32 $0x1, s15;
	s25 =	rddreg [dreg:$0x7]  }
0x42: {  	p1 =	sne.s32 s15, s25  }
.Ltmp1:
0x43: {  	_ = 	snop;
	(pc) =	sbr.rel @!p1 .LBB2_5-.Ltmp1, $3  }
0x44: {  	_ =	sdelay $0x1  }
0x45: {  	[sflag:s11] =	ssyncset.done $0x0  }
0x46: {  	[sflag:s11] =	ssyncadd.s32 $0xFFFFEC00  }
.LBB2_1:
0x47: {  	s9 =	simm.s32 $0x0;
	s3 =	rddreg [dreg:$0x4]  }
0x48: {  	[tilespmem:s9], [sflag:$0x11] =	stream.linear.gather [hbm4b:s3+s9], $0x4E20, $0x38;
	[tilespmem:$0x1DC40] =	vst v63  }
0x49: {  	_ =	swait.ge [sflag:s11], $0x4E20  }
0x4a: {  	[sflag:s11] =	ssyncset.done $0x0  }
0x4b: {  	s12 =	simm.s32 $0x4E20;
	s13 =	rddreg [dreg:$0x5];
	[sflag:s11] =	ssyncadd.s32 $0xFFFFB1E0  }
0x4c: {  	[tilespmem:s12], [sflag:$0x11] =	stream.linear.gather [hbm4b:s13+s9], $0x4E20, $0x38;
	[tilespmem:$0x1DC40] =	vst v63  }
0x4d: {  	_ =	swait.ge [sflag:s11], $0x4E20  }
0x4e: {  	[sflag:s11] =	ssyncset.done $0x0;
	s12 =	rddreg [dreg:$0x9]  }
0x4f: {  	s3 =	simm.s32 @p0 $0x1FD1;
	[sflag:s11] =	ssyncadd.s32 $0xFFFFB1E0;
	s11 =	rddreg [dreg:$0x8]  }
0x50: {  	[spmem:s12], [sflag:s3] =	dma.local @p0 [hbm:s11], $0xC80  }
0x51: {  	s3 =	simm.s32 @p0 $0x11  }
0x52: {  	_ =	swait.ge @p0 [sflag:s3], $0xC80  }
0x53: {  	s11 =	rddreg [dreg:$0xb]  }
0x54: {  	[sflag:s3] =	ssyncset.done @p0 $0x0;
	s12 =	rddreg [dreg:$0xc]  }
0x55: {  	[sflag:s3] =	ssyncadd.s32 @p0 $0xFFFFF380;
	s3 =	rddreg [dreg:$0xa]  }
0x56: {  	[spmem:s12], [sflag:s11] =	dma.local @!p0 [hbm:s3], $0x1400  }
0x57: {  	s3 =	simm.s32 @!p0 $0x11  }
0x58: {  	_ =	swait.ge @!p0 [sflag:s3], $0x1400  }
0x59: {  	[sflag:s3] =	ssyncset.done @!p0 $0x0  }
0x5a: {  	[sflag:s3] =	ssyncadd.s32 @!p0 $0xFFFFEC00  }
0x5b: {  	[bflag:$0x0] =	sbarrier.arrive $0xFFFF  }
0x5c: {  	[tilespmem:s17], [sflag:$0x1] =	stream.indirect.gather [hbm4b:s6+s16], $0x40, s9, s16, $0xb8;
	[tilespmem:$0x1DC40] =	vst v63  }
0x5d: {  	_ = 	snop  }
0x5e: {  	[tilespmem:s18], [sflag:$0x2] =	stream.indirect.gather [hbm4b:s6+s16], $0x40, s16, s16, $0xb8;
	[tilespmem:$0x1DC40] =	vst v63  }
0x5f: {  	s14 =	simm.s32 $0xA0  }
0x60: {  	[tilespmem:s20], [sflag:$0x3] =	stream.indirect.gather [hbm4b:s6+s16], $0x40, s14, s16, $0xb8;
	[tilespmem:$0x1DC40] =	vst v63  }
0x61: {  	s25 =	simm.s32 $0xF0  }
0x62: {  	[tilespmem:s22], [sflag:$0x4] =	stream.indirect.gather [hbm4b:s6+s16], $0x40, s25, s16, $0xb8;
	[tilespmem:$0x1DC40] =	vst v63  }
0x63: {  	s25 =	simm.s32 $0x0  }
.LBB2_2:
0x64: {  	_ =	swait.ge [sflag:s23], $0x1400  }
0x65: {  	s3 =	sshra.s32 s25, $0x2;
	[sflag:s23] =	ssyncset.done $0x0  }
0x66: {  	p1 =	seq.s32 s25, $0x0;
	s11 =	sadd.s32 $0x4E20, s3;
	[sflag:s23] =	ssyncadd.s32 $0xFFFFEC00  }
0x67: {  	[spmem:s2] =	stream.indirect.scatter.add.f32 [tilespmem:s17], [sflag:$0x9], $0x40, s11, s16, $0xb8;
	[tilespmem:$0x1DC40] =	vst v63  }
0x68: {  	s11 =	simm.s32 @!p1 $0xD  }
0x69: {  	s12 =	sadd.s32 @!p1 $0x500, s25;
	_ =	swait.ge @!p1 [sflag:s11], $0x1400  }
0x6a: {  	s12 =	simm.s32 @p1 $0x500;
	[sflag:s11] =	ssyncset.done @!p1 $0x0  }
0x6b: {  	[sflag:s11] =	ssyncadd.s32 @!p1 $0xFFFFEC00;
	s11 =	sshra.s32 s12, $0x2  }
0x6c: {  	[tilespmem:s24], [sflag:$0x5] =	stream.indirect.gather [hbm4b:s6+s16], $0x40, s11, s16, $0xb8;
	[tilespmem:$0x1DC40] =	vst v63  }
0x6d: {  	_ =	swait.ge [sflag:s26], $0x1400  }
0x6e: {  	[sflag:s26] =	ssyncset.done $0x0  }
0x6f: {  	s13 =	sadd.s32 $0x4E70, s3;
	s12 =	simm.s32 @!p1 $0xE;
	[sflag:s26] =	ssyncadd.s32 $0xFFFFEC00  }
0x70: {  	[spmem:s2] =	stream.indirect.scatter.add.f32 [tilespmem:s18], [sflag:$0xA], $0x40, s13, s16, $0xb8;
	[tilespmem:$0x1DC40] =	vst v63  }
0x71: {  	s13 =	sadd.s32 @!p1 $0x640, s25;
	_ =	swait.ge @!p1 [sflag:s12], $0x1400  }
0x72: {  	s13 =	simm.s32 @p1 $0x640;
	[sflag:s12] =	ssyncset.done @!p1 $0x0  }
0x73: {  	[sflag:s12] =	ssyncadd.s32 @!p1 $0xFFFFEC00;
	s12 =	sshra.s32 s13, $0x2  }
0x74: {  	[tilespmem:s28], [sflag:$0x6] =	stream.indirect.gather [hbm4b:s6+s16], $0x40, s12, s16, $0xb8;
	[tilespmem:$0x1DC40] =	vst v63  }
0x75: {  	_ =	swait.ge [sflag:s29], $0x1400  }
0x76: {  	[sflag:s29] =	ssyncset.done $0x0  }
0x77: {  	s14 =	sadd.s32 $0x4EC0, s3;
	s13 =	simm.s32 @!p1 $0xF;
	[sflag:s29] =	ssyncadd.s32 $0xFFFFEC00  }
0x78: {  	[spmem:s2] =	stream.indirect.scatter.add.f32 [tilespmem:s20], [sflag:$0xB], $0x40, s14, s16, $0xb8;
	[tilespmem:$0x1DC40] =	vst v63  }
0x79: {  	s14 =	sadd.s32 @!p1 $0x780, s25;
	_ =	swait.ge @!p1 [sflag:s13], $0x1400  }
0x7a: {  	s14 =	simm.s32 @p1 $0x780;
	[sflag:s13] =	ssyncset.done @!p1 $0x0  }
0x7b: {  	[sflag:s13] =	ssyncadd.s32 @!p1 $0xFFFFEC00;
	s13 =	sshra.s32 s14, $0x2  }
0x7c: {  	[tilespmem:s30], [sflag:$0x7] =	stream.indirect.gather [hbm4b:s6+s16], $0x40, s13, s16, $0xb8;
	[tilespmem:$0x1DC40] =	vst v63  }
0x7d: {  	_ =	swait.ge [sflag:s31], $0x1400  }
0x7e: {  	[sflag:s31] =	ssyncset.done $0x0  }
0x7f: {  	s9 =	sadd.s32 $0x4F10, s3;
	s14 =	simm.s32 @!p1 $0x10;
	[sflag:s31] =	ssyncadd.s32 $0xFFFFEC00  }
0x80: {  	[spmem:s2] =	stream.indirect.scatter.add.f32 [tilespmem:s22], [sflag:$0xC], $0x40, s9, s16, $0xb8;
	[tilespmem:$0x1DC40] =	vst v63  }
0x81: {  	s9 =	sadd.s32 @!p1 $0x8C0, s25;
	_ =	swait.ge @!p1 [sflag:s14], $0x1400  }
0x82: {  	s9 =	simm.s32 @p1 $0x8C0;
	[sflag:s14] =	ssyncset.done @!p1 $0x0  }
0x83: {  	s9 =	sshra.s32 s9, $0x2;
	[sflag:s14] =	ssyncadd.s32 @!p1 $0xFFFFEC00  }
0x84: {  	[tilespmem:s1], [sflag:$0x8] =	stream.indirect.gather [hbm4b:s6+s16], $0x40, s9, s16, $0xb8;
	[tilespmem:$0x1DC40] =	vst v63  }
0x85: {  	_ =	swait.ge [sflag:s10], $0x1400  }
0x86: {  	[sflag:s10] =	ssyncset.done $0x0  }
0x87: {  	s11 =	sadd.s32 $0x4E20, s11;
	[sflag:s10] =	ssyncadd.s32 $0xFFFFEC00  }
0x88: {  	[spmem:s2] =	stream.indirect.scatter.add.f32 [tilespmem:s24], [sflag:$0xD], $0x40, s11, s16, $0xb8;
	[tilespmem:$0x1DC40] =	vst v63  }
0x89: {  	_ =	swait.ge [sflag:s0], $0x1400  }
0x8a: {  	[sflag:s0] =	ssyncset.done $0x0  }
0x8b: {  	s14 =	sadd.s32 $0x280, s3;
	[sflag:s0] =	ssyncadd.s32 $0xFFFFEC00  }
0x8c: {  	[tilespmem:s17], [sflag:$0x1] =	stream.indirect.gather [hbm4b:s6+s16], $0x40, s14, s16, $0xb8;
	[tilespmem:$0x1DC40] =	vst v63  }
0x8d: {  	_ =	swait.ge [sflag:s19], $0x1400  }
0x8e: {  	[sflag:s19] =	ssyncset.done $0x0  }
0x8f: {  	s14 =	sadd.s32 $0x4E20, s12;
	[sflag:s19] =	ssyncadd.s32 $0xFFFFEC00  }
0x90: {  	[spmem:s2] =	stream.indirect.scatter.add.f32 [tilespmem:s28], [sflag:$0xE], $0x40, s14, s16, $0xb8;
	[tilespmem:$0x1DC40] =	vst v63  }
0x91: {  	_ =	swait.ge [sflag:s21], $0x1400  }
0x92: {  	[sflag:s21] =	ssyncset.done $0x0  }
0x93: {  	s12 =	sadd.s32 $0x2D0, s3;
	[sflag:s21] =	ssyncadd.s32 $0xFFFFEC00  }
0x94: {  	[tilespmem:s18], [sflag:$0x2] =	stream.indirect.gather [hbm4b:s6+s16], $0x40, s12, s16, $0xb8;
	[tilespmem:$0x1DC40] =	vst v63  }
0x95: {  	_ =	swait.ge [sflag:s4], $0x1400  }
0x96: {  	p1 =	seq.s32 s25, $0x12C00;
	[sflag:s4] =	ssyncset.done $0x0  }
.Ltmp2:
0x97: {  	s14 =	sadd.s32 $0x4E20, s13;
	[sflag:s4] =	ssyncadd.s32 $0xFFFFEC00;
	(pc) =	sbr.rel @p1 .LBB2_4-.Ltmp2, $4  }
0x98: {  	[spmem:s2] =	stream.indirect.scatter.add.f32 [tilespmem:s30], [sflag:$0xF], $0x40, s14, s16, $0xb8;
	[tilespmem:$0x1DC40] =	vst v63  }
0x99: {  	_ =	swait.ge [sflag:s5], $0x1400  }
0x9a: {  	[sflag:s5] =	ssyncset.done $0x0  }
0x9b: {  	s11 =	sadd.s32 $0x4E20, s9;
	[sflag:s5] =	ssyncadd.s32 $0xFFFFEC00  }
0x9c: {  	s9 =	sadd.s32 $0x320, s3  }
0x9d: {  	[tilespmem:s20], [sflag:$0x3] =	stream.indirect.gather [hbm4b:s6+s16], $0x40, s9, s16, $0xb8;
	[tilespmem:$0x1DC40] =	vst v63  }
0x9e: {  	_ =	swait.ge [sflag:s7], $0x1400  }
0x9f: {  	[sflag:s7] =	ssyncset.done $0x0  }
0xa0: {  	[sflag:s7] =	ssyncadd.s32 $0xFFFFEC00  }
0xa1: {  	[spmem:s2] =	stream.indirect.scatter.add.f32 [tilespmem:s1], [sflag:$0x10], $0x40, s11, s16, $0xb8;
	[tilespmem:$0x1DC40] =	vst v63  }
.Ltmp3:
0xa2: {  	_ = 	snop;
	(pc) =	sbr.rel .LBB2_2-.Ltmp3, $4  }
0xa3: {  	_ =	swait.ge [sflag:s8], $0x1400  }
0xa4: {  	[sflag:s8] =	ssyncset.done $0x0  }
0xa5: {  	s14 =	sadd.s32 $0x370, s3;
	s25 =	sadd.s32 $0xA00, s25;
	[sflag:s8] =	ssyncadd.s32 $0xFFFFEC00  }
0xa6: {  	[tilespmem:s22], [sflag:$0x4] =	stream.indirect.gather [hbm4b:s6+s16], $0x40, s14, s16, $0xb8;
	[tilespmem:$0x1DC40] =	vst v63  }
.LBB2_5:
0xa7: {  	_ =	sfence.sel $0x180000  }
0xa8: {  	[bflag:$0x0] =	sbarrier.arrive $0xFFFF  }
0xa9: {  	_ =	strace $0x9000004D  }
0xaa: {  	s0 =	stileid.u32;
	[bflag:$0x2] =	sbarrier.arrive $0xFFFF  }
0xab: {  	p0 =	sne.s32 s0, $0x0;
	s0 =	rddreg [dreg:$0x3]  }
0xac: {  	s0 =	sadd.s32 @!p0 $0x100000, s0  }
0xad: {  	[sflag:s0] =	ssyncadd.tile.s32 @!p0 $0x1;
	_ =	shalt  }
.Lfunc_end2:
_tile_overlayer_lowered:
.L_overlay_start_2:
0xae: {  	(tag) =	ssettag $0x2  }
0xaf: {  	s0 =	rddreg [dreg:$0x0];
	s2 =	stileid.u32  }
0xb0: {  	s1 =	rddreg [dreg:$0x1];
	p0 =	sne.s32 s2, $0x0  }
0xb1: {  	s3 =	rddreg [dreg:$0x2];
	[bflag:$0x3] =	sbarrier.arrive $0xFFFF;
	s2 =	simm.s32 @!p0 $0x1C11  }
0xb2: {  	[timem:s3], [sflag:s2] =	dma.local @!p0 [hbm:s0], s1  }
0xb3: {  	s0 =	simm.s32 @!p0 $0x11  }
0xb4: {  	_ =	swait.ge @!p0 [sflag:s0], s1  }
0xb5: {  	s1 =	ssub.s32 @!p0 $0x0, s1;
	[sflag:s0] =	ssyncset.done @!p0 $0x0  }
0xb6: {  	[sflag:s0] =	ssyncadd.s32 @!p0 s1  }
0xb7: {  	[bflag:$0x3] =	sbarrier.arrive $0xFFFF  }
0xb8: {  	_ =	shalt  }

// kernel: kernel.9.cloned.1.call-start
scs
__scs_entry_jumppad:
0x0: {  	(pc) =	sbr.rel $0x88, $3  }
0x1: {  	(tag) =	ssettag $0x0;
	lr =	simm.s32 $0x1  }
0x2: {  	[smem:$0x3F9B] =	sst lr;
	_ =	strace $0xD0000000  }
0x3: {  	_ = 	snop  }
0x4: {  	_ = 	snop  }
0x5: {  	_ = 	snop  }
0x6: {  	_ = 	snop  }
0x7: {  	_ = 	snop  }
__scs_overlays_trampoline_lowered:
0x8: {  	[smem:$0x3FAA] =	sst s0  }
0x9: {  	[smem:$0x3FAB] =	sst s1  }
0xa: {  	[smem:$0x3FAC] =	sst s2  }
0xb: {  	[smem:$0x3FAD] =	sst s3  }
0xc: {  	[smem:$0x3FAE] =	sst s4  }
0xd: {  	[smem:$0x3FAF] =	sst s5  }
0xe: {  	[smem:$0x3FB0] =	sst s6  }
0xf: {  	[smem:$0x3FB1] =	sst s7  }
0x10: {  	[smem:$0x3FB2] =	sst s8  }
0x11: {  	[smem:$0x3FB3] =	sst s9;
	s0 =	simm.s32 @!p0 $0x0  }
0x12: {  	s1 =	sld [smem:$0x3F99];
	s0 =	simm.s32 @p0 $0x1  }
0x13: {  	[smem:$0x3FB4] =	sst s0;
	s0 =	simm.s32 @!p1 $0x0  }
0x14: {  	s2 =	sld [smem:$0x3F98];
	s0 =	simm.s32 @p1 $0x1  }
0x15: {  	[smem:$0x3FB5] =	sst s0;
	s0 =	simm.s32 @!p2 $0x0  }
0x16: {  	s3 =	sld [smem:$0x3FDB];
	s0 =	simm.s32 @p2 $0x1  }
0x17: {  	s4 =	simm.s32 $0x1BF5;
	[smem:$0x3FB7] =	sst s0  }
0x18: {  	s0 =	sld [smem:$0x3F9A];
	_ =	swait.ge [sflag:s4], $0x0  }
0x19: {  	s7 =	sld [smem:$0x3F9B]  }
0x1a: {  	s8 =	sadd.s32 $0xFFFFE003, lr  }
0x1b: {  	s9 =	sadd.s32 $0xFFFFFEF7, lr;
	s5 =	simm.s32 $0xFFFFFFFF;
	p2 =	slt.u32 s8, $0xFFFFF086  }
0x1c: {  	p1 =	slt.u32 s9, $0xF7A;
	s5 =	simm.s32 @!p2 $0x0  }
0x1d: {  	s5 =	simm.s32 @p1 $0x1;
	p0 =	seq.s32 s7, s2  }
0x1e: {  	s7 =	smul.u32 @!p0 $0xF7A, s2;
	p2 =	seq.s32 @!p0 s5, $0x0  }
0x1f: {  	s9 =	smul.u32 $0xF7A, s1;
	s8 =	simm.s32 @!p0 $0x1BF5;
	p2 =	por !p2, p0  }
0x20: {  	[sflag:s8] =	ssyncset.s32 @!p0 $0xFFFFF086;
	s6 =	sadd.s32 @!p0 s3, s7;
	s7 =	simm.s32 @!p0 $0x108  }
0x21: {  	s3 =	sadd.s32 s3, s9;
	s6 =	sadd.s32 @!p0 $0x88, s6;
	s7 =	simm.s32 @p2 $0x1082  }
0x22: {  	[simem:s7], [sflag:s8] =	dma.local @!p0 [hbm:s6], $0xF7A  }
0x23: {  	s9 =	sor.u32 $0xD0000000, s2;
	s6 =	simm.s32 $0x108;
	_ =	swait.ge @!p0 [sflag:s8], $0x0  }
0x24: {  	s3 =	sadd.s32 $0x88, s3;
	s6 =	simm.s32 @!p1 $0x1082;
	[sflag:s4] =	ssyncset.s32 $0xFFFFF086  }
0x25: {  	[simem:s6], [sflag:s4] =	dma.local [hbm:s3], $0xF7A  }
0x26: {  	[smem:$0x3F9B] =	sst s1;
	(tag) =	ssettag s2;
	_ =	strace s9  }
0x27: {  	s1 =	sld [smem:$0x3FAB]  }
0x28: {  	s2 =	sld [smem:$0x3FAC]  }
0x29: {  	s4 =	sld [smem:$0x3FAE]  }
0x2a: {  	p0 =	seq.s32 s5, $0x0;
	s5 =	sld [smem:$0x3FAF]  }
0x2b: {  	s6 =	sld [smem:$0x3FB0]  }
0x2c: {  	s7 =	sld [smem:$0x3FB1]  }
0x2d: {  	s3 =	simm.s32 $0x108;
	s8 =	sld [smem:$0x3FB2]  }
0x2e: {  	s3 =	simm.s32 @!p0 $0x1082;
	s9 =	sld [smem:$0x3FB3]  }
0x2f: {  	lr =	sadd.s32 s0, s3;
	s0 =	sld [smem:$0x3FAA]  }
0x30: {  	s3 =	sld [smem:$0x3FAD]  }
0x31: {  	[smem:$0x3FB6] =	sst s10  }
0x32: {  	s10 =	sld [smem:$0x3FB4];
	_ =	sdelay $0x3  }
0x33: {  	p0 =	seq.s32 s10, $0x1;
	s10 =	sld [smem:$0x3FB6];
	_ =	sdelay $0x3  }
0x34: {  	[smem:$0x3FB6] =	sst s10  }
0x35: {  	s10 =	sld [smem:$0x3FB5];
	_ =	sdelay $0x3  }
0x36: {  	p1 =	seq.s32 s10, $0x1;
	s10 =	sld [smem:$0x3FB6];
	_ =	sdelay $0x3  }
0x37: {  	[smem:$0x3FB6] =	sst s10  }
0x38: {  	s10 =	sld [smem:$0x3FB7]  }
0x39: {  	_ = 	snop;
	(pc) =	sbr.ind lr, $3  }
0x3a: {  	_ = 	snop  }
0x3b: {  	_ = 	snop  }
0x3c: {  	p2 =	seq.s32 s10, $0x1;
	s10 =	sld [smem:$0x3FB6]  }
0x3d: {  	_ =	shalt  }
0x3e: {  	_ =	shalt  }
0x3f: {  	_ =	shalt  }
0x40: {  	_ =	shalt  }
0x41: {  	_ =	shalt  }
0x42: {  	_ =	shalt  }
0x43: {  	_ =	shalt  }
0x44: {  	_ =	shalt  }
0x45: {  	_ =	shalt  }
0x46: {  	_ =	shalt  }
0x47: {  	_ =	shalt  }
0x48: {  	_ =	shalt  }
0x49: {  	_ =	shalt  }
0x4a: {  	_ =	shalt  }
0x4b: {  	_ =	shalt  }
0x4c: {  	_ =	shalt  }
0x4d: {  	_ =	shalt  }
0x4e: {  	_ =	shalt  }
0x4f: {  	_ =	shalt  }
0x50: {  	_ =	shalt  }
0x51: {  	_ =	shalt  }
0x52: {  	_ =	shalt  }
0x53: {  	_ =	shalt  }
0x54: {  	_ =	shalt  }
0x55: {  	_ =	shalt  }
0x56: {  	_ =	shalt  }
0x57: {  	_ =	shalt  }
0x58: {  	_ =	shalt  }
0x59: {  	_ =	shalt  }
0x5a: {  	_ =	shalt  }
0x5b: {  	_ =	shalt  }
0x5c: {  	_ =	shalt  }
0x5d: {  	_ =	shalt  }
0x5e: {  	_ =	shalt  }
0x5f: {  	_ =	shalt  }
0x60: {  	_ =	shalt  }
0x61: {  	_ =	shalt  }
0x62: {  	_ =	shalt  }
0x63: {  	_ =	shalt  }
0x64: {  	_ =	shalt  }
0x65: {  	_ =	shalt  }
0x66: {  	_ =	shalt  }
0x67: {  	_ =	shalt  }
0x68: {  	_ =	shalt  }
0x69: {  	_ =	shalt  }
0x6a: {  	_ =	shalt  }
0x6b: {  	_ =	shalt  }
0x6c: {  	_ =	shalt  }
0x6d: {  	_ =	shalt  }
0x6e: {  	_ =	shalt  }
0x6f: {  	_ =	shalt  }
0x70: {  	_ =	shalt  }
0x71: {  	_ =	shalt  }
0x72: {  	_ =	shalt  }
0x73: {  	_ =	shalt  }
0x74: {  	_ =	shalt  }
0x75: {  	_ =	shalt  }
0x76: {  	_ =	shalt  }
0x77: {  	_ =	shalt  }
0x78: {  	_ =	shalt  }
0x79: {  	_ =	shalt  }
0x7a: {  	_ =	shalt  }
0x7b: {  	_ =	shalt  }
0x7c: {  	_ =	shalt  }
0x7d: {  	_ =	shalt  }
0x7e: {  	_ =	shalt  }
0x7f: {  	_ =	shalt  }
0x80: {  	_ =	shalt  }
0x81: {  	_ =	shalt  }
0x82: {  	_ =	shalt  }
0x83: {  	_ =	shalt  }
0x84: {  	_ =	shalt  }
0x85: {  	_ =	shalt  }
0x86: {  	_ =	shalt  }
0x87: {  	_ =	shalt  }
.Lfunc_end0:
.L_simem_size_0:
called_computation_lowered:
.L_overlay_start_0:
0x88: {  	s2 =	sld [smem:$0x3FD9]  }
0x89: {  	s3 =	sld [smem:$0x3FFE];
	_ =	sdelay $0x1  }
0x8a: {  	s1 =	srdreg.scid  }
0x8b: {  	s0 =	sand.u32 $0x1, s1  }
0x8c: {  	s17 =	sshll.u32 s0, $0xA;
	s2 =	sadd.s32 s3, s2  }
0x8d: {  	s2 =	sadd.s32 s2, s17  }
0x8e: {  	[smem:$0x3FC2] =	sst s2  }
0x8f: {  	_ = 	snop  }
0x90: {  	s2 =	sld [smem:$0x3FD0];
	(tm) =	ssettm $0x1  }
0x91: {  	s18 =	sld [smem:$0x3FFB];
	_ =	sdelay $0x3  }
0x92: {  	_ =	strace s18  }
0x93: {  	s3 =	sld [smem:$0x3FFC];
	_ =	sdelay $0x3  }
0x94: {  	_ =	strace s3  }
0x95: {  	s3 =	sld [smem:$0x3FFD];
	_ =	sdelay $0x3  }
0x96: {  	_ =	strace s3  }
0x97: {  	_ =	strace $0x8FFFFFFF  }
0x98: {  	s19 =	sld [smem:$0x3FDB];
	_ =	sdelay $0x1  }
0x99: {  	s4 =	simm.s32 $_scs_section_size  }
0x9a: {  	s5 =	simm.s32 $_size__tile_overlayer_lowered;
	s6 =	simm.s32 $_tile_overlayer_lowered  }
0x9b: {  	s22 =	simm.s32 $0x1BFF;
	s21 =	sshll.u32 s6, $0x1;
	s3 =	sadd.s32 s4, s19  }
0x9c: {  	s7 =	simm.s32 $0x0;
	s20 =	sshll.u32 s5, $0x1;
	s5 =	sadd.s32 s21, s3  }
0x9d: {  	[timem:s7], [sflag:s22] =	dma.local [hbm:s5], s20  }
0x9e: {  	_ =	swait.ge [sflag:s22], s20  }
0x9f: {  	s4 =	ssub.s32 $0x0, s20;
	[sflag:s22] =	ssyncset.done $0x0  }
0xa0: {  	[sflag:s22] =	ssyncadd.s32 s4;
	_ =	sdelay $0x1  }
0xa1: {  	s23 =	simm.s32 $0x1B8B  }
0xa2: {  	_ =	swait.ge [sflag:s23], $0x1  }
0xa3: {  	[sflag:s23] =	ssyncset.done $0x0  }
0xa4: {  	s25 =	simm.s32 $0x1B8E;
	s24 =	sld [smem:$0x3FFE];
	[sflag:s23] =	ssyncadd.s32 $0xFFFFFFFF  }
0xa5: {  	s26 =	simm.s32 $execute0_lowered;
	[smem:$0x3FD2] =	sst s25  }
0xa6: {  	s5 =	sshll.u32 s26, $0x1;
	_ =	strace $0x80000046;
	[dreg:$0x1] =	wrdreg $0xFFFFFFFF  }
0xa7: {  	s28 =	simm.s32 $_size_execute0_lowered;
	s3 =	sadd.s32 s3, s5;
	[dreg:$0x0] =	wrdreg $0x0  }
0xa8: {  	s5 =	sshll.u32 s28, $0x1;
	[dreg:$0x2] =	wrdreg s3  }
0xa9: {  	[dreg:$0x3] =	wrdreg s5  }
0xaa: {  	[dreg:$0x4] =	wrdreg $0xC0  }
0xab: {  	_ =	task [dreg:s7], $0x5FFFF  }
0xac: {  	[dreg:$0x1] =	wrdreg $0xFFFFFFFF  }
0xad: {  	[dreg:$0x0] =	wrdreg $0x60  }
0xae: {  	[dreg:$0x2] =	wrdreg s2  }
0xaf: {  	[dreg:$0x3] =	wrdreg s24  }
0xb0: {  	[dreg:$0x4] =	wrdreg $0x9  }
0xb1: {  	_ =	task.clear_ibuf [dreg:s7], $0x5FFFF;
	_ =	strace $0x90000046  }
0xb2: {  	s29 =	simm.s32 $0x9;
	_ =	strace $0x80000048  }
0xb3: {  	_ =	swait.ge [sflag:s29], $0x1  }
0xb4: {  	[sflag:s29] =	ssyncadd.s32 $0xFFFFFFFF  }
0xb5: {  	_ =	strace $0x90000048  }
0xb6: {  	_ =	sfence  }
0xb7: {  	s30 =	sld [smem:$0x0];
	_ =	sdelay $0x2  }
0xb8: {  	s31 =	sshll.u32 s1, $0xD;
	s1 =	sshrl.u32 s1, $0x2  }
0xb9: {  	s3 =	sand.u32 $0x4000, s31;
	s1 =	sadd.s32 s1, s30  }
0xba: {  	s0 =	sor.u32 s3, s0;
	s1 =	sshll.u32 s1, $0x11  }
0xbb: {  	s0 =	sor.u32 s1, s0  }
0xbc: {  	s0 =	sadd.s32 $0x8F2B, s0  }
0xbd: {  	[sflag:s0] =	ssyncadd.remote.s32 $0x1  }
0xbe: {  	_ =	sfence.sel $0xFFFF  }
0xbf: {  	[dreg:$0x0] =	wrdreg $0xFFFFFFFF;
	(pc) =	sbr.abs _section_cstart, $3  }
0xc0: {  	[dreg:$0x1] =	wrdreg $0xFFFFFFFF  }
0xc1: {  	_ =	task.clear_ibuf [dreg:s7], $0x2FFFF;
	_ =	strace $0x9FFFFFFF  }
0xc2: {  	(tm) =	ssettm $0x7FFFFFFF  }
0xc3: {  	_ =	shalt  }
tec
execute0_lowered:
.L_overlay_start_1:
0x0: {  	(tag) =	ssettag $0x1  }
0x1: {  	s3 =	rddreg [dreg:$0x0];
	s1 =	srdreg.scid  }
0x2: {  	s0 =	stileid.u32;
	s6 =	rddreg [dreg:$0x1];
	s9 =	simm.s32 $0x80  }
0x3: {  	s10 =	simm.s32 $0x400;
	s11 =	simm.s32 $0x1;
	s12 =	simm.s32 $0x2780  }
0x4: {  	s13 =	simm.s32 $0x7680;
	s14 =	simm.s32 $0x9E00;
	s15 =	simm.s32 $0x4F00  }
0x5: {  	s4 =	sand.u32 $0x1, s1;
	s28 =	sshrl.u32 s0, $0x2;
	s2 =	sshll.u32 s0, $0x8  }
0x6: {  	s5 =	smul.u32 $0x13C00, s28;
	s29 =	sshll.u32 s4, $0x7;
	s2 =	sand.u32 $0x300, s2  }
0x7: {  	s16 =	simm.s32 $0x0;
	s1 =	rddreg [dreg:$0x2];
	s7 =	sor.u32 s29, s2  }
0x8: {  	s4 =	ssub.s32 $0x2, s4;
	s2 =	simm.s32 $0x0;
	s5 =	sor.u32 s5, s7  }
0x9: {  	s31 =	sshrl.u32 s4, $0x1;
	[smem:$0x7FF] =	sst s2;
	s5 =	sshrl.u32 s5, $0x3  }
0xa: {  	s8 =	ssub.s32 s4, s31;
	_ =	strace $0x80000047;
	s30 =	sadd.s32 s5, s6  }
0xb: {  	s8 =	smax.u32 s8, $0x1;
	s3 =	sadd.s32 s3, s5;
	s4 =	sadd.s32 $0xC000, s30  }
0xc: {  	v0 =	vimm.f32 $0.0e+00;
	v1 =	vimm.f32 $1.000000000e+00;
	s5 =	sadd.s32 $0x15E00, s30;
	s6 =	sadd.s32 $0x1FC00, s30;
	s7 =	sadd.s32 $0x29A00, s30  }
.LBB2_1:
0xd: {  	[tilespmem:s2], [sflag:$0x1] =	stream.strided.gather [hbm4b:s3+s9], $0x2780, s10, s9, $0x38;
	[tilespmem:$0xC580] =	vst v63  }
0xe: {  	_ =	swait.ge [sflag:s11], $0x2780  }
0xf: {  	[sflag:s11] =	ssyncset.done $0x0  }
0x10: {  	[sflag:s11] =	ssyncadd.s32 $0xFFFFD880  }
0x11: {  	[tilespmem:s12], [sflag:$0x1] =	stream.strided.gather [hbm4b:s4+s9], $0x2780, s10, s9, $0x38;
	[tilespmem:$0xC580] =	vst v63  }
0x12: {  	_ =	swait.ge [sflag:s11], $0x2780  }
0x13: {  	[sflag:s11] =	ssyncset.done $0x0  }
0x14: {  	s17 =	simm.s32 $0x0;
	[sflag:s11] =	ssyncadd.s32 $0xFFFFD880  }
.LBB2_2:
0x15: {  	p0 =	sne.s32 s17, $0x9C00  }
.Ltmp0:
0x16: {  	_ = 	snop;
	(pc) =	sbr.rel @p0 .LBB2_2-.Ltmp0, $4  }
0x17: {  	_ = 	snop  }
0x18: {  	s18 =	sshra.s32 s17, $0x2  }
0x19: {  	[tilespmem:s18+$0x7680] =	vst v0  }
0x1a: {  	s17 =	sadd.s32 $0x40, s17;
	[tilespmem:s18+$0x9E00] =	vst v0  }
0x1b: {  	s17 =	simm.s32 $0x0  }
0x1c: {  	v2 =	vld [tilespmem:s17+$0x2780]  }
0x1d: {  	v3 =	vld [tilespmem:s17+$0x0]  }
0x1e: {  	s18 =	simm.s32 $0x40  }
.LBB2_4:
0x1f: {  	p0 =	sne.s32 s18, $0x9C00;
	_ =	sdelay $0x2  }
0x20: {  	vm0 =	vne.s32 v3, v2;
	_ =	sdelay $0x5  }
.Ltmp1:
0x21: {  	[tilespmem:v3+s13+$0x0] =	vst.idx.add.f32.msk vm0, v1;
	(pc) =	sbr.rel @p0 .LBB2_4-.Ltmp1, $4  }
0x22: {  	s19 =	sshra.s32 s18, $0x2;
	v3 =	vnsel vm0, $0x2710, v2;
	[tilespmem:v2+s14+$0x0] =	vst.idx.add.f32.msk vm0, v1  }
0x23: {  	v2 =	vld [tilespmem:s19+$0x2780];
	[tilespmem:s17+$0x4F00] =	vst v3;
	s17 =	smov.u32 s19  }
0x24: {  	v3 =	vld [tilespmem:s17+$0x0]  }
0x25: {  	s18 =	sadd.s32 $0x40, s18  }
0x26: {  	_ =	sdelay $0x2  }
0x27: {  	vm0 =	vne.s32 v3, v2;
	_ =	sdelay $0x5  }
0x28: {  	[tilespmem:v3+s13+$0x0] =	vst.idx.add.f32.msk vm0, v1  }
0x29: {  	[tilespmem:v2+s14+$0x0] =	vst.idx.add.f32.msk vm0, v1;
	v2 =	vnsel vm0, $0x2710, v2  }
0x2a: {  	[tilespmem:s17+$0x4F00] =	vst v2  }
0x2b: {  	[hbm4b:s5+s9] =	stream.strided.scatter [tilespmem:s13], [sflag:$0x1], $0x2780, s10, s9, $0x38;
	[tilespmem:$0xC580] =	vst v63  }
0x2c: {  	_ =	swait.ge [sflag:s11], $0x2780  }
0x2d: {  	[sflag:s11] =	ssyncset.done $0x0  }
0x2e: {  	[sflag:s11] =	ssyncadd.s32 $0xFFFFD880  }
0x2f: {  	[hbm4b:s6+s9] =	stream.strided.scatter [tilespmem:s14], [sflag:$0x1], $0x2780, s10, s9, $0x38;
	[tilespmem:$0xC580] =	vst v63  }
0x30: {  	s16 =	sadd.s32 $0x1, s16;
	_ =	swait.ge [sflag:s11], $0x2780  }
0x31: {  	p0 =	sne.s32 s16, s8;
	[sflag:s11] =	ssyncset.done $0x0  }
.Ltmp2:
0x32: {  	[sflag:s11] =	ssyncadd.s32 $0xFFFFD880;
	(pc) =	sbr.rel @p0 .LBB2_1-.Ltmp2, $4  }
0x33: {  	[hbm4b:s7+s9] =	stream.strided.scatter [tilespmem:s15], [sflag:$0x1], $0x2780, s10, s9, $0x38;
	[tilespmem:$0xC580] =	vst v63  }
0x34: {  	_ =	swait.ge [sflag:s11], $0x2780  }
0x35: {  	[sflag:s11] =	ssyncset.done $0x0  }
0x36: {  	[sflag:s11] =	ssyncadd.s32 $0xFFFFD880  }
0x37: {  	_ =	sfence.sel $0x180000  }
0x38: {  	[bflag:$0x0] =	sbarrier.arrive $0xFFFF  }
0x39: {  	p0 =	sne.s32 s0, $0x0;
	_ =	strace $0x90000047  }
0x3a: {  	s0 =	sadd.s32 @!p0 $0x100000, s1;
	[bflag:$0x2] =	sbarrier.arrive $0xFFFF  }
0x3b: {  	[sflag:s0] =	ssyncadd.tile.s32 @!p0 $0x1;
	_ =	shalt  }
.Lfunc_end2:
_tile_overlayer_lowered:
.L_overlay_start_2:
0x3c: {  	(tag) =	ssettag $0x2  }
0x3d: {  	s0 =	rddreg [dreg:$0x0];
	s2 =	stileid.u32  }
0x3e: {  	s1 =	rddreg [dreg:$0x1];
	p0 =	sne.s32 s2, $0x0  }
0x3f: {  	s3 =	rddreg [dreg:$0x2];
	[bflag:$0x3] =	sbarrier.arrive $0xFFFF;
	s2 =	simm.s32 @!p0 $0x1C01  }
0x40: {  	[timem:s3], [sflag:s2] =	dma.local @!p0 [hbm:s0], s1  }
0x41: {  	s0 =	simm.s32 @!p0 $0x1  }
0x42: {  	_ =	swait.ge @!p0 [sflag:s0], s1  }
0x43: {  	s1 =	ssub.s32 @!p0 $0x0, s1;
	[sflag:s0] =	ssyncset.done @!p0 $0x0  }
0x44: {  	[sflag:s0] =	ssyncadd.s32 @!p0 s1  }
0x45: {  	[bflag:$0x3] =	sbarrier.arrive $0xFFFF  }
0x46: {  	_ =	shalt  }

</sc_bundles>
